<compile_context>
chip_gen: v7x
topology: tpu7x:2x2x1
jax: 0.10.2.dev20260603
libtpu: 0.0.44.dev20260713+nightly
codegen_flags: <defaults>
</compile_context>

<pallas_src>
import functools

import jax
import jax.numpy as jnp
from jax import lax
from jax.experimental import pallas as pl
from jax.experimental.pallas import tpu as pltpu
from jax.experimental.pallas import tpu_sc as plsc

B, C, H, W = 4, 3, 224, 224
K2 = 25
HW = H * W
NW = 32
ROWS_PER = H // NW
SLAB = ROWS_PER * W
GROUPS = W // 16
H_P, W_P = 231, 232
PHW = H_P * W_P
A = -0.75


def _cubic_coeffs(t):
    u = 1.0 - t
    c0 = (A * t) * u * u
    c3 = (A * u) * t * t
    c1 = u * ((1.0 + t) - (1.25 * t) * t)
    c2 = t * ((1.0 + u) - (1.25 * u) * u)
    return (c0, c1, c2, c3)


def _sc_body(pk_hbm, c2_hbm, off_hbm, wt_hbm, out_hbm,
             pk_v, c2_v, dx_v, dy_v, wt_v, acc_v, sems):
    cid = lax.axis_index("c")
    sid = lax.axis_index("s")
    wid = sid * 2 + cid
    bat = wid // 8
    sub = wid % 8

    pltpu.sync_copy(pk_hbm.at[pl.ds(bat * PHW, PHW)], pk_v)
    pltpu.sync_copy(c2_hbm.at[pl.ds(bat * PHW, PHW)], c2_v)

    zeros16 = jnp.zeros((16,), jnp.float32)

    def issue(k, base, buf):
        off_base = (bat * 2 * K2 + 2 * k) * HW + base
        wt_base = (bat * K2 + k) * HW + base
        pltpu.async_copy(off_hbm.at[pl.ds(off_base, SLAB)], dx_v.at[pl.ds(buf * SLAB, SLAB)], sems.at[buf])
        pltpu.async_copy(off_hbm.at[pl.ds(off_base + HW, SLAB)], dy_v.at[pl.ds(buf * SLAB, SLAB)], sems.at[buf])
        pltpu.async_copy(wt_hbm.at[pl.ds(wt_base, SLAB)], wt_v.at[pl.ds(buf * SLAB, SLAB)], sems.at[buf])

    def drain(base, buf):
        off0 = bat * 2 * K2 * HW + base
        pltpu.make_async_copy(off_hbm.at[pl.ds(off0, SLAB)], dx_v.at[pl.ds(buf * SLAB, SLAB)], sems.at[buf]).wait()
        pltpu.make_async_copy(off_hbm.at[pl.ds(off0, SLAB)], dy_v.at[pl.ds(buf * SLAB, SLAB)], sems.at[buf]).wait()
        pltpu.make_async_copy(off_hbm.at[pl.ds(off0, SLAB)], wt_v.at[pl.ds(buf * SLAB, SLAB)], sems.at[buf]).wait()

    def compute(row0, buf):
        def row_body(r, _):
            yf = (row0 + r).astype(jnp.float32)

            @plsc.parallel_loop(0, GROUPS, unroll=2)
            def g_body(g):
                pos = r * W + g * 16
                xi = lax.broadcasted_iota(jnp.int32, (16,), 0) + g * 16
                xf = xi.astype(jnp.float32)
                dx = dx_v[pl.ds(buf * SLAB + pos, 16)]
                dy = dy_v[pl.ds(buf * SLAB + pos, 16)]
                wt = wt_v[pl.ds(buf * SLAB + pos, 16)]
                sx4 = jnp.clip((xf + 4.0) + dx, 2.0, float(W + 5))
                sy4 = jnp.clip((yf + 4.0) + dy, 2.0, float(H + 5))
                ix0p = sx4.astype(jnp.int32)
                iy0p = sy4.astype(jnp.int32)
                tx = sx4 - ix0p.astype(jnp.float32)
                ty = sy4 - iy0p.astype(jnp.float32)
                addr00 = (iy0p - 2) * W_P + (ix0p - 2)
                cx = _cubic_coeffs(tx)
                cy = _cubic_coeffs(ty)
                cxp = [plsc.pack(c, c, format=plsc.PackFormat.INTERLEAVED)
                       for c in cx]
                cyp = [plsc.pack(c, c, format=plsc.PackFormat.INTERLEAVED)
                       for c in cy]
                s01 = jnp.zeros((32,), jnp.bfloat16)
                s2 = jnp.zeros((16,), jnp.float32)
                for i in range(4):
                    r01 = jnp.zeros((32,), jnp.bfloat16)
                    r2 = jnp.zeros((16,), jnp.float32)
                    for j in range(4):
                        addr = addr00 + (i * W_P + j)
                        p = plsc.load_gather(pk_v, [addr])
                        v2 = plsc.load_gather(c2_v, [addr])
                        v01 = plsc.bitcast(p, jnp.bfloat16)
                        r01 = r01 + cxp[j] * v01
                        r2 = r2 + cx[j] * v2
                    s01 = s01 + cyp[i] * r01
                    s2 = s2 + cy[i] * r2
                f0, f1 = plsc.unpack(s01, format=plsc.PackFormat.INTERLEAVED)
                plsc.addupdate(acc_v.at[pl.ds(pos, 16)], wt * f0)
                plsc.addupdate(acc_v.at[pl.ds(SLAB + pos, 16)], wt * f1)
                plsc.addupdate(acc_v.at[pl.ds(2 * SLAB + pos, 16)], wt * s2)

            return ()

        lax.fori_loop(0, ROWS_PER, row_body, ())

    def chunk_body(ch, _):
        row0 = sub * (4 * ROWS_PER) + ch * ROWS_PER
        base = row0 * W

        def zero_body(i, _):
            acc_v[pl.ds(i * 16, 16)] = zeros16
            return ()

        lax.fori_loop(0, 3 * SLAB // 16, zero_body, ())

        issue(0, base, 0)

        def k_body(kk, _):
            k0 = 2 * kk
            k1 = 2 * kk + 1
            drain(base, 0)
            issue(jnp.minimum(k1, K2 - 1), base, 1)
            compute(row0, 0)
            drain(base, 1)
            issue(jnp.minimum(k1 + 1, K2 - 1), base, 0)

            @pl.when(k1 < K2)
            def _():
                compute(row0, 1)
            return ()

        lax.fori_loop(0, (K2 + 1) // 2, k_body, ())
        drain(base, 0)

        for c in range(C):
            pltpu.sync_copy(acc_v.at[pl.ds(c * SLAB, SLAB)],
                            out_hbm.at[pl.ds((bat * C + c) * HW + base, SLAB)])
        return ()

    lax.fori_loop(0, 4, chunk_body, ())


_mesh = plsc.VectorSubcoreMesh(core_axis_name="c", subcore_axis_name="s")

_sc_kernel = functools.partial(
    pl.kernel,
    out_type=jax.ShapeDtypeStruct((B * C * HW,), jnp.float32),
    mesh=_mesh,
    scratch_types=[
        pltpu.VMEM((PHW,), jnp.int32),
        pltpu.VMEM((PHW,), jnp.float32),
        pltpu.VMEM((2 * SLAB,), jnp.float32),
        pltpu.VMEM((2 * SLAB,), jnp.float32),
        pltpu.VMEM((2 * SLAB,), jnp.float32),
        pltpu.VMEM((3 * SLAB,), jnp.float32),
        pltpu.SemaphoreType.DMA((2,)),
    ],
    compiler_params=pltpu.CompilerParams(needs_layout_passes=False),
)(_sc_body)


def kernel(image, offsets, weights):
    imgp = jnp.pad(image, ((0, 0), (0, 0), (3, 4), (3, 5)), mode="edge")
    ubf = lax.bitcast_convert_type(imgp.astype(jnp.bfloat16), jnp.uint16)
    ubf = ubf.astype(jnp.uint32)
    packed = lax.bitcast_convert_type(
        ubf[:, 0] | (ubf[:, 1] << 16), jnp.int32).reshape(B * PHW)
    c2 = imgp[:, 2].reshape(B * PHW)
    off = offsets.reshape(B * 2 * K2 * HW)
    wt = weights.reshape(B * K2 * HW)
    out = _sc_kernel(packed, c2, off, wt)
    return out.reshape(B, C, H, W)

# --- scband reference (transcript-rebuilt; emitter-appended) ---
"""Pipeline reference for scband-vectorized-ada-co-fsampler-58703613002437 (READ-ONLY COPY).

The authoritative reference and input builder live on the scoring server;
editing this copy changes nothing except your own understanding.
"""

import jax, jax.numpy as jnp
import numpy as np

A = -0.75

def _cubic_coeffs(t):
    # PyTorch bicubic convolution coefficients (a = -0.75)
    x1 = t + 1.0
    x2 = t
    x3 = 1.0 - t
    x4 = 2.0 - t
    c0 = ((A * x1 - 5.0 * A) * x1 + 8.0 * A) * x1 - 4.0 * A
    c1 = ((A + 2.0) * x2 - (A + 3.0)) * x2 * x2 + 1.0
    c2 = ((A + 2.0) * x3 - (A + 3.0)) * x3 * x3 + 1.0
    c3 = ((A * x4 - 5.0 * A) * x4 + 8.0 * A) * x4 - 4.0 * A
    return (c0, c1, c2, c3)

def _grid_sample_bicubic_border(img, grid):
    # img: (N, C, H, W), grid: (N, H, W, 2) normalized coords, align_corners=True,
    # mode='bicubic', padding_mode='border' (per-tap clamp, matching PyTorch).
    n, c, hh, ww = img.shape
    gx = grid[..., 0]
    gy = grid[..., 1]
    ix = (gx + 1.0) * 0.5 * (ww - 1)
    iy = (gy + 1.0) * 0.5 * (hh - 1)
    ix0 = jnp.floor(ix)
    iy0 = jnp.floor(iy)
    tx = ix - ix0
    ty = iy - iy0
    wxs = _cubic_coeffs(tx)
    wys = _cubic_coeffs(ty)
    bidx = jnp.arange(n)[:, None, None]
    out = jnp.zeros((n, hh, ww, c), dtype=img.dtype)
    for i in range(4):
        y_idx = jnp.clip(iy0 + (i - 1), 0, hh - 1).astype(jnp.int32)
        for j in range(4):
            x_idx = jnp.clip(ix0 + (j - 1), 0, ww - 1).astype(jnp.int32)
            vals = img[bidx, :, y_idx, x_idx]  # (N, H, W, C) gather
            out = out + (wys[i] * wxs[j])[..., None] * vals
    return jnp.transpose(out, (0, 3, 1, 2))

def setup_inputs(seed: int = 0) -> dict:
    key = jax.random.key(seed)
    k1, k2, k3 = jax.random.split(key, 3)
    b, c, h, w = 4, 3, 224, 224
    ks = 5
    image = jax.random.normal(k1, (b, c, h, w), dtype=jnp.float32)
    offsets = jax.random.normal(k2, (b, 2 * ks * ks, h, w), dtype=jnp.float32)
    weights = jax.random.normal(k3, (b, ks * ks, h, w), dtype=jnp.float32)
    return {"image": image, "offsets": offsets, "weights": weights}

def reference(image, offsets, weights):
    kernel_size = 5
    b, c, h, w = image.shape
    k2 = kernel_size * kernel_size
    y = jnp.arange(h, dtype=jnp.float32)
    x = jnp.arange(w, dtype=jnp.float32)
    grid_y, grid_x = jnp.meshgrid(y, x, indexing='ij')
    grid_x = grid_x[None, None]
    grid_y = grid_y[None, None]
    dx = offsets[:, 0::2]
    dy = offsets[:, 1::2]
    sample_x = grid_x + dx
    sample_y = grid_y + dy
    sxn = 2.0 * sample_x / (w - 1) - 1.0
    syn = 2.0 * sample_y / (h - 1) - 1.0
    grid = jnp.stack([sxn, syn], axis=-1).reshape(b * k2, h, w, 2)
    image_rep = jnp.broadcast_to(image[:, None], (b, k2, c, h, w)).reshape(b * k2, c, h, w)
    sampled = _grid_sample_bicubic_border(image_rep, grid)
    sampled = sampled.reshape(b, k2, c, h, w)
    output = (weights[:, :, None] * sampled).sum(axis=1)
    return output

if __name__ == "__main__":
    import jax
    _d = setup_inputs()
    print(jax.jit(kernel)(*tuple(_d.values())))

</pallas_src>

<mosaic_0001>
#map = affine_map<(d0, d1) -> (0)>
module attributes {stable_mosaic.version = 14 : i64} {
  func.func @_sc_body(%arg0: i32, %arg1: i32, %arg2: memref<214368xi32, #tpu.memory_space<hbm>>, %arg3: memref<214368xf32, #tpu.memory_space<hbm>>, %arg4: memref<10035200xf32, #tpu.memory_space<hbm>>, %arg5: memref<5017600xf32, #tpu.memory_space<hbm>>, %arg6: memref<602112xf32, #tpu.memory_space<hbm>>, %arg7: memref<53592xi32, #tpu.memory_space<vmem>>, %arg8: memref<53592xf32, #tpu.memory_space<vmem>>, %arg9: memref<3136xf32, #tpu.memory_space<vmem>>, %arg10: memref<3136xf32, #tpu.memory_space<vmem>>, %arg11: memref<3136xf32, #tpu.memory_space<vmem>>, %arg12: memref<4704xf32, #tpu.memory_space<vmem>>, %arg13: memref<2x!tpu.dma_semaphore, #tpu.memory_space<semaphore_mem>>) attributes {dimension_semantics = [#tpu.dimension_semantics<core_parallel>, #tpu.dimension_semantics<subcore_parallel>], iteration_bounds = array<i64: 2, 16>, scalar_prefetch = 0 : i64, scratch_operands = 7 : i64, tpu.core_type = #tpu.core_type<sc_vector_subcore>, window_params = [{transform_indices = #map}, {transform_indices = #map}, {transform_indices = #map}, {transform_indices = #map}, {transform_indices = #map}]} {
    %mul3A = arith.constant 2 : i32
    %mul3A_0 = arith.muli %arg1, %mul3A : i32
    %add3A = arith.addi %mul3A_0, %arg0 : i32
    %jit3A = arith.constant 8 : i32
    %div3A = arith.divsi %add3A, %jit3A : i32
    %sign3A = arith.constant 0 : i32
    %sign3A_1 = arith.cmpi sgt, %add3A, %sign3A : i32
    %sign3A_2 = arith.extui %sign3A_1 : i1 to i32
    %sign3A_3 = arith.constant 0 : i32
    %sign3A_4 = arith.cmpi slt, %add3A, %sign3A_3 : i32
    %sign3A_5 = arith.extui %sign3A_4 : i1 to i32
    %sign3A_6 = arith.subi %sign3A_2, %sign3A_5 : i32
    %sign3A_7 = arith.constant 0 : i32
    %sign3A_8 = arith.cmpi sgt, %jit3A, %sign3A_7 : i32
    %sign3A_9 = arith.extui %sign3A_8 : i1 to i32
    %sign3A_10 = arith.constant 0 : i32
    %sign3A_11 = arith.cmpi slt, %jit3A, %sign3A_10 : i32
    %sign3A_12 = arith.extui %sign3A_11 : i1 to i32
    %sign3A_13 = arith.subi %sign3A_9, %sign3A_12 : i32
    %ne3A = arith.cmpi ne, %sign3A_6, %sign3A_13 : i32
    %rem3A = arith.remsi %add3A, %jit3A : i32
    %ne3A_14 = arith.constant 0 : i32
    %ne3A_15 = arith.cmpi ne, %rem3A, %ne3A_14 : i32
    %and3A = arith.andi %ne3A, %ne3A_15 : i1
    %sub3A = arith.constant 1 : i32
    %sub3A_16 = arith.subi %div3A, %sub3A : i32
    %select_n3A = arith.select %and3A, %sub3A_16, %div3A : i32
    %jit3A_17 = arith.constant 8 : i32
    %eq3A = arith.constant 0 : i32
    %eq3A_18 = arith.cmpi eq, %jit3A_17, %eq3A : i32
    %jit3A_19 = arith.constant 1 : i32
    %select_n3A_20 = arith.select %eq3A_18, %jit3A_19, %jit3A_17 : i32
    %rem3A_21 = arith.remsi %add3A, %select_n3A_20 : i32
    %ne3A_22 = arith.constant 0 : i32
    %ne3A_23 = arith.cmpi ne, %rem3A_21, %ne3A_22 : i32
    %lt3A = arith.constant 0 : i32
    %lt3A_24 = arith.cmpi slt, %rem3A_21, %lt3A : i32
    %lt3A_25 = arith.constant 0 : i32
    %lt3A_26 = arith.cmpi slt, %select_n3A_20, %lt3A_25 : i32
    %ne3A_27 = arith.xori %lt3A_24, %lt3A_26 : i1
    %and3A_28 = arith.andi %ne3A_27, %ne3A_23 : i1
    %add3A_29 = arith.addi %rem3A_21, %select_n3A_20 : i32
    %select_n3A_30 = arith.select %and3A_28, %add3A_29, %rem3A_21 : i32
    %mul3A_31 = arith.constant 53592 : i32
    %mul3A_32 = arith.muli %select_n3A, %mul3A_31 : i32
    "tpu.region"() ({
      %run_scoped3A = tpu.sem_alloc : memref<!tpu.dma_semaphore, #tpu.memory_space<semaphore_mem>>
      %dma_start3A = tpu.memref_slice %arg2[%mul3A_32] : memref<214368xi32, #tpu.memory_space<hbm>> -> memref<53592xi32, #tpu.memory_space<hbm>>
      %dma_start3A_40 = tpu.memref_slice %arg2[%mul3A_32] : memref<214368xi32, #tpu.memory_space<hbm>> -> memref<53592xi32, #tpu.memory_space<hbm>>
      tpu.enqueue_dma source(%dma_start3A_40 : memref<53592xi32, #tpu.memory_space<hbm>>) target(%arg7 : memref<53592xi32, #tpu.memory_space<vmem>>) target_semaphore(%run_scoped3A : memref<!tpu.dma_semaphore, #tpu.memory_space<semaphore_mem>>)
      %dma_wait3A = tpu.memref_slice %arg2[%mul3A_32] : memref<214368xi32, #tpu.memory_space<hbm>> -> memref<53592xi32, #tpu.memory_space<hbm>>
      %dma_wait3A_41 = tpu.memref_slice %arg2[%mul3A_32] : memref<214368xi32, #tpu.memory_space<hbm>> -> memref<53592xi32, #tpu.memory_space<hbm>>
      tpu.wait_dma2 semaphore(%run_scoped3A : memref<!tpu.dma_semaphore, #tpu.memory_space<semaphore_mem>>) src(%dma_wait3A_41 : memref<53592xi32, #tpu.memory_space<hbm>>) dst(%arg7 : memref<53592xi32, #tpu.memory_space<vmem>>)
      tpu.yield
    }) : () -> ()
    %mul3A_33 = arith.constant 53592 : i32
    %mul3A_34 = arith.muli %select_n3A, %mul3A_33 : i32
    "tpu.region"() ({
      %run_scoped3A = tpu.sem_alloc : memref<!tpu.dma_semaphore, #tpu.memory_space<semaphore_mem>>
      %dma_start3A = tpu.memref_slice %arg3[%mul3A_34] : memref<214368xf32, #tpu.memory_space<hbm>> -> memref<53592xf32, #tpu.memory_space<hbm>>
      %dma_start3A_40 = tpu.memref_slice %arg3[%mul3A_34] : memref<214368xf32, #tpu.memory_space<hbm>> -> memref<53592xf32, #tpu.memory_space<hbm>>
      tpu.enqueue_dma source(%dma_start3A_40 : memref<53592xf32, #tpu.memory_space<hbm>>) target(%arg8 : memref<53592xf32, #tpu.memory_space<vmem>>) target_semaphore(%run_scoped3A : memref<!tpu.dma_semaphore, #tpu.memory_space<semaphore_mem>>)
      %dma_wait3A = tpu.memref_slice %arg3[%mul3A_34] : memref<214368xf32, #tpu.memory_space<hbm>> -> memref<53592xf32, #tpu.memory_space<hbm>>
      %dma_wait3A_41 = tpu.memref_slice %arg3[%mul3A_34] : memref<214368xf32, #tpu.memory_space<hbm>> -> memref<53592xf32, #tpu.memory_space<hbm>>
      tpu.wait_dma2 semaphore(%run_scoped3A : memref<!tpu.dma_semaphore, #tpu.memory_space<semaphore_mem>>) src(%dma_wait3A_41 : memref<53592xf32, #tpu.memory_space<hbm>>) dst(%arg8 : memref<53592xf32, #tpu.memory_space<vmem>>)
      tpu.yield
    }) : () -> ()
    %broadcast_in_dim3A = arith.constant 0.000000e+00 : f32
    %broadcast_in_dim3A_35 = vector.broadcast %broadcast_in_dim3A : f32 to vector<16xf32>
    %scan3A = arith.constant 0 : i32
    %scan3A_36 = arith.constant 4 : i32
    %scan3A_37 = arith.addi %scan3A, %scan3A_36 : i32
    %scan3A_38 = arith.constant 1 : i32
    scf.for %scan3A_40 = %scan3A to %scan3A_37 step %scan3A_38  : i32 {
      %mul3A_41 = arith.constant 28 : i32
      %mul3A_42 = arith.muli %select_n3A_30, %mul3A_41 : i32
      %mul3A_43 = arith.constant 7 : i32
      %mul3A_44 = arith.muli %scan3A_40, %mul3A_43 : i32
      %add3A_45 = arith.addi %mul3A_42, %mul3A_44 : i32
      %mul3A_46 = arith.constant 224 : i32
      %mul3A_47 = arith.muli %add3A_45, %mul3A_46 : i32
      %scan3A_48 = arith.constant 0 : i32
      %scan3A_49 = arith.constant 294 : i32
      %scan3A_50 = arith.addi %scan3A_48, %scan3A_49 : i32
      %scan3A_51 = arith.constant 1 : i32
      scf.for %scan3A_156 = %scan3A_48 to %scan3A_50 step %scan3A_51  : i32 {
        %mul3A_157 = arith.constant 16 : i32
        %mul3A_158 = arith.muli %scan3A_156, %mul3A_157 : i32
        %swap3A = arith.index_cast %mul3A_158 : i32 to index
        %swap3A_159 = tpu.vector_load %arg12[%swap3A] {strides = array<i32>} : memref<4704xf32, #tpu.memory_space<vmem>>, vector<16xf32>,
        tpu.vector_store %arg12[%swap3A], %broadcast_in_dim3A_35 {strides = array<i32>} : memref<4704xf32, #tpu.memory_space<vmem>>, vector<16xf32>,
      }
      %scan3A_52 = arith.constant 294 : i32
      %mul3A_53 = arith.constant 2 : i32
      %mul3A_54 = arith.muli %select_n3A, %mul3A_53 : i32
      %mul3A_55 = arith.constant 25 : i32
      %mul3A_56 = arith.muli %mul3A_54, %mul3A_55 : i32
      %add3A_57 = arith.constant 0 : i32
      %add3A_58 = arith.addi %mul3A_56, %add3A_57 : i32
      %mul3A_59 = arith.constant 50176 : i32
      %mul3A_60 = arith.muli %add3A_58, %mul3A_59 : i32
      %add3A_61 = arith.addi %mul3A_60, %mul3A_47 : i32
      %mul3A_62 = arith.constant 25 : i32
      %mul3A_63 = arith.muli %select_n3A, %mul3A_62 : i32
      %add3A_64 = arith.constant 0 : i32
      %add3A_65 = arith.addi %mul3A_63, %add3A_64 : i32
      %mul3A_66 = arith.constant 50176 : i32
      %mul3A_67 = arith.muli %add3A_65, %mul3A_66 : i32
      %add3A_68 = arith.addi %mul3A_67, %mul3A_47 : i32
      %dma_start3A = arith.constant 0 : i32
      %dma_start3A_69 = arith.constant 0 : i32
      %dma_start3A_70 = tpu.memref_slice %arg9[%dma_start3A_69] : memref<3136xf32, #tpu.memory_space<vmem>> -> memref<1568xf32, #tpu.memory_space<vmem>>
      %dma_start3A_71 = tpu.memref_slice %arg4[%add3A_61] : memref<10035200xf32, #tpu.memory_space<hbm>> -> memref<1568xf32, #tpu.memory_space<hbm>>
      %dma_start3A_72 = tpu.memref_slice %arg13[%dma_start3A] : memref<2x!tpu.dma_semaphore, #tpu.memory_space<semaphore_mem>> -> memref<1x!tpu.dma_semaphore, #tpu.memory_space<semaphore_mem>>
      %dma_start3A_73 = tpu.memref_squeeze %dma_start3A_72 : memref<1x!tpu.dma_semaphore, #tpu.memory_space<semaphore_mem>> -> memref<!tpu.dma_semaphore, #tpu.memory_space<semaphore_mem>>
      %dma_start3A_74 = arith.constant 0 : i32
      %dma_start3A_75 = tpu.memref_slice %arg9[%dma_start3A_74] : memref<3136xf32, #tpu.memory_space<vmem>> -> memref<1568xf32, #tpu.memory_space<vmem>>
      %dma_start3A_76 = tpu.memref_slice %arg4[%add3A_61] : memref<10035200xf32, #tpu.memory_space<hbm>> -> memref<1568xf32, #tpu.memory_space<hbm>>
      tpu.enqueue_dma source(%dma_start3A_76 : memref<1568xf32, #tpu.memory_space<hbm>>) target(%dma_start3A_75 : memref<1568xf32, #tpu.memory_space<vmem>>) target_semaphore(%dma_start3A_73 : memref<!tpu.dma_semaphore, #tpu.memory_space<semaphore_mem>>)
      %add3A_77 = arith.constant 50176 : i32
      %add3A_78 = arith.addi %add3A_61, %add3A_77 : i32
      %dma_start3A_79 = arith.constant 0 : i32
      %dma_start3A_80 = arith.constant 0 : i32
      %dma_start3A_81 = tpu.memref_slice %arg10[%dma_start3A_80] : memref<3136xf32, #tpu.memory_space<vmem>> -> memref<1568xf32, #tpu.memory_space<vmem>>
      %dma_start3A_82 = tpu.memref_slice %arg4[%add3A_78] : memref<10035200xf32, #tpu.memory_space<hbm>> -> memref<1568xf32, #tpu.memory_space<hbm>>
      %dma_start3A_83 = tpu.memref_slice %arg13[%dma_start3A_79] : memref<2x!tpu.dma_semaphore, #tpu.memory_space<semaphore_mem>> -> memref<1x!tpu.dma_semaphore, #tpu.memory_space<semaphore_mem>>
      %dma_start3A_84 = tpu.memref_squeeze %dma_start3A_83 : memref<1x!tpu.dma_semaphore, #tpu.memory_space<semaphore_mem>> -> memref<!tpu.dma_semaphore, #tpu.memory_space<semaphore_mem>>
      %dma_start3A_85 = arith.constant 0 : i32
      %dma_start3A_86 = tpu.memref_slice %arg10[%dma_start3A_85] : memref<3136xf32, #tpu.memory_space<vmem>> -> memref<1568xf32, #tpu.memory_space<vmem>>
      %dma_start3A_87 = tpu.memref_slice %arg4[%add3A_78] : memref<10035200xf32, #tpu.memory_space<hbm>> -> memref<1568xf32, #tpu.memory_space<hbm>>
      tpu.enqueue_dma source(%dma_start3A_87 : memref<1568xf32, #tpu.memory_space<hbm>>) target(%dma_start3A_86 : memref<1568xf32, #tpu.memory_space<vmem>>) target_semaphore(%dma_start3A_84 : memref<!tpu.dma_semaphore, #tpu.memory_space<semaphore_mem>>)
      %dma_start3A_88 = arith.constant 0 : i32
      %dma_start3A_89 = arith.constant 0 : i32
      %dma_start3A_90 = tpu.memref_slice %arg11[%dma_start3A_89] : memref<3136xf32, #tpu.memory_space<vmem>> -> memref<1568xf32, #tpu.memory_space<vmem>>
      %dma_start3A_91 = tpu.memref_slice %arg5[%add3A_68] : memref<5017600xf32, #tpu.memory_space<hbm>> -> memref<1568xf32, #tpu.memory_space<hbm>>
      %dma_start3A_92 = tpu.memref_slice %arg13[%dma_start3A_88] : memref<2x!tpu.dma_semaphore, #tpu.memory_space<semaphore_mem>> -> memref<1x!tpu.dma_semaphore, #tpu.memory_space<semaphore_mem>>
      %dma_start3A_93 = tpu.memref_squeeze %dma_start3A_92 : memref<1x!tpu.dma_semaphore, #tpu.memory_space<semaphore_mem>> -> memref<!tpu.dma_semaphore, #tpu.memory_space<semaphore_mem>>
      %dma_start3A_94 = arith.constant 0 : i32
      %dma_start3A_95 = tpu.memref_slice %arg11[%dma_start3A_94] : memref<3136xf32, #tpu.memory_space<vmem>> -> memref<1568xf32, #tpu.memory_space<vmem>>
      %dma_start3A_96 = tpu.memref_slice %arg5[%add3A_68] : memref<5017600xf32, #tpu.memory_space<hbm>> -> memref<1568xf32, #tpu.memory_space<hbm>>
      tpu.enqueue_dma source(%dma_start3A_96 : memref<1568xf32, #tpu.memory_space<hbm>>) target(%dma_start3A_95 : memref<1568xf32, #tpu.memory_space<vmem>>) target_semaphore(%dma_start3A_93 : memref<!tpu.dma_semaphore, #tpu.memory_space<semaphore_mem>>)
      %scan3A_97 = arith.constant 0 : i32
      %scan3A_98 = arith.constant 13 : i32
      %scan3A_99 = arith.addi %scan3A_97, %scan3A_98 : i32
      %scan3A_100 = arith.constant 1 : i32
      scf.for %scan3A_156 = %scan3A_97 to %scan3A_99 step %scan3A_100  : i32 {
        %mul3A_157 = arith.constant 2 : i32
        %mul3A_158 = arith.muli %mul3A_157, %scan3A_156 : i32
        %mul3A_159 = arith.constant 2 : i32
        %mul3A_160 = arith.muli %mul3A_159, %scan3A_156 : i32
        %add3A_161 = arith.constant 1 : i32
        %add3A_162 = arith.addi %mul3A_160, %add3A_161 : i32
        %mul3A_163 = arith.constant 2 : i32
        %mul3A_164 = arith.muli %select_n3A, %mul3A_163 : i32
        %mul3A_165 = arith.constant 25 : i32
        %mul3A_166 = arith.muli %mul3A_164, %mul3A_165 : i32
        %mul3A_167 = arith.constant 50176 : i32
        %mul3A_168 = arith.muli %mul3A_166, %mul3A_167 : i32
        %add3A_169 = arith.addi %mul3A_168, %mul3A_47 : i32
        %dma_wait3A_170 = arith.constant 0 : i32
        %dma_wait3A_171 = arith.constant 0 : i32
        %dma_wait3A_172 = tpu.memref_slice %arg9[%dma_wait3A_171] : memref<3136xf32, #tpu.memory_space<vmem>> -> memref<1568xf32, #tpu.memory_space<vmem>>
        %dma_wait3A_173 = tpu.memref_slice %arg4[%add3A_169] : memref<10035200xf32, #tpu.memory_space<hbm>> -> memref<1568xf32, #tpu.memory_space<hbm>>
        %dma_wait3A_174 = tpu.memref_slice %arg13[%dma_wait3A_170] : memref<2x!tpu.dma_semaphore, #tpu.memory_space<semaphore_mem>> -> memref<1x!tpu.dma_semaphore, #tpu.memory_space<semaphore_mem>>
        %dma_wait3A_175 = tpu.memref_squeeze %dma_wait3A_174 : memref<1x!tpu.dma_semaphore, #tpu.memory_space<semaphore_mem>> -> memref<!tpu.dma_semaphore, #tpu.memory_space<semaphore_mem>>
        %dma_wait3A_176 = arith.constant 0 : i32
        %dma_wait3A_177 = tpu.memref_slice %arg9[%dma_wait3A_176] : memref<3136xf32, #tpu.memory_space<vmem>> -> memref<1568xf32, #tpu.memory_space<vmem>>
        %dma_wait3A_178 = tpu.memref_slice %arg4[%add3A_169] : memref<10035200xf32, #tpu.memory_space<hbm>> -> memref<1568xf32, #tpu.memory_space<hbm>>
        tpu.wait_dma2 semaphore(%dma_wait3A_175 : memref<!tpu.dma_semaphore, #tpu.memory_space<semaphore_mem>>) src(%dma_wait3A_178 : memref<1568xf32, #tpu.memory_space<hbm>>) dst(%dma_wait3A_177 : memref<1568xf32, #tpu.memory_space<vmem>>)
        %dma_wait3A_179 = arith.constant 0 : i32
        %dma_wait3A_180 = arith.constant 0 : i32
        %dma_wait3A_181 = tpu.memref_slice %arg10[%dma_wait3A_180] : memref<3136xf32, #tpu.memory_space<vmem>> -> memref<1568xf32, #tpu.memory_space<vmem>>
        %dma_wait3A_182 = tpu.memref_slice %arg4[%add3A_169] : memref<10035200xf32, #tpu.memory_space<hbm>> -> memref<1568xf32, #tpu.memory_space<hbm>>
        %dma_wait3A_183 = tpu.memref_slice %arg13[%dma_wait3A_179] : memref<2x!tpu.dma_semaphore, #tpu.memory_space<semaphore_mem>> -> memref<1x!tpu.dma_semaphore, #tpu.memory_space<semaphore_mem>>
        %dma_wait3A_184 = tpu.memref_squeeze %dma_wait3A_183 : memref<1x!tpu.dma_semaphore, #tpu.memory_space<semaphore_mem>> -> memref<!tpu.dma_semaphore, #tpu.memory_space<semaphore_mem>>
        %dma_wait3A_185 = arith.constant 0 : i32
        %dma_wait3A_186 = tpu.memref_slice %arg10[%dma_wait3A_185] : memref<3136xf32, #tpu.memory_space<vmem>> -> memref<1568xf32, #tpu.memory_space<vmem>>
        %dma_wait3A_187 = tpu.memref_slice %arg4[%add3A_169] : memref<10035200xf32, #tpu.memory_space<hbm>> -> memref<1568xf32, #tpu.memory_space<hbm>>
        tpu.wait_dma2 semaphore(%dma_wait3A_184 : memref<!tpu.dma_semaphore, #tpu.memory_space<semaphore_mem>>) src(%dma_wait3A_187 : memref<1568xf32, #tpu.memory_space<hbm>>) dst(%dma_wait3A_186 : memref<1568xf32, #tpu.memory_space<vmem>>)
        %dma_wait3A_188 = arith.constant 0 : i32
        %dma_wait3A_189 = arith.constant 0 : i32
        %dma_wait3A_190 = tpu.memref_slice %arg11[%dma_wait3A_189] : memref<3136xf32, #tpu.memory_space<vmem>> -> memref<1568xf32, #tpu.memory_space<vmem>>
        %dma_wait3A_191 = tpu.memref_slice %arg4[%add3A_169] : memref<10035200xf32, #tpu.memory_space<hbm>> -> memref<1568xf32, #tpu.memory_space<hbm>>
        %dma_wait3A_192 = tpu.memref_slice %arg13[%dma_wait3A_188] : memref<2x!tpu.dma_semaphore, #tpu.memory_space<semaphore_mem>> -> memref<1x!tpu.dma_semaphore, #tpu.memory_space<semaphore_mem>>
        %dma_wait3A_193 = tpu.memref_squeeze %dma_wait3A_192 : memref<1x!tpu.dma_semaphore, #tpu.memory_space<semaphore_mem>> -> memref<!tpu.dma_semaphore, #tpu.memory_space<semaphore_mem>>
        %dma_wait3A_194 = arith.constant 0 : i32
        %dma_wait3A_195 = tpu.memref_slice %arg11[%dma_wait3A_194] : memref<3136xf32, #tpu.memory_space<vmem>> -> memref<1568xf32, #tpu.memory_space<vmem>>
        %dma_wait3A_196 = tpu.memref_slice %arg4[%add3A_169] : memref<10035200xf32, #tpu.memory_space<hbm>> -> memref<1568xf32, #tpu.memory_space<hbm>>
        tpu.wait_dma2 semaphore(%dma_wait3A_193 : memref<!tpu.dma_semaphore, #tpu.memory_space<semaphore_mem>>) src(%dma_wait3A_196 : memref<1568xf32, #tpu.memory_space<hbm>>) dst(%dma_wait3A_195 : memref<1568xf32, #tpu.memory_space<vmem>>)
        %min3A = arith.constant 24 : i32
        %min3A_197 = arith.minsi %add3A_162, %min3A : i32
        %mul3A_198 = arith.constant 2 : i32
        %mul3A_199 = arith.muli %select_n3A, %mul3A_198 : i32
        %mul3A_200 = arith.constant 25 : i32
        %mul3A_201 = arith.muli %mul3A_199, %mul3A_200 : i32
        %mul3A_202 = arith.constant 2 : i32
        %mul3A_203 = arith.muli %mul3A_202, %min3A_197 : i32
        %add3A_204 = arith.addi %mul3A_201, %mul3A_203 : i32
        %mul3A_205 = arith.constant 50176 : i32
        %mul3A_206 = arith.muli %add3A_204, %mul3A_205 : i32
        %add3A_207 = arith.addi %mul3A_206, %mul3A_47 : i32
        %mul3A_208 = arith.constant 25 : i32
        %mul3A_209 = arith.muli %select_n3A, %mul3A_208 : i32
        %add3A_210 = arith.addi %mul3A_209, %min3A_197 : i32
        %mul3A_211 = arith.constant 50176 : i32
        %mul3A_212 = arith.muli %add3A_210, %mul3A_211 : i32
        %add3A_213 = arith.addi %mul3A_212, %mul3A_47 : i32
        %dma_start3A_214 = arith.constant 1 : i32
        %dma_start3A_215 = arith.constant 1568 : i32
        %dma_start3A_216 = tpu.memref_slice %arg9[%dma_start3A_215] : memref<3136xf32, #tpu.memory_space<vmem>> -> memref<1568xf32, #tpu.memory_space<vmem>>
        %dma_start3A_217 = tpu.memref_slice %arg4[%add3A_207] : memref<10035200xf32, #tpu.memory_space<hbm>> -> memref<1568xf32, #tpu.memory_space<hbm>>
        %dma_start3A_218 = tpu.memref_slice %arg13[%dma_start3A_214] : memref<2x!tpu.dma_semaphore, #tpu.memory_space<semaphore_mem>> -> memref<1x!tpu.dma_semaphore, #tpu.memory_space<semaphore_mem>>
        %dma_start3A_219 = tpu.memref_squeeze %dma_start3A_218 : memref<1x!tpu.dma_semaphore, #tpu.memory_space<semaphore_mem>> -> memref<!tpu.dma_semaphore, #tpu.memory_space<semaphore_mem>>
        %dma_start3A_220 = arith.constant 1568 : i32
        %dma_start3A_221 = tpu.memref_slice %arg9[%dma_start3A_220] : memref<3136xf32, #tpu.memory_space<vmem>> -> memref<1568xf32, #tpu.memory_space<vmem>>
        %dma_start3A_222 = tpu.memref_slice %arg4[%add3A_207] : memref<10035200xf32, #tpu.memory_space<hbm>> -> memref<1568xf32, #tpu.memory_space<hbm>>
        tpu.enqueue_dma source(%dma_start3A_222 : memref<1568xf32, #tpu.memory_space<hbm>>) target(%dma_start3A_221 : memref<1568xf32, #tpu.memory_space<vmem>>) target_semaphore(%dma_start3A_219 : memref<!tpu.dma_semaphore, #tpu.memory_space<semaphore_mem>>)
        %add3A_223 = arith.constant 50176 : i32
        %add3A_224 = arith.addi %add3A_207, %add3A_223 : i32
        %dma_start3A_225 = arith.constant 1 : i32
        %dma_start3A_226 = arith.constant 1568 : i32
        %dma_start3A_227 = tpu.memref_slice %arg10[%dma_start3A_226] : memref<3136xf32, #tpu.memory_space<vmem>> -> memref<1568xf32, #tpu.memory_space<vmem>>
        %dma_start3A_228 = tpu.memref_slice %arg4[%add3A_224] : memref<10035200xf32, #tpu.memory_space<hbm>> -> memref<1568xf32, #tpu.memory_space<hbm>>
        %dma_start3A_229 = tpu.memref_slice %arg13[%dma_start3A_225] : memref<2x!tpu.dma_semaphore, #tpu.memory_space<semaphore_mem>> -> memref<1x!tpu.dma_semaphore, #tpu.memory_space<semaphore_mem>>
        %dma_start3A_230 = tpu.memref_squeeze %dma_start3A_229 : memref<1x!tpu.dma_semaphore, #tpu.memory_space<semaphore_mem>> -> memref<!tpu.dma_semaphore, #tpu.memory_space<semaphore_mem>>
        %dma_start3A_231 = arith.constant 1568 : i32
        %dma_start3A_232 = tpu.memref_slice %arg10[%dma_start3A_231] : memref<3136xf32, #tpu.memory_space<vmem>> -> memref<1568xf32, #tpu.memory_space<vmem>>
        %dma_start3A_233 = tpu.memref_slice %arg4[%add3A_224] : memref<10035200xf32, #tpu.memory_space<hbm>> -> memref<1568xf32, #tpu.memory_space<hbm>>
        tpu.enqueue_dma source(%dma_start3A_233 : memref<1568xf32, #tpu.memory_space<hbm>>) target(%dma_start3A_232 : memref<1568xf32, #tpu.memory_space<vmem>>) target_semaphore(%dma_start3A_230 : memref<!tpu.dma_semaphore, #tpu.memory_space<semaphore_mem>>)
        %dma_start3A_234 = arith.constant 1 : i32
        %dma_start3A_235 = arith.constant 1568 : i32
        %dma_start3A_236 = tpu.memref_slice %arg11[%dma_start3A_235] : memref<3136xf32, #tpu.memory_space<vmem>> -> memref<1568xf32, #tpu.memory_space<vmem>>
        %dma_start3A_237 = tpu.memref_slice %arg5[%add3A_213] : memref<5017600xf32, #tpu.memory_space<hbm>> -> memref<1568xf32, #tpu.memory_space<hbm>>
        %dma_start3A_238 = tpu.memref_slice %arg13[%dma_start3A_234] : memref<2x!tpu.dma_semaphore, #tpu.memory_space<semaphore_mem>> -> memref<1x!tpu.dma_semaphore, #tpu.memory_space<semaphore_mem>>
        %dma_start3A_239 = tpu.memref_squeeze %dma_start3A_238 : memref<1x!tpu.dma_semaphore, #tpu.memory_space<semaphore_mem>> -> memref<!tpu.dma_semaphore, #tpu.memory_space<semaphore_mem>>
        %dma_start3A_240 = arith.constant 1568 : i32
        %dma_start3A_241 = tpu.memref_slice %arg11[%dma_start3A_240] : memref<3136xf32, #tpu.memory_space<vmem>> -> memref<1568xf32, #tpu.memory_space<vmem>>
        %dma_start3A_242 = tpu.memref_slice %arg5[%add3A_213] : memref<5017600xf32, #tpu.memory_space<hbm>> -> memref<1568xf32, #tpu.memory_space<hbm>>
        tpu.enqueue_dma source(%dma_start3A_242 : memref<1568xf32, #tpu.memory_space<hbm>>) target(%dma_start3A_241 : memref<1568xf32, #tpu.memory_space<vmem>>) target_semaphore(%dma_start3A_239 : memref<!tpu.dma_semaphore, #tpu.memory_space<semaphore_mem>>)
        %scan3A_243 = arith.constant 0 : i32
        %scan3A_244 = arith.constant 7 : i32
        %scan3A_245 = arith.addi %scan3A_243, %scan3A_244 : i32
        %scan3A_246 = arith.constant 1 : i32
        scf.for %scan3A_334 = %scan3A_243 to %scan3A_245 step %scan3A_246  : i32 {
          %add3A_335 = arith.addi %add3A_45, %scan3A_334 : i32
          %convert_element_type3A_336 = arith.sitofp %add3A_335 : i32 to f32
          %parallel_loop3A = arith.constant 0 : i32
          %parallel_loop3A_337 = arith.constant 14 : i32
          %parallel_loop3A_338 = arith.constant 1 : i32
          scf.for %parallel_loop3A_339 = %parallel_loop3A to %parallel_loop3A_337 step %parallel_loop3A_338  : i32 {
            %parallel_loop3A_340 = arith.constant 224 : i32
            %parallel_loop3A_341 = arith.muli %scan3A_334, %parallel_loop3A_340 : i32
            %parallel_loop3A_342 = arith.constant 16 : i32
            %parallel_loop3A_343 = arith.muli %parallel_loop3A_339, %parallel_loop3A_342 : i32
            %parallel_loop3A_344 = arith.addi %parallel_loop3A_341, %parallel_loop3A_343 : i32
            %parallel_loop3A_345 = tpu.iota {dimensions = array<i32: 0>} : vector<16xi32>
            %parallel_loop3A_346 = arith.constant 16 : i32
            %parallel_loop3A_347 = arith.muli %parallel_loop3A_339, %parallel_loop3A_346 : i32
            %parallel_loop3A_348 = vector.broadcast %parallel_loop3A_347 : i32 to vector<16xi32>
            %parallel_loop3A_349 = arith.addi %parallel_loop3A_345, %parallel_loop3A_348 : vector<16xi32>
            %parallel_loop3A_350 = arith.sitofp %parallel_loop3A_349 : vector<16xi32> to vector<16xf32>
            %parallel_loop3A_351 = arith.constant 0 : i32
            %parallel_loop3A_352 = arith.addi %parallel_loop3A_351, %parallel_loop3A_344 : i32
            %parallel_loop3A_353 = arith.index_cast %parallel_loop3A_352 : i32 to index
            %parallel_loop3A_354 = tpu.vector_load %arg9[%parallel_loop3A_353] {strides = array<i32>} : memref<3136xf32, #tpu.memory_space<vmem>>, vector<16xf32>,
            %parallel_loop3A_355 = arith.constant 0 : i32
            %parallel_loop3A_356 = arith.addi %parallel_loop3A_355, %parallel_loop3A_344 : i32
            %parallel_loop3A_357 = arith.index_cast %parallel_loop3A_356 : i32 to index
            %parallel_loop3A_358 = tpu.vector_load %arg10[%parallel_loop3A_357] {strides = array<i32>} : memref<3136xf32, #tpu.memory_space<vmem>>, vector<16xf32>,
            %parallel_loop3A_359 = arith.constant 0 : i32
            %parallel_loop3A_360 = arith.addi %parallel_loop3A_359, %parallel_loop3A_344 : i32
            %parallel_loop3A_361 = arith.index_cast %parallel_loop3A_360 : i32 to index
            %parallel_loop3A_362 = tpu.vector_load %arg11[%parallel_loop3A_361] {strides = array<i32>} : memref<3136xf32, #tpu.memory_space<vmem>>, vector<16xf32>,
            %parallel_loop3A_363 = arith.constant 4.000000e+00 : f32
            %parallel_loop3A_364 = vector.broadcast %parallel_loop3A_363 : f32 to vector<16xf32>
            %parallel_loop3A_365 = arith.addf %parallel_loop3A_350, %parallel_loop3A_364 : vector<16xf32>
            %parallel_loop3A_366 = arith.addf %parallel_loop3A_365, %parallel_loop3A_354 : vector<16xf32>
            %parallel_loop3A_367 = arith.constant 2.000000e+00 : f32
            %parallel_loop3A_368 = arith.constant 2.290000e+02 : f32
            %parallel_loop3A_369 = vector.broadcast %parallel_loop3A_367 : f32 to vector<16xf32>
            %parallel_loop3A_370 = arith.maximumf %parallel_loop3A_369, %parallel_loop3A_366 : vector<16xf32>
            %parallel_loop3A_371 = vector.broadcast %parallel_loop3A_368 : f32 to vector<16xf32>
            %parallel_loop3A_372 = arith.minimumf %parallel_loop3A_371, %parallel_loop3A_370 : vector<16xf32>
            %parallel_loop3A_373 = arith.constant 4.000000e+00 : f32
            %parallel_loop3A_374 = arith.addf %convert_element_type3A_336, %parallel_loop3A_373 : f32
            %parallel_loop3A_375 = vector.broadcast %parallel_loop3A_374 : f32 to vector<16xf32>
            %parallel_loop3A_376 = arith.addf %parallel_loop3A_375, %parallel_loop3A_358 : vector<16xf32>
            %parallel_loop3A_377 = arith.constant 2.000000e+00 : f32
            %parallel_loop3A_378 = arith.constant 2.290000e+02 : f32
            %parallel_loop3A_379 = vector.broadcast %parallel_loop3A_377 : f32 to vector<16xf32>
            %parallel_loop3A_380 = arith.maximumf %parallel_loop3A_379, %parallel_loop3A_376 : vector<16xf32>
            %parallel_loop3A_381 = vector.broadcast %parallel_loop3A_378 : f32 to vector<16xf32>
            %parallel_loop3A_382 = arith.minimumf %parallel_loop3A_381, %parallel_loop3A_380 : vector<16xf32>
            %parallel_loop3A_383 = arith.fptosi %parallel_loop3A_372 : vector<16xf32> to vector<16xi32>
            %parallel_loop3A_384 = arith.fptosi %parallel_loop3A_382 : vector<16xf32> to vector<16xi32>
            %parallel_loop3A_385 = arith.sitofp %parallel_loop3A_383 : vector<16xi32> to vector<16xf32>
            %parallel_loop3A_386 = arith.subf %parallel_loop3A_372, %parallel_loop3A_385 : vector<16xf32>
            %parallel_loop3A_387 = arith.sitofp %parallel_loop3A_384 : vector<16xi32> to vector<16xf32>
            %parallel_loop3A_388 = arith.subf %parallel_loop3A_382, %parallel_loop3A_387 : vector<16xf32>
            %parallel_loop3A_389 = arith.constant 2 : i32
            %parallel_loop3A_390 = vector.broadcast %parallel_loop3A_389 : i32 to vector<16xi32>
            %parallel_loop3A_391 = arith.subi %parallel_loop3A_384, %parallel_loop3A_390 : vector<16xi32>
            %parallel_loop3A_392 = arith.constant 232 : i32
            %parallel_loop3A_393 = vector.broadcast %parallel_loop3A_392 : i32 to vector<16xi32>
            %parallel_loop3A_394 = arith.muli %parallel_loop3A_391, %parallel_loop3A_393 : vector<16xi32>
            %parallel_loop3A_395 = arith.constant 2 : i32
            %parallel_loop3A_396 = vector.broadcast %parallel_loop3A_395 : i32 to vector<16xi32>
            %parallel_loop3A_397 = arith.subi %parallel_loop3A_383, %parallel_loop3A_396 : vector<16xi32>
            %parallel_loop3A_398 = arith.addi %parallel_loop3A_394, %parallel_loop3A_397 : vector<16xi32>
            %parallel_loop3A_399 = arith.constant 1.000000e+00 : f32
            %parallel_loop3A_400 = vector.broadcast %parallel_loop3A_399 : f32 to vector<16xf32>
            %parallel_loop3A_401 = arith.addf %parallel_loop3A_386, %parallel_loop3A_400 : vector<16xf32>
            %parallel_loop3A_402 = arith.constant 1.000000e+00 : f32
            %parallel_loop3A_403 = vector.broadcast %parallel_loop3A_402 : f32 to vector<16xf32>
            %parallel_loop3A_404 = arith.subf %parallel_loop3A_403, %parallel_loop3A_386 : vector<16xf32>
            %parallel_loop3A_405 = arith.constant 2.000000e+00 : f32
            %parallel_loop3A_406 = vector.broadcast %parallel_loop3A_405 : f32 to vector<16xf32>
            %parallel_loop3A_407 = arith.subf %parallel_loop3A_406, %parallel_loop3A_386 : vector<16xf32>
            %parallel_loop3A_408 = arith.constant -7.500000e-01 : f32
            %parallel_loop3A_409 = vector.broadcast %parallel_loop3A_408 : f32 to vector<16xf32>
            %parallel_loop3A_410 = arith.mulf %parallel_loop3A_409, %parallel_loop3A_401 : vector<16xf32>
            %parallel_loop3A_411 = arith.constant -3.750000e+00 : f32
            %parallel_loop3A_412 = vector.broadcast %parallel_loop3A_411 : f32 to vector<16xf32>
            %parallel_loop3A_413 = arith.subf %parallel_loop3A_410, %parallel_loop3A_412 : vector<16xf32>
            %parallel_loop3A_414 = arith.mulf %parallel_loop3A_413, %parallel_loop3A_401 : vector<16xf32>
            %parallel_loop3A_415 = arith.constant -6.000000e+00 : f32
            %parallel_loop3A_416 = vector.broadcast %parallel_loop3A_415 : f32 to vector<16xf32>
            %parallel_loop3A_417 = arith.addf %parallel_loop3A_414, %parallel_loop3A_416 : vector<16xf32>
            %parallel_loop3A_418 = arith.mulf %parallel_loop3A_417, %parallel_loop3A_401 : vector<16xf32>
            %parallel_loop3A_419 = arith.constant -3.000000e+00 : f32
            %parallel_loop3A_420 = vector.broadcast %parallel_loop3A_419 : f32 to vector<16xf32>
            %parallel_loop3A_421 = arith.subf %parallel_loop3A_418, %parallel_loop3A_420 : vector<16xf32>
            %parallel_loop3A_422 = arith.constant 1.250000e+00 : f32
            %parallel_loop3A_423 = vector.broadcast %parallel_loop3A_422 : f32 to vector<16xf32>
            %parallel_loop3A_424 = arith.mulf %parallel_loop3A_423, %parallel_loop3A_386 : vector<16xf32>
            %parallel_loop3A_425 = arith.constant 2.250000e+00 : f32
            %parallel_loop3A_426 = vector.broadcast %parallel_loop3A_425 : f32 to vector<16xf32>
            %parallel_loop3A_427 = arith.subf %parallel_loop3A_424, %parallel_loop3A_426 : vector<16xf32>
            %parallel_loop3A_428 = arith.mulf %parallel_loop3A_427, %parallel_loop3A_386 : vector<16xf32>
            %parallel_loop3A_429 = arith.mulf %parallel_loop3A_428, %parallel_loop3A_386 : vector<16xf32>
            %parallel_loop3A_430 = arith.constant 1.000000e+00 : f32
            %parallel_loop3A_431 = vector.broadcast %parallel_loop3A_430 : f32 to vector<16xf32>
            %parallel_loop3A_432 = arith.addf %parallel_loop3A_429, %parallel_loop3A_431 : vector<16xf32>
            %parallel_loop3A_433 = arith.constant 1.250000e+00 : f32
            %parallel_loop3A_434 = vector.broadcast %parallel_loop3A_433 : f32 to vector<16xf32>
            %parallel_loop3A_435 = arith.mulf %parallel_loop3A_434, %parallel_loop3A_404 : vector<16xf32>
            %parallel_loop3A_436 = arith.constant 2.250000e+00 : f32
            %parallel_loop3A_437 = vector.broadcast %parallel_loop3A_436 : f32 to vector<16xf32>
            %parallel_loop3A_438 = arith.subf %parallel_loop3A_435, %parallel_loop3A_437 : vector<16xf32>
            %parallel_loop3A_439 = arith.mulf %parallel_loop3A_438, %parallel_loop3A_404 : vector<16xf32>
            %parallel_loop3A_440 = arith.mulf %parallel_loop3A_439, %parallel_loop3A_404 : vector<16xf32>
            %parallel_loop3A_441 = arith.constant 1.000000e+00 : f32
            %parallel_loop3A_442 = vector.broadcast %parallel_loop3A_441 : f32 to vector<16xf32>
            %parallel_loop3A_443 = arith.addf %parallel_loop3A_440, %parallel_loop3A_442 : vector<16xf32>
            %parallel_loop3A_444 = arith.constant -7.500000e-01 : f32
            %parallel_loop3A_445 = vector.broadcast %parallel_loop3A_444 : f32 to vector<16xf32>
            %parallel_loop3A_446 = arith.mulf %parallel_loop3A_445, %parallel_loop3A_407 : vector<16xf32>
            %parallel_loop3A_447 = arith.constant -3.750000e+00 : f32
            %parallel_loop3A_448 = vector.broadcast %parallel_loop3A_447 : f32 to vector<16xf32>
            %parallel_loop3A_449 = arith.subf %parallel_loop3A_446, %parallel_loop3A_448 : vector<16xf32>
            %parallel_loop3A_450 = arith.mulf %parallel_loop3A_449, %parallel_loop3A_407 : vector<16xf32>
            %parallel_loop3A_451 = arith.constant -6.000000e+00 : f32
            %parallel_loop3A_452 = vector.broadcast %parallel_loop3A_451 : f32 to vector<16xf32>
            %parallel_loop3A_453 = arith.addf %parallel_loop3A_450, %parallel_loop3A_452 : vector<16xf32>
            %parallel_loop3A_454 = arith.mulf %parallel_loop3A_453, %parallel_loop3A_407 : vector<16xf32>
            %parallel_loop3A_455 = arith.constant -3.000000e+00 : f32
            %parallel_loop3A_456 = vector.broadcast %parallel_loop3A_455 : f32 to vector<16xf32>
            %parallel_loop3A_457 = arith.subf %parallel_loop3A_454, %parallel_loop3A_456 : vector<16xf32>
            %parallel_loop3A_458 = arith.constant 1.000000e+00 : f32
            %parallel_loop3A_459 = vector.broadcast %parallel_loop3A_458 : f32 to vector<16xf32>
            %parallel_loop3A_460 = arith.addf %parallel_loop3A_388, %parallel_loop3A_459 : vector<16xf32>
            %parallel_loop3A_461 = arith.constant 1.000000e+00 : f32
            %parallel_loop3A_462 = vector.broadcast %parallel_loop3A_461 : f32 to vector<16xf32>
            %parallel_loop3A_463 = arith.subf %parallel_loop3A_462, %parallel_loop3A_388 : vector<16xf32>
            %parallel_loop3A_464 = arith.constant 2.000000e+00 : f32
            %parallel_loop3A_465 = vector.broadcast %parallel_loop3A_464 : f32 to vector<16xf32>
            %parallel_loop3A_466 = arith.subf %parallel_loop3A_465, %parallel_loop3A_388 : vector<16xf32>
            %parallel_loop3A_467 = arith.constant -7.500000e-01 : f32
            %parallel_loop3A_468 = vector.broadcast %parallel_loop3A_467 : f32 to vector<16xf32>
            %parallel_loop3A_469 = arith.mulf %parallel_loop3A_468, %parallel_loop3A_460 : vector<16xf32>
            %parallel_loop3A_470 = arith.constant -3.750000e+00 : f32
            %parallel_loop3A_471 = vector.broadcast %parallel_loop3A_470 : f32 to vector<16xf32>
            %parallel_loop3A_472 = arith.subf %parallel_loop3A_469, %parallel_loop3A_471 : vector<16xf32>
            %parallel_loop3A_473 = arith.mulf %parallel_loop3A_472, %parallel_loop3A_460 : vector<16xf32>
            %parallel_loop3A_474 = arith.constant -6.000000e+00 : f32
            %parallel_loop3A_475 = vector.broadcast %parallel_loop3A_474 : f32 to vector<16xf32>
            %parallel_loop3A_476 = arith.addf %parallel_loop3A_473, %parallel_loop3A_475 : vector<16xf32>
            %parallel_loop3A_477 = arith.mulf %parallel_loop3A_476, %parallel_loop3A_460 : vector<16xf32>
            %parallel_loop3A_478 = arith.constant -3.000000e+00 : f32
            %parallel_loop3A_479 = vector.broadcast %parallel_loop3A_478 : f32 to vector<16xf32>
            %parallel_loop3A_480 = arith.subf %parallel_loop3A_477, %parallel_loop3A_479 : vector<16xf32>
            %parallel_loop3A_481 = arith.constant 1.250000e+00 : f32
            %parallel_loop3A_482 = vector.broadcast %parallel_loop3A_481 : f32 to vector<16xf32>
            %parallel_loop3A_483 = arith.mulf %parallel_loop3A_482, %parallel_loop3A_388 : vector<16xf32>
            %parallel_loop3A_484 = arith.constant 2.250000e+00 : f32
            %parallel_loop3A_485 = vector.broadcast %parallel_loop3A_484 : f32 to vector<16xf32>
            %parallel_loop3A_486 = arith.subf %parallel_loop3A_483, %parallel_loop3A_485 : vector<16xf32>
            %parallel_loop3A_487 = arith.mulf %parallel_loop3A_486, %parallel_loop3A_388 : vector<16xf32>
            %parallel_loop3A_488 = arith.mulf %parallel_loop3A_487, %parallel_loop3A_388 : vector<16xf32>
            %parallel_loop3A_489 = arith.constant 1.000000e+00 : f32
            %parallel_loop3A_490 = vector.broadcast %parallel_loop3A_489 : f32 to vector<16xf32>
            %parallel_loop3A_491 = arith.addf %parallel_loop3A_488, %parallel_loop3A_490 : vector<16xf32>
            %parallel_loop3A_492 = arith.constant 1.250000e+00 : f32
            %parallel_loop3A_493 = vector.broadcast %parallel_loop3A_492 : f32 to vector<16xf32>
            %parallel_loop3A_494 = arith.mulf %parallel_loop3A_493, %parallel_loop3A_463 : vector<16xf32>
            %parallel_loop3A_495 = arith.constant 2.250000e+00 : f32
            %parallel_loop3A_496 = vector.broadcast %parallel_loop3A_495 : f32 to vector<16xf32>
            %parallel_loop3A_497 = arith.subf %parallel_loop3A_494, %parallel_loop3A_496 : vector<16xf32>
            %parallel_loop3A_498 = arith.mulf %parallel_loop3A_497, %parallel_loop3A_463 : vector<16xf32>
            %parallel_loop3A_499 = arith.mulf %parallel_loop3A_498, %parallel_loop3A_463 : vector<16xf32>
            %parallel_loop3A_500 = arith.constant 1.000000e+00 : f32
            %parallel_loop3A_501 = vector.broadcast %parallel_loop3A_500 : f32 to vector<16xf32>
            %parallel_loop3A_502 = arith.addf %parallel_loop3A_499, %parallel_loop3A_501 : vector<16xf32>
            %parallel_loop3A_503 = arith.constant -7.500000e-01 : f32
            %parallel_loop3A_504 = vector.broadcast %parallel_loop3A_503 : f32 to vector<16xf32>
            %parallel_loop3A_505 = arith.mulf %parallel_loop3A_504, %parallel_loop3A_466 : vector<16xf32>
            %parallel_loop3A_506 = arith.constant -3.750000e+00 : f32
            %parallel_loop3A_507 = vector.broadcast %parallel_loop3A_506 : f32 to vector<16xf32>
            %parallel_loop3A_508 = arith.subf %parallel_loop3A_505, %parallel_loop3A_507 : vector<16xf32>
            %parallel_loop3A_509 = arith.mulf %parallel_loop3A_508, %parallel_loop3A_466 : vector<16xf32>
            %parallel_loop3A_510 = arith.constant -6.000000e+00 : f32
            %parallel_loop3A_511 = vector.broadcast %parallel_loop3A_510 : f32 to vector<16xf32>
            %parallel_loop3A_512 = arith.addf %parallel_loop3A_509, %parallel_loop3A_511 : vector<16xf32>
            %parallel_loop3A_513 = arith.mulf %parallel_loop3A_512, %parallel_loop3A_466 : vector<16xf32>
            %parallel_loop3A_514 = arith.constant -3.000000e+00 : f32
            %parallel_loop3A_515 = vector.broadcast %parallel_loop3A_514 : f32 to vector<16xf32>
            %parallel_loop3A_516 = arith.subf %parallel_loop3A_513, %parallel_loop3A_515 : vector<16xf32>
            %parallel_loop3A_517 = tpu.pack_subelements %parallel_loop3A_421, %parallel_loop3A_421 {pack_format = #tpu.pack_format<interleaved>, positions = array<i32: 0, 1>} : vector<16xf32>, vector<16xf32> -> vector<32xbf16>
            %parallel_loop3A_518 = tpu.pack_subelements %parallel_loop3A_432, %parallel_loop3A_432 {pack_format = #tpu.pack_format<interleaved>, positions = array<i32: 0, 1>} : vector<16xf32>, vector<16xf32> -> vector<32xbf16>
            %parallel_loop3A_519 = tpu.pack_subelements %parallel_loop3A_443, %parallel_loop3A_443 {pack_format = #tpu.pack_format<interleaved>, positions = array<i32: 0, 1>} : vector<16xf32>, vector<16xf32> -> vector<32xbf16>
            %parallel_loop3A_520 = tpu.pack_subelements %parallel_loop3A_457, %parallel_loop3A_457 {pack_format = #tpu.pack_format<interleaved>, positions = array<i32: 0, 1>} : vector<16xf32>, vector<16xf32> -> vector<32xbf16>
            %parallel_loop3A_521 = tpu.pack_subelements %parallel_loop3A_480, %parallel_loop3A_480 {pack_format = #tpu.pack_format<interleaved>, positions = array<i32: 0, 1>} : vector<16xf32>, vector<16xf32> -> vector<32xbf16>
            %parallel_loop3A_522 = tpu.pack_subelements %parallel_loop3A_491, %parallel_loop3A_491 {pack_format = #tpu.pack_format<interleaved>, positions = array<i32: 0, 1>} : vector<16xf32>, vector<16xf32> -> vector<32xbf16>
            %parallel_loop3A_523 = tpu.pack_subelements %parallel_loop3A_502, %parallel_loop3A_502 {pack_format = #tpu.pack_format<interleaved>, positions = array<i32: 0, 1>} : vector<16xf32>, vector<16xf32> -> vector<32xbf16>
            %parallel_loop3A_524 = tpu.pack_subelements %parallel_loop3A_516, %parallel_loop3A_516 {pack_format = #tpu.pack_format<interleaved>, positions = array<i32: 0, 1>} : vector<16xf32>, vector<16xf32> -> vector<32xbf16>
            %parallel_loop3A_525 = arith.constant 0.000000e+00 : bf16
            %parallel_loop3A_526 = vector.broadcast %parallel_loop3A_525 : bf16 to vector<32xbf16>
            %parallel_loop3A_527 = arith.constant 0.000000e+00 : f32
            %parallel_loop3A_528 = vector.broadcast %parallel_loop3A_527 : f32 to vector<16xf32>
            %parallel_loop3A_529 = arith.constant 0.000000e+00 : bf16
            %parallel_loop3A_530 = vector.broadcast %parallel_loop3A_529 : bf16 to vector<32xbf16>
            %parallel_loop3A_531 = arith.constant 0.000000e+00 : f32
            %parallel_loop3A_532 = vector.broadcast %parallel_loop3A_531 : f32 to vector<16xf32>
            %parallel_loop3A_533 = arith.constant 0 : i32
            %parallel_loop3A_534 = vector.broadcast %parallel_loop3A_533 : i32 to vector<16xi32>
            %parallel_loop3A_535 = arith.addi %parallel_loop3A_398, %parallel_loop3A_534 : vector<16xi32>
            %parallel_loop3A_536 = tpu.vector_load_idx %arg7[%parallel_loop3A_535] : memref<53592xi32, #tpu.memory_space<vmem>>[vector<16xi32>], vector<16xi32>,
            %parallel_loop3A_537 = tpu.vector_load_idx %arg8[%parallel_loop3A_535] : memref<53592xf32, #tpu.memory_space<vmem>>[vector<16xi32>], vector<16xf32>,
            %parallel_loop3A_538 = vector.bitcast %parallel_loop3A_536 : vector<16xi32> to vector<32xbf16>
            %parallel_loop3A_539 = arith.mulf %parallel_loop3A_517, %parallel_loop3A_538 : vector<32xbf16>
            %parallel_loop3A_540 = arith.addf %parallel_loop3A_530, %parallel_loop3A_539 : vector<32xbf16>
            %parallel_loop3A_541 = arith.mulf %parallel_loop3A_421, %parallel_loop3A_537 : vector<16xf32>
            %parallel_loop3A_542 = arith.addf %parallel_loop3A_532, %parallel_loop3A_541 : vector<16xf32>
            %parallel_loop3A_543 = arith.constant 1 : i32
            %parallel_loop3A_544 = vector.broadcast %parallel_loop3A_543 : i32 to vector<16xi32>
            %parallel_loop3A_545 = arith.addi %parallel_loop3A_398, %parallel_loop3A_544 : vector<16xi32>
            %parallel_loop3A_546 = tpu.vector_load_idx %arg7[%parallel_loop3A_545] : memref<53592xi32, #tpu.memory_space<vmem>>[vector<16xi32>], vector<16xi32>,
            %parallel_loop3A_547 = tpu.vector_load_idx %arg8[%parallel_loop3A_545] : memref<53592xf32, #tpu.memory_space<vmem>>[vector<16xi32>], vector<16xf32>,
            %parallel_loop3A_548 = vector.bitcast %parallel_loop3A_546 : vector<16xi32> to vector<32xbf16>
            %parallel_loop3A_549 = arith.mulf %parallel_loop3A_518, %parallel_loop3A_548 : vector<32xbf16>
            %parallel_loop3A_550 = arith.addf %parallel_loop3A_540, %parallel_loop3A_549 : vector<32xbf16>
            %parallel_loop3A_551 = arith.mulf %parallel_loop3A_432, %parallel_loop3A_547 : vector<16xf32>
            %parallel_loop3A_552 = arith.addf %parallel_loop3A_542, %parallel_loop3A_551 : vector<16xf32>
            %parallel_loop3A_553 = arith.constant 2 : i32
            %parallel_loop3A_554 = vector.broadcast %parallel_loop3A_553 : i32 to vector<16xi32>
            %parallel_loop3A_555 = arith.addi %parallel_loop3A_398, %parallel_loop3A_554 : vector<16xi32>
            %parallel_loop3A_556 = tpu.vector_load_idx %arg7[%parallel_loop3A_555] : memref<53592xi32, #tpu.memory_space<vmem>>[vector<16xi32>], vector<16xi32>,
            %parallel_loop3A_557 = tpu.vector_load_idx %arg8[%parallel_loop3A_555] : memref<53592xf32, #tpu.memory_space<vmem>>[vector<16xi32>], vector<16xf32>,
            %parallel_loop3A_558 = vector.bitcast %parallel_loop3A_556 : vector<16xi32> to vector<32xbf16>
            %parallel_loop3A_559 = arith.mulf %parallel_loop3A_519, %parallel_loop3A_558 : vector<32xbf16>
            %parallel_loop3A_560 = arith.addf %parallel_loop3A_550, %parallel_loop3A_559 : vector<32xbf16>
            %parallel_loop3A_561 = arith.mulf %parallel_loop3A_443, %parallel_loop3A_557 : vector<16xf32>
            %parallel_loop3A_562 = arith.addf %parallel_loop3A_552, %parallel_loop3A_561 : vector<16xf32>
            %parallel_loop3A_563 = arith.constant 3 : i32
            %parallel_loop3A_564 = vector.broadcast %parallel_loop3A_563 : i32 to vector<16xi32>
            %parallel_loop3A_565 = arith.addi %parallel_loop3A_398, %parallel_loop3A_564 : vector<16xi32>
            %parallel_loop3A_566 = tpu.vector_load_idx %arg7[%parallel_loop3A_565] : memref<53592xi32, #tpu.memory_space<vmem>>[vector<16xi32>], vector<16xi32>,
            %parallel_loop3A_567 = tpu.vector_load_idx %arg8[%parallel_loop3A_565] : memref<53592xf32, #tpu.memory_space<vmem>>[vector<16xi32>], vector<16xf32>,
            %parallel_loop3A_568 = vector.bitcast %parallel_loop3A_566 : vector<16xi32> to vector<32xbf16>
            %parallel_loop3A_569 = arith.mulf %parallel_loop3A_520, %parallel_loop3A_568 : vector<32xbf16>
            %parallel_loop3A_570 = arith.addf %parallel_loop3A_560, %parallel_loop3A_569 : vector<32xbf16>
            %parallel_loop3A_571 = arith.mulf %parallel_loop3A_457, %parallel_loop3A_567 : vector<16xf32>
            %parallel_loop3A_572 = arith.addf %parallel_loop3A_562, %parallel_loop3A_571 : vector<16xf32>
            %parallel_loop3A_573 = arith.mulf %parallel_loop3A_521, %parallel_loop3A_570 : vector<32xbf16>
            %parallel_loop3A_574 = arith.addf %parallel_loop3A_526, %parallel_loop3A_573 : vector<32xbf16>
            %parallel_loop3A_575 = arith.mulf %parallel_loop3A_480, %parallel_loop3A_572 : vector<16xf32>
            %parallel_loop3A_576 = arith.addf %parallel_loop3A_528, %parallel_loop3A_575 : vector<16xf32>
            %parallel_loop3A_577 = arith.constant 0.000000e+00 : bf16
            %parallel_loop3A_578 = vector.broadcast %parallel_loop3A_577 : bf16 to vector<32xbf16>
            %parallel_loop3A_579 = arith.constant 0.000000e+00 : f32
            %parallel_loop3A_580 = vector.broadcast %parallel_loop3A_579 : f32 to vector<16xf32>
            %parallel_loop3A_581 = arith.constant 232 : i32
            %parallel_loop3A_582 = vector.broadcast %parallel_loop3A_581 : i32 to vector<16xi32>
            %parallel_loop3A_583 = arith.addi %parallel_loop3A_398, %parallel_loop3A_582 : vector<16xi32>
            %parallel_loop3A_584 = tpu.vector_load_idx %arg7[%parallel_loop3A_583] : memref<53592xi32, #tpu.memory_space<vmem>>[vector<16xi32>], vector<16xi32>,
            %parallel_loop3A_585 = tpu.vector_load_idx %arg8[%parallel_loop3A_583] : memref<53592xf32, #tpu.memory_space<vmem>>[vector<16xi32>], vector<16xf32>,
            %parallel_loop3A_586 = vector.bitcast %parallel_loop3A_584 : vector<16xi32> to vector<32xbf16>
            %parallel_loop3A_587 = arith.mulf %parallel_loop3A_517, %parallel_loop3A_586 : vector<32xbf16>
            %parallel_loop3A_588 = arith.addf %parallel_loop3A_578, %parallel_loop3A_587 : vector<32xbf16>
            %parallel_loop3A_589 = arith.mulf %parallel_loop3A_421, %parallel_loop3A_585 : vector<16xf32>
            %parallel_loop3A_590 = arith.addf %parallel_loop3A_580, %parallel_loop3A_589 : vector<16xf32>
            %parallel_loop3A_591 = arith.constant 233 : i32
            %parallel_loop3A_592 = vector.broadcast %parallel_loop3A_591 : i32 to vector<16xi32>
            %parallel_loop3A_593 = arith.addi %parallel_loop3A_398, %parallel_loop3A_592 : vector<16xi32>
            %parallel_loop3A_594 = tpu.vector_load_idx %arg7[%parallel_loop3A_593] : memref<53592xi32, #tpu.memory_space<vmem>>[vector<16xi32>], vector<16xi32>,
            %parallel_loop3A_595 = tpu.vector_load_idx %arg8[%parallel_loop3A_593] : memref<53592xf32, #tpu.memory_space<vmem>>[vector<16xi32>], vector<16xf32>,
            %parallel_loop3A_596 = vector.bitcast %parallel_loop3A_594 : vector<16xi32> to vector<32xbf16>
            %parallel_loop3A_597 = arith.mulf %parallel_loop3A_518, %parallel_loop3A_596 : vector<32xbf16>
            %parallel_loop3A_598 = arith.addf %parallel_loop3A_588, %parallel_loop3A_597 : vector<32xbf16>
            %parallel_loop3A_599 = arith.mulf %parallel_loop3A_432, %parallel_loop3A_595 : vector<16xf32>
            %parallel_loop3A_600 = arith.addf %parallel_loop3A_590, %parallel_loop3A_599 : vector<16xf32>
            %parallel_loop3A_601 = arith.constant 234 : i32
            %parallel_loop3A_602 = vector.broadcast %parallel_loop3A_601 : i32 to vector<16xi32>
            %parallel_loop3A_603 = arith.addi %parallel_loop3A_398, %parallel_loop3A_602 : vector<16xi32>
            %parallel_loop3A_604 = tpu.vector_load_idx %arg7[%parallel_loop3A_603] : memref<53592xi32, #tpu.memory_space<vmem>>[vector<16xi32>], vector<16xi32>,
            %parallel_loop3A_605 = tpu.vector_load_idx %arg8[%parallel_loop3A_603] : memref<53592xf32, #tpu.memory_space<vmem>>[vector<16xi32>], vector<16xf32>,
            %parallel_loop3A_606 = vector.bitcast %parallel_loop3A_604 : vector<16xi32> to vector<32xbf16>
            %parallel_loop3A_607 = arith.mulf %parallel_loop3A_519, %parallel_loop3A_606 : vector<32xbf16>
            %parallel_loop3A_608 = arith.addf %parallel_loop3A_598, %parallel_loop3A_607 : vector<32xbf16>
            %parallel_loop3A_609 = arith.mulf %parallel_loop3A_443, %parallel_loop3A_605 : vector<16xf32>
            %parallel_loop3A_610 = arith.addf %parallel_loop3A_600, %parallel_loop3A_609 : vector<16xf32>
            %parallel_loop3A_611 = arith.constant 235 : i32
            %parallel_loop3A_612 = vector.broadcast %parallel_loop3A_611 : i32 to vector<16xi32>
            %parallel_loop3A_613 = arith.addi %parallel_loop3A_398, %parallel_loop3A_612 : vector<16xi32>
            %parallel_loop3A_614 = tpu.vector_load_idx %arg7[%parallel_loop3A_613] : memref<53592xi32, #tpu.memory_space<vmem>>[vector<16xi32>], vector<16xi32>,
            %parallel_loop3A_615 = tpu.vector_load_idx %arg8[%parallel_loop3A_613] : memref<53592xf32, #tpu.memory_space<vmem>>[vector<16xi32>], vector<16xf32>,
            %parallel_loop3A_616 = vector.bitcast %parallel_loop3A_614 : vector<16xi32> to vector<32xbf16>
            %parallel_loop3A_617 = arith.mulf %parallel_loop3A_520, %parallel_loop3A_616 : vector<32xbf16>
            %parallel_loop3A_618 = arith.addf %parallel_loop3A_608, %parallel_loop3A_617 : vector<32xbf16>
            %parallel_loop3A_619 = arith.mulf %parallel_loop3A_457, %parallel_loop3A_615 : vector<16xf32>
            %parallel_loop3A_620 = arith.addf %parallel_loop3A_610, %parallel_loop3A_619 : vector<16xf32>
            %parallel_loop3A_621 = arith.mulf %parallel_loop3A_522, %parallel_loop3A_618 : vector<32xbf16>
            %parallel_loop3A_622 = arith.addf %parallel_loop3A_574, %parallel_loop3A_621 : vector<32xbf16>
            %parallel_loop3A_623 = arith.mulf %parallel_loop3A_491, %parallel_loop3A_620 : vector<16xf32>
            %parallel_loop3A_624 = arith.addf %parallel_loop3A_576, %parallel_loop3A_623 : vector<16xf32>
            %parallel_loop3A_625 = arith.constant 0.000000e+00 : bf16
            %parallel_loop3A_626 = vector.broadcast %parallel_loop3A_625 : bf16 to vector<32xbf16>
            %parallel_loop3A_627 = arith.constant 0.000000e+00 : f32
            %parallel_loop3A_628 = vector.broadcast %parallel_loop3A_627 : f32 to vector<16xf32>
            %parallel_loop3A_629 = arith.constant 464 : i32
            %parallel_loop3A_630 = vector.broadcast %parallel_loop3A_629 : i32 to vector<16xi32>
            %parallel_loop3A_631 = arith.addi %parallel_loop3A_398, %parallel_loop3A_630 : vector<16xi32>
            %parallel_loop3A_632 = tpu.vector_load_idx %arg7[%parallel_loop3A_631] : memref<53592xi32, #tpu.memory_space<vmem>>[vector<16xi32>], vector<16xi32>,
            %parallel_loop3A_633 = tpu.vector_load_idx %arg8[%parallel_loop3A_631] : memref<53592xf32, #tpu.memory_space<vmem>>[vector<16xi32>], vector<16xf32>,
            %parallel_loop3A_634 = vector.bitcast %parallel_loop3A_632 : vector<16xi32> to vector<32xbf16>
            %parallel_loop3A_635 = arith.mulf %parallel_loop3A_517, %parallel_loop3A_634 : vector<32xbf16>
            %parallel_loop3A_636 = arith.addf %parallel_loop3A_626, %parallel_loop3A_635 : vector<32xbf16>
            %parallel_loop3A_637 = arith.mulf %parallel_loop3A_421, %parallel_loop3A_633 : vector<16xf32>
            %parallel_loop3A_638 = arith.addf %parallel_loop3A_628, %parallel_loop3A_637 : vector<16xf32>
            %parallel_loop3A_639 = arith.constant 465 : i32
            %parallel_loop3A_640 = vector.broadcast %parallel_loop3A_639 : i32 to vector<16xi32>
            %parallel_loop3A_641 = arith.addi %parallel_loop3A_398, %parallel_loop3A_640 : vector<16xi32>
            %parallel_loop3A_642 = tpu.vector_load_idx %arg7[%parallel_loop3A_641] : memref<53592xi32, #tpu.memory_space<vmem>>[vector<16xi32>], vector<16xi32>,
            %parallel_loop3A_643 = tpu.vector_load_idx %arg8[%parallel_loop3A_641] : memref<53592xf32, #tpu.memory_space<vmem>>[vector<16xi32>], vector<16xf32>,
            %parallel_loop3A_644 = vector.bitcast %parallel_loop3A_642 : vector<16xi32> to vector<32xbf16>
            %parallel_loop3A_645 = arith.mulf %parallel_loop3A_518, %parallel_loop3A_644 : vector<32xbf16>
            %parallel_loop3A_646 = arith.addf %parallel_loop3A_636, %parallel_loop3A_645 : vector<32xbf16>
            %parallel_loop3A_647 = arith.mulf %parallel_loop3A_432, %parallel_loop3A_643 : vector<16xf32>
            %parallel_loop3A_648 = arith.addf %parallel_loop3A_638, %parallel_loop3A_647 : vector<16xf32>
            %parallel_loop3A_649 = arith.constant 466 : i32
            %parallel_loop3A_650 = vector.broadcast %parallel_loop3A_649 : i32 to vector<16xi32>
            %parallel_loop3A_651 = arith.addi %parallel_loop3A_398, %parallel_loop3A_650 : vector<16xi32>
            %parallel_loop3A_652 = tpu.vector_load_idx %arg7[%parallel_loop3A_651] : memref<53592xi32, #tpu.memory_space<vmem>>[vector<16xi32>], vector<16xi32>,
            %parallel_loop3A_653 = tpu.vector_load_idx %arg8[%parallel_loop3A_651] : memref<53592xf32, #tpu.memory_space<vmem>>[vector<16xi32>], vector<16xf32>,
            %parallel_loop3A_654 = vector.bitcast %parallel_loop3A_652 : vector<16xi32> to vector<32xbf16>
            %parallel_loop3A_655 = arith.mulf %parallel_loop3A_519, %parallel_loop3A_654 : vector<32xbf16>
            %parallel_loop3A_656 = arith.addf %parallel_loop3A_646, %parallel_loop3A_655 : vector<32xbf16>
            %parallel_loop3A_657 = arith.mulf %parallel_loop3A_443, %parallel_loop3A_653 : vector<16xf32>
            %parallel_loop3A_658 = arith.addf %parallel_loop3A_648, %parallel_loop3A_657 : vector<16xf32>
            %parallel_loop3A_659 = arith.constant 467 : i32
            %parallel_loop3A_660 = vector.broadcast %parallel_loop3A_659 : i32 to vector<16xi32>
            %parallel_loop3A_661 = arith.addi %parallel_loop3A_398, %parallel_loop3A_660 : vector<16xi32>
            %parallel_loop3A_662 = tpu.vector_load_idx %arg7[%parallel_loop3A_661] : memref<53592xi32, #tpu.memory_space<vmem>>[vector<16xi32>], vector<16xi32>,
            %parallel_loop3A_663 = tpu.vector_load_idx %arg8[%parallel_loop3A_661] : memref<53592xf32, #tpu.memory_space<vmem>>[vector<16xi32>], vector<16xf32>,
            %parallel_loop3A_664 = vector.bitcast %parallel_loop3A_662 : vector<16xi32> to vector<32xbf16>
            %parallel_loop3A_665 = arith.mulf %parallel_loop3A_520, %parallel_loop3A_664 : vector<32xbf16>
            %parallel_loop3A_666 = arith.addf %parallel_loop3A_656, %parallel_loop3A_665 : vector<32xbf16>
            %parallel_loop3A_667 = arith.mulf %parallel_loop3A_457, %parallel_loop3A_663 : vector<16xf32>
            %parallel_loop3A_668 = arith.addf %parallel_loop3A_658, %parallel_loop3A_667 : vector<16xf32>
            %parallel_loop3A_669 = arith.mulf %parallel_loop3A_523, %parallel_loop3A_666 : vector<32xbf16>
            %parallel_loop3A_670 = arith.addf %parallel_loop3A_622, %parallel_loop3A_669 : vector<32xbf16>
            %parallel_loop3A_671 = arith.mulf %parallel_loop3A_502, %parallel_loop3A_668 : vector<16xf32>
            %parallel_loop3A_672 = arith.addf %parallel_loop3A_624, %parallel_loop3A_671 : vector<16xf32>
            %parallel_loop3A_673 = arith.constant 0.000000e+00 : bf16
            %parallel_loop3A_674 = vector.broadcast %parallel_loop3A_673 : bf16 to vector<32xbf16>
            %parallel_loop3A_675 = arith.constant 0.000000e+00 : f32
            %parallel_loop3A_676 = vector.broadcast %parallel_loop3A_675 : f32 to vector<16xf32>
            %parallel_loop3A_677 = arith.constant 696 : i32
            %parallel_loop3A_678 = vector.broadcast %parallel_loop3A_677 : i32 to vector<16xi32>
            %parallel_loop3A_679 = arith.addi %parallel_loop3A_398, %parallel_loop3A_678 : vector<16xi32>
            %parallel_loop3A_680 = tpu.vector_load_idx %arg7[%parallel_loop3A_679] : memref<53592xi32, #tpu.memory_space<vmem>>[vector<16xi32>], vector<16xi32>,
            %parallel_loop3A_681 = tpu.vector_load_idx %arg8[%parallel_loop3A_679] : memref<53592xf32, #tpu.memory_space<vmem>>[vector<16xi32>], vector<16xf32>,
            %parallel_loop3A_682 = vector.bitcast %parallel_loop3A_680 : vector<16xi32> to vector<32xbf16>
            %parallel_loop3A_683 = arith.mulf %parallel_loop3A_517, %parallel_loop3A_682 : vector<32xbf16>
            %parallel_loop3A_684 = arith.addf %parallel_loop3A_674, %parallel_loop3A_683 : vector<32xbf16>
            %parallel_loop3A_685 = arith.mulf %parallel_loop3A_421, %parallel_loop3A_681 : vector<16xf32>
            %parallel_loop3A_686 = arith.addf %parallel_loop3A_676, %parallel_loop3A_685 : vector<16xf32>
            %parallel_loop3A_687 = arith.constant 697 : i32
            %parallel_loop3A_688 = vector.broadcast %parallel_loop3A_687 : i32 to vector<16xi32>
            %parallel_loop3A_689 = arith.addi %parallel_loop3A_398, %parallel_loop3A_688 : vector<16xi32>
            %parallel_loop3A_690 = tpu.vector_load_idx %arg7[%parallel_loop3A_689] : memref<53592xi32, #tpu.memory_space<vmem>>[vector<16xi32>], vector<16xi32>,
            %parallel_loop3A_691 = tpu.vector_load_idx %arg8[%parallel_loop3A_689] : memref<53592xf32, #tpu.memory_space<vmem>>[vector<16xi32>], vector<16xf32>,
            %parallel_loop3A_692 = vector.bitcast %parallel_loop3A_690 : vector<16xi32> to vector<32xbf16>
            %parallel_loop3A_693 = arith.mulf %parallel_loop3A_518, %parallel_loop3A_692 : vector<32xbf16>
            %parallel_loop3A_694 = arith.addf %parallel_loop3A_684, %parallel_loop3A_693 : vector<32xbf16>
            %parallel_loop3A_695 = arith.mulf %parallel_loop3A_432, %parallel_loop3A_691 : vector<16xf32>
            %parallel_loop3A_696 = arith.addf %parallel_loop3A_686, %parallel_loop3A_695 : vector<16xf32>
            %parallel_loop3A_697 = arith.constant 698 : i32
            %parallel_loop3A_698 = vector.broadcast %parallel_loop3A_697 : i32 to vector<16xi32>
            %parallel_loop3A_699 = arith.addi %parallel_loop3A_398, %parallel_loop3A_698 : vector<16xi32>
            %parallel_loop3A_700 = tpu.vector_load_idx %arg7[%parallel_loop3A_699] : memref<53592xi32, #tpu.memory_space<vmem>>[vector<16xi32>], vector<16xi32>,
            %parallel_loop3A_701 = tpu.vector_load_idx %arg8[%parallel_loop3A_699] : memref<53592xf32, #tpu.memory_space<vmem>>[vector<16xi32>], vector<16xf32>,
            %parallel_loop3A_702 = vector.bitcast %parallel_loop3A_700 : vector<16xi32> to vector<32xbf16>
            %parallel_loop3A_703 = arith.mulf %parallel_loop3A_519, %parallel_loop3A_702 : vector<32xbf16>
            %parallel_loop3A_704 = arith.addf %parallel_loop3A_694, %parallel_loop3A_703 : vector<32xbf16>
            %parallel_loop3A_705 = arith.mulf %parallel_loop3A_443, %parallel_loop3A_701 : vector<16xf32>
            %parallel_loop3A_706 = arith.addf %parallel_loop3A_696, %parallel_loop3A_705 : vector<16xf32>
            %parallel_loop3A_707 = arith.constant 699 : i32
            %parallel_loop3A_708 = vector.broadcast %parallel_loop3A_707 : i32 to vector<16xi32>
            %parallel_loop3A_709 = arith.addi %parallel_loop3A_398, %parallel_loop3A_708 : vector<16xi32>
            %parallel_loop3A_710 = tpu.vector_load_idx %arg7[%parallel_loop3A_709] : memref<53592xi32, #tpu.memory_space<vmem>>[vector<16xi32>], vector<16xi32>,
            %parallel_loop3A_711 = tpu.vector_load_idx %arg8[%parallel_loop3A_709] : memref<53592xf32, #tpu.memory_space<vmem>>[vector<16xi32>], vector<16xf32>,
            %parallel_loop3A_712 = vector.bitcast %parallel_loop3A_710 : vector<16xi32> to vector<32xbf16>
            %parallel_loop3A_713 = arith.mulf %parallel_loop3A_520, %parallel_loop3A_712 : vector<32xbf16>
            %parallel_loop3A_714 = arith.addf %parallel_loop3A_704, %parallel_loop3A_713 : vector<32xbf16>
            %parallel_loop3A_715 = arith.mulf %parallel_loop3A_457, %parallel_loop3A_711 : vector<16xf32>
            %parallel_loop3A_716 = arith.addf %parallel_loop3A_706, %parallel_loop3A_715 : vector<16xf32>
            %parallel_loop3A_717 = arith.mulf %parallel_loop3A_524, %parallel_loop3A_714 : vector<32xbf16>
            %parallel_loop3A_718 = arith.addf %parallel_loop3A_670, %parallel_loop3A_717 : vector<32xbf16>
            %parallel_loop3A_719 = arith.mulf %parallel_loop3A_516, %parallel_loop3A_716 : vector<16xf32>
            %parallel_loop3A_720 = arith.addf %parallel_loop3A_672, %parallel_loop3A_719 : vector<16xf32>
            %parallel_loop3A_721 = tpu.unpack_subelements %parallel_loop3A_718, 0 {pack_format = #tpu.pack_format<interleaved>} : vector<32xbf16> -> vector<16xf32>
            %parallel_loop3A_722 = tpu.unpack_subelements %parallel_loop3A_718, 1 {pack_format = #tpu.pack_format<interleaved>} : vector<32xbf16> -> vector<16xf32>
            %parallel_loop3A_723 = arith.mulf %parallel_loop3A_362, %parallel_loop3A_721 : vector<16xf32>
            %parallel_loop3A_724 = arith.index_cast %parallel_loop3A_344 : i32 to index
            %parallel_loop3A_725 = tpu.vector_load %arg12[%parallel_loop3A_724] {strides = array<i32>} : memref<4704xf32, #tpu.memory_space<vmem>>, vector<16xf32>,
            tpu.vector_store %arg12[%parallel_loop3A_724], %parallel_loop3A_723 {add = true, strides = array<i32>} : memref<4704xf32, #tpu.memory_space<vmem>>, vector<16xf32>,
            %parallel_loop3A_726 = arith.constant 1568 : i32
            %parallel_loop3A_727 = arith.addi %parallel_loop3A_726, %parallel_loop3A_344 : i32
            %parallel_loop3A_728 = arith.mulf %parallel_loop3A_362, %parallel_loop3A_722 : vector<16xf32>
            %parallel_loop3A_729 = arith.index_cast %parallel_loop3A_727 : i32 to index
            %parallel_loop3A_730 = tpu.vector_load %arg12[%parallel_loop3A_729] {strides = array<i32>} : memref<4704xf32, #tpu.memory_space<vmem>>, vector<16xf32>,
            tpu.vector_store %arg12[%parallel_loop3A_729], %parallel_loop3A_728 {add = true, strides = array<i32>} : memref<4704xf32, #tpu.memory_space<vmem>>, vector<16xf32>,
            %parallel_loop3A_731 = arith.constant 3136 : i32
            %parallel_loop3A_732 = arith.addi %parallel_loop3A_731, %parallel_loop3A_344 : i32
            %parallel_loop3A_733 = arith.mulf %parallel_loop3A_362, %parallel_loop3A_720 : vector<16xf32>
            %parallel_loop3A_734 = arith.index_cast %parallel_loop3A_732 : i32 to index
            %parallel_loop3A_735 = tpu.vector_load %arg12[%parallel_loop3A_734] {strides = array<i32>} : memref<4704xf32, #tpu.memory_space<vmem>>, vector<16xf32>,
            tpu.vector_store %arg12[%parallel_loop3A_734], %parallel_loop3A_733 {add = true, strides = array<i32>} : memref<4704xf32, #tpu.memory_space<vmem>>, vector<16xf32>,
          } {sc.loop_unroll_factor = 2 : i64, sc.parallel_access}
        }
        %scan3A_247 = arith.constant 7 : i32
        %mul3A_248 = arith.constant 2 : i32
        %mul3A_249 = arith.muli %select_n3A, %mul3A_248 : i32
        %mul3A_250 = arith.constant 25 : i32
        %mul3A_251 = arith.muli %mul3A_249, %mul3A_250 : i32
        %mul3A_252 = arith.constant 50176 : i32
        %mul3A_253 = arith.muli %mul3A_251, %mul3A_252 : i32
        %add3A_254 = arith.addi %mul3A_253, %mul3A_47 : i32
        %dma_wait3A_255 = arith.constant 1 : i32
        %dma_wait3A_256 = arith.constant 1568 : i32
        %dma_wait3A_257 = tpu.memref_slice %arg9[%dma_wait3A_256] : memref<3136xf32, #tpu.memory_space<vmem>> -> memref<1568xf32, #tpu.memory_space<vmem>>
        %dma_wait3A_258 = tpu.memref_slice %arg4[%add3A_254] : memref<10035200xf32, #tpu.memory_space<hbm>> -> memref<1568xf32, #tpu.memory_space<hbm>>
        %dma_wait3A_259 = tpu.memref_slice %arg13[%dma_wait3A_255] : memref<2x!tpu.dma_semaphore, #tpu.memory_space<semaphore_mem>> -> memref<1x!tpu.dma_semaphore, #tpu.memory_space<semaphore_mem>>
        %dma_wait3A_260 = tpu.memref_squeeze %dma_wait3A_259 : memref<1x!tpu.dma_semaphore, #tpu.memory_space<semaphore_mem>> -> memref<!tpu.dma_semaphore, #tpu.memory_space<semaphore_mem>>
        %dma_wait3A_261 = arith.constant 1568 : i32
        %dma_wait3A_262 = tpu.memref_slice %arg9[%dma_wait3A_261] : memref<3136xf32, #tpu.memory_space<vmem>> -> memref<1568xf32, #tpu.memory_space<vmem>>
        %dma_wait3A_263 = tpu.memref_slice %arg4[%add3A_254] : memref<10035200xf32, #tpu.memory_space<hbm>> -> memref<1568xf32, #tpu.memory_space<hbm>>
        tpu.wait_dma2 semaphore(%dma_wait3A_260 : memref<!tpu.dma_semaphore, #tpu.memory_space<semaphore_mem>>) src(%dma_wait3A_263 : memref<1568xf32, #tpu.memory_space<hbm>>) dst(%dma_wait3A_262 : memref<1568xf32, #tpu.memory_space<vmem>>)
        %dma_wait3A_264 = arith.constant 1 : i32
        %dma_wait3A_265 = arith.constant 1568 : i32
        %dma_wait3A_266 = tpu.memref_slice %arg10[%dma_wait3A_265] : memref<3136xf32, #tpu.memory_space<vmem>> -> memref<1568xf32, #tpu.memory_space<vmem>>
        %dma_wait3A_267 = tpu.memref_slice %arg4[%add3A_254] : memref<10035200xf32, #tpu.memory_space<hbm>> -> memref<1568xf32, #tpu.memory_space<hbm>>
        %dma_wait3A_268 = tpu.memref_slice %arg13[%dma_wait3A_264] : memref<2x!tpu.dma_semaphore, #tpu.memory_space<semaphore_mem>> -> memref<1x!tpu.dma_semaphore, #tpu.memory_space<semaphore_mem>>
        %dma_wait3A_269 = tpu.memref_squeeze %dma_wait3A_268 : memref<1x!tpu.dma_semaphore, #tpu.memory_space<semaphore_mem>> -> memref<!tpu.dma_semaphore, #tpu.memory_space<semaphore_mem>>
        %dma_wait3A_270 = arith.constant 1568 : i32
        %dma_wait3A_271 = tpu.memref_slice %arg10[%dma_wait3A_270] : memref<3136xf32, #tpu.memory_space<vmem>> -> memref<1568xf32, #tpu.memory_space<vmem>>
        %dma_wait3A_272 = tpu.memref_slice %arg4[%add3A_254] : memref<10035200xf32, #tpu.memory_space<hbm>> -> memref<1568xf32, #tpu.memory_space<hbm>>
        tpu.wait_dma2 semaphore(%dma_wait3A_269 : memref<!tpu.dma_semaphore, #tpu.memory_space<semaphore_mem>>) src(%dma_wait3A_272 : memref<1568xf32, #tpu.memory_space<hbm>>) dst(%dma_wait3A_271 : memref<1568xf32, #tpu.memory_space<vmem>>)
        %dma_wait3A_273 = arith.constant 1 : i32
        %dma_wait3A_274 = arith.constant 1568 : i32
        %dma_wait3A_275 = tpu.memref_slice %arg11[%dma_wait3A_274] : memref<3136xf32, #tpu.memory_space<vmem>> -> memref<1568xf32, #tpu.memory_space<vmem>>
        %dma_wait3A_276 = tpu.memref_slice %arg4[%add3A_254] : memref<10035200xf32, #tpu.memory_space<hbm>> -> memref<1568xf32, #tpu.memory_space<hbm>>
        %dma_wait3A_277 = tpu.memref_slice %arg13[%dma_wait3A_273] : memref<2x!tpu.dma_semaphore, #tpu.memory_space<semaphore_mem>> -> memref<1x!tpu.dma_semaphore, #tpu.memory_space<semaphore_mem>>
        %dma_wait3A_278 = tpu.memref_squeeze %dma_wait3A_277 : memref<1x!tpu.dma_semaphore, #tpu.memory_space<semaphore_mem>> -> memref<!tpu.dma_semaphore, #tpu.memory_space<semaphore_mem>>
        %dma_wait3A_279 = arith.constant 1568 : i32
        %dma_wait3A_280 = tpu.memref_slice %arg11[%dma_wait3A_279] : memref<3136xf32, #tpu.memory_space<vmem>> -> memref<1568xf32, #tpu.memory_space<vmem>>
        %dma_wait3A_281 = tpu.memref_slice %arg4[%add3A_254] : memref<10035200xf32, #tpu.memory_space<hbm>> -> memref<1568xf32, #tpu.memory_space<hbm>>
        tpu.wait_dma2 semaphore(%dma_wait3A_278 : memref<!tpu.dma_semaphore, #tpu.memory_space<semaphore_mem>>) src(%dma_wait3A_281 : memref<1568xf32, #tpu.memory_space<hbm>>) dst(%dma_wait3A_280 : memref<1568xf32, #tpu.memory_space<vmem>>)
        %add3A_282 = arith.constant 1 : i32
        %add3A_283 = arith.addi %add3A_162, %add3A_282 : i32
        %min3A_284 = arith.constant 24 : i32
        %min3A_285 = arith.minsi %add3A_283, %min3A_284 : i32
        %mul3A_286 = arith.constant 2 : i32
        %mul3A_287 = arith.muli %select_n3A, %mul3A_286 : i32
        %mul3A_288 = arith.constant 25 : i32
        %mul3A_289 = arith.muli %mul3A_287, %mul3A_288 : i32
        %mul3A_290 = arith.constant 2 : i32
        %mul3A_291 = arith.muli %mul3A_290, %min3A_285 : i32
        %add3A_292 = arith.addi %mul3A_289, %mul3A_291 : i32
        %mul3A_293 = arith.constant 50176 : i32
        %mul3A_294 = arith.muli %add3A_292, %mul3A_293 : i32
        %add3A_295 = arith.addi %mul3A_294, %mul3A_47 : i32
        %mul3A_296 = arith.constant 25 : i32
        %mul3A_297 = arith.muli %select_n3A, %mul3A_296 : i32
        %add3A_298 = arith.addi %mul3A_297, %min3A_285 : i32
        %mul3A_299 = arith.constant 50176 : i32
        %mul3A_300 = arith.muli %add3A_298, %mul3A_299 : i32
        %add3A_301 = arith.addi %mul3A_300, %mul3A_47 : i32
        %dma_start3A_302 = arith.constant 0 : i32
        %dma_start3A_303 = arith.constant 0 : i32
        %dma_start3A_304 = tpu.memref_slice %arg9[%dma_start3A_303] : memref<3136xf32, #tpu.memory_space<vmem>> -> memref<1568xf32, #tpu.memory_space<vmem>>
        %dma_start3A_305 = tpu.memref_slice %arg4[%add3A_295] : memref<10035200xf32, #tpu.memory_space<hbm>> -> memref<1568xf32, #tpu.memory_space<hbm>>
        %dma_start3A_306 = tpu.memref_slice %arg13[%dma_start3A_302] : memref<2x!tpu.dma_semaphore, #tpu.memory_space<semaphore_mem>> -> memref<1x!tpu.dma_semaphore, #tpu.memory_space<semaphore_mem>>
        %dma_start3A_307 = tpu.memref_squeeze %dma_start3A_306 : memref<1x!tpu.dma_semaphore, #tpu.memory_space<semaphore_mem>> -> memref<!tpu.dma_semaphore, #tpu.memory_space<semaphore_mem>>
        %dma_start3A_308 = arith.constant 0 : i32
        %dma_start3A_309 = tpu.memref_slice %arg9[%dma_start3A_308] : memref<3136xf32, #tpu.memory_space<vmem>> -> memref<1568xf32, #tpu.memory_space<vmem>>
        %dma_start3A_310 = tpu.memref_slice %arg4[%add3A_295] : memref<10035200xf32, #tpu.memory_space<hbm>> -> memref<1568xf32, #tpu.memory_space<hbm>>
        tpu.enqueue_dma source(%dma_start3A_310 : memref<1568xf32, #tpu.memory_space<hbm>>) target(%dma_start3A_309 : memref<1568xf32, #tpu.memory_space<vmem>>) target_semaphore(%dma_start3A_307 : memref<!tpu.dma_semaphore, #tpu.memory_space<semaphore_mem>>)
        %add3A_311 = arith.constant 50176 : i32
        %add3A_312 = arith.addi %add3A_295, %add3A_311 : i32
        %dma_start3A_313 = arith.constant 0 : i32
        %dma_start3A_314 = arith.constant 0 : i32
        %dma_start3A_315 = tpu.memref_slice %arg10[%dma_start3A_314] : memref<3136xf32, #tpu.memory_space<vmem>> -> memref<1568xf32, #tpu.memory_space<vmem>>
        %dma_start3A_316 = tpu.memref_slice %arg4[%add3A_312] : memref<10035200xf32, #tpu.memory_space<hbm>> -> memref<1568xf32, #tpu.memory_space<hbm>>
        %dma_start3A_317 = tpu.memref_slice %arg13[%dma_start3A_313] : memref<2x!tpu.dma_semaphore, #tpu.memory_space<semaphore_mem>> -> memref<1x!tpu.dma_semaphore, #tpu.memory_space<semaphore_mem>>
        %dma_start3A_318 = tpu.memref_squeeze %dma_start3A_317 : memref<1x!tpu.dma_semaphore, #tpu.memory_space<semaphore_mem>> -> memref<!tpu.dma_semaphore, #tpu.memory_space<semaphore_mem>>
        %dma_start3A_319 = arith.constant 0 : i32
        %dma_start3A_320 = tpu.memref_slice %arg10[%dma_start3A_319] : memref<3136xf32, #tpu.memory_space<vmem>> -> memref<1568xf32, #tpu.memory_space<vmem>>
        %dma_start3A_321 = tpu.memref_slice %arg4[%add3A_312] : memref<10035200xf32, #tpu.memory_space<hbm>> -> memref<1568xf32, #tpu.memory_space<hbm>>
        tpu.enqueue_dma source(%dma_start3A_321 : memref<1568xf32, #tpu.memory_space<hbm>>) target(%dma_start3A_320 : memref<1568xf32, #tpu.memory_space<vmem>>) target_semaphore(%dma_start3A_318 : memref<!tpu.dma_semaphore, #tpu.memory_space<semaphore_mem>>)
        %dma_start3A_322 = arith.constant 0 : i32
        %dma_start3A_323 = arith.constant 0 : i32
        %dma_start3A_324 = tpu.memref_slice %arg11[%dma_start3A_323] : memref<3136xf32, #tpu.memory_space<vmem>> -> memref<1568xf32, #tpu.memory_space<vmem>>
        %dma_start3A_325 = tpu.memref_slice %arg5[%add3A_301] : memref<5017600xf32, #tpu.memory_space<hbm>> -> memref<1568xf32, #tpu.memory_space<hbm>>
        %dma_start3A_326 = tpu.memref_slice %arg13[%dma_start3A_322] : memref<2x!tpu.dma_semaphore, #tpu.memory_space<semaphore_mem>> -> memref<1x!tpu.dma_semaphore, #tpu.memory_space<semaphore_mem>>
        %dma_start3A_327 = tpu.memref_squeeze %dma_start3A_326 : memref<1x!tpu.dma_semaphore, #tpu.memory_space<semaphore_mem>> -> memref<!tpu.dma_semaphore, #tpu.memory_space<semaphore_mem>>
        %dma_start3A_328 = arith.constant 0 : i32
        %dma_start3A_329 = tpu.memref_slice %arg11[%dma_start3A_328] : memref<3136xf32, #tpu.memory_space<vmem>> -> memref<1568xf32, #tpu.memory_space<vmem>>
        %dma_start3A_330 = tpu.memref_slice %arg5[%add3A_301] : memref<5017600xf32, #tpu.memory_space<hbm>> -> memref<1568xf32, #tpu.memory_space<hbm>>
        tpu.enqueue_dma source(%dma_start3A_330 : memref<1568xf32, #tpu.memory_space<hbm>>) target(%dma_start3A_329 : memref<1568xf32, #tpu.memory_space<vmem>>) target_semaphore(%dma_start3A_327 : memref<!tpu.dma_semaphore, #tpu.memory_space<semaphore_mem>>)
        %lt3A_331 = arith.constant 25 : i32
        %lt3A_332 = arith.cmpi slt, %add3A_162, %lt3A_331 : i32
        %convert_element_type3A = arith.extui %lt3A_332 : i1 to i32
        %cond3A = arith.constant 0 : i32
        %cond3A_333 = arith.cmpi ne, %convert_element_type3A, %cond3A : i32
        scf.if %cond3A_333 {
          %scan3A_334 = arith.constant 0 : i32
          %scan3A_335 = arith.constant 7 : i32
          %scan3A_336 = arith.addi %scan3A_334, %scan3A_335 : i32
          %scan3A_337 = arith.constant 1 : i32
          scf.for %scan3A_339 = %scan3A_334 to %scan3A_336 step %scan3A_337  : i32 {
            %add3A_340 = arith.addi %add3A_45, %scan3A_339 : i32
            %convert_element_type3A_341 = arith.sitofp %add3A_340 : i32 to f32
            %parallel_loop3A = arith.constant 0 : i32
            %parallel_loop3A_342 = arith.constant 14 : i32
            %parallel_loop3A_343 = arith.constant 1 : i32
            scf.for %parallel_loop3A_344 = %parallel_loop3A to %parallel_loop3A_342 step %parallel_loop3A_343  : i32 {
              %parallel_loop3A_345 = arith.constant 224 : i32
              %parallel_loop3A_346 = arith.muli %scan3A_339, %parallel_loop3A_345 : i32
              %parallel_loop3A_347 = arith.constant 16 : i32
              %parallel_loop3A_348 = arith.muli %parallel_loop3A_344, %parallel_loop3A_347 : i32
              %parallel_loop3A_349 = arith.addi %parallel_loop3A_346, %parallel_loop3A_348 : i32
              %parallel_loop3A_350 = tpu.iota {dimensions = array<i32: 0>} : vector<16xi32>
              %parallel_loop3A_351 = arith.constant 16 : i32
              %parallel_loop3A_352 = arith.muli %parallel_loop3A_344, %parallel_loop3A_351 : i32
              %parallel_loop3A_353 = vector.broadcast %parallel_loop3A_352 : i32 to vector<16xi32>
              %parallel_loop3A_354 = arith.addi %parallel_loop3A_350, %parallel_loop3A_353 : vector<16xi32>
              %parallel_loop3A_355 = arith.sitofp %parallel_loop3A_354 : vector<16xi32> to vector<16xf32>
              %parallel_loop3A_356 = arith.constant 1568 : i32
              %parallel_loop3A_357 = arith.addi %parallel_loop3A_356, %parallel_loop3A_349 : i32
              %parallel_loop3A_358 = arith.index_cast %parallel_loop3A_357 : i32 to index
              %parallel_loop3A_359 = tpu.vector_load %arg9[%parallel_loop3A_358] {strides = array<i32>} : memref<3136xf32, #tpu.memory_space<vmem>>, vector<16xf32>,
              %parallel_loop3A_360 = arith.constant 1568 : i32
              %parallel_loop3A_361 = arith.addi %parallel_loop3A_360, %parallel_loop3A_349 : i32
              %parallel_loop3A_362 = arith.index_cast %parallel_loop3A_361 : i32 to index
              %parallel_loop3A_363 = tpu.vector_load %arg10[%parallel_loop3A_362] {strides = array<i32>} : memref<3136xf32, #tpu.memory_space<vmem>>, vector<16xf32>,
              %parallel_loop3A_364 = arith.constant 1568 : i32
              %parallel_loop3A_365 = arith.addi %parallel_loop3A_364, %parallel_loop3A_349 : i32
              %parallel_loop3A_366 = arith.index_cast %parallel_loop3A_365 : i32 to index
              %parallel_loop3A_367 = tpu.vector_load %arg11[%parallel_loop3A_366] {strides = array<i32>} : memref<3136xf32, #tpu.memory_space<vmem>>, vector<16xf32>,
              %parallel_loop3A_368 = arith.constant 4.000000e+00 : f32
              %parallel_loop3A_369 = vector.broadcast %parallel_loop3A_368 : f32 to vector<16xf32>
              %parallel_loop3A_370 = arith.addf %parallel_loop3A_355, %parallel_loop3A_369 : vector<16xf32>
              %parallel_loop3A_371 = arith.addf %parallel_loop3A_370, %parallel_loop3A_359 : vector<16xf32>
              %parallel_loop3A_372 = arith.constant 2.000000e+00 : f32
              %parallel_loop3A_373 = arith.constant 2.290000e+02 : f32
              %parallel_loop3A_374 = vector.broadcast %parallel_loop3A_372 : f32 to vector<16xf32>
              %parallel_loop3A_375 = arith.maximumf %parallel_loop3A_374, %parallel_loop3A_371 : vector<16xf32>
              %parallel_loop3A_376 = vector.broadcast %parallel_loop3A_373 : f32 to vector<16xf32>
              %parallel_loop3A_377 = arith.minimumf %parallel_loop3A_376, %parallel_loop3A_375 : vector<16xf32>
              %parallel_loop3A_378 = arith.constant 4.000000e+00 : f32
              %parallel_loop3A_379 = arith.addf %convert_element_type3A_341, %parallel_loop3A_378 : f32
              %parallel_loop3A_380 = vector.broadcast %parallel_loop3A_379 : f32 to vector<16xf32>
              %parallel_loop3A_381 = arith.addf %parallel_loop3A_380, %parallel_loop3A_363 : vector<16xf32>
              %parallel_loop3A_382 = arith.constant 2.000000e+00 : f32
              %parallel_loop3A_383 = arith.constant 2.290000e+02 : f32
              %parallel_loop3A_384 = vector.broadcast %parallel_loop3A_382 : f32 to vector<16xf32>
              %parallel_loop3A_385 = arith.maximumf %parallel_loop3A_384, %parallel_loop3A_381 : vector<16xf32>
              %parallel_loop3A_386 = vector.broadcast %parallel_loop3A_383 : f32 to vector<16xf32>
              %parallel_loop3A_387 = arith.minimumf %parallel_loop3A_386, %parallel_loop3A_385 : vector<16xf32>
              %parallel_loop3A_388 = arith.fptosi %parallel_loop3A_377 : vector<16xf32> to vector<16xi32>
              %parallel_loop3A_389 = arith.fptosi %parallel_loop3A_387 : vector<16xf32> to vector<16xi32>
              %parallel_loop3A_390 = arith.sitofp %parallel_loop3A_388 : vector<16xi32> to vector<16xf32>
              %parallel_loop3A_391 = arith.subf %parallel_loop3A_377, %parallel_loop3A_390 : vector<16xf32>
              %parallel_loop3A_392 = arith.sitofp %parallel_loop3A_389 : vector<16xi32> to vector<16xf32>
              %parallel_loop3A_393 = arith.subf %parallel_loop3A_387, %parallel_loop3A_392 : vector<16xf32>
              %parallel_loop3A_394 = arith.constant 2 : i32
              %parallel_loop3A_395 = vector.broadcast %parallel_loop3A_394 : i32 to vector<16xi32>
              %parallel_loop3A_396 = arith.subi %parallel_loop3A_389, %parallel_loop3A_395 : vector<16xi32>
              %parallel_loop3A_397 = arith.constant 232 : i32
              %parallel_loop3A_398 = vector.broadcast %parallel_loop3A_397 : i32 to vector<16xi32>
              %parallel_loop3A_399 = arith.muli %parallel_loop3A_396, %parallel_loop3A_398 : vector<16xi32>
              %parallel_loop3A_400 = arith.constant 2 : i32
              %parallel_loop3A_401 = vector.broadcast %parallel_loop3A_400 : i32 to vector<16xi32>
              %parallel_loop3A_402 = arith.subi %parallel_loop3A_388, %parallel_loop3A_401 : vector<16xi32>
              %parallel_loop3A_403 = arith.addi %parallel_loop3A_399, %parallel_loop3A_402 : vector<16xi32>
              %parallel_loop3A_404 = arith.constant 1.000000e+00 : f32
              %parallel_loop3A_405 = vector.broadcast %parallel_loop3A_404 : f32 to vector<16xf32>
              %parallel_loop3A_406 = arith.addf %parallel_loop3A_391, %parallel_loop3A_405 : vector<16xf32>
              %parallel_loop3A_407 = arith.constant 1.000000e+00 : f32
              %parallel_loop3A_408 = vector.broadcast %parallel_loop3A_407 : f32 to vector<16xf32>
              %parallel_loop3A_409 = arith.subf %parallel_loop3A_408, %parallel_loop3A_391 : vector<16xf32>
              %parallel_loop3A_410 = arith.constant 2.000000e+00 : f32
              %parallel_loop3A_411 = vector.broadcast %parallel_loop3A_410 : f32 to vector<16xf32>
              %parallel_loop3A_412 = arith.subf %parallel_loop3A_411, %parallel_loop3A_391 : vector<16xf32>
              %parallel_loop3A_413 = arith.constant -7.500000e-01 : f32
              %parallel_loop3A_414 = vector.broadcast %parallel_loop3A_413 : f32 to vector<16xf32>
              %parallel_loop3A_415 = arith.mulf %parallel_loop3A_414, %parallel_loop3A_406 : vector<16xf32>
              %parallel_loop3A_416 = arith.constant -3.750000e+00 : f32
              %parallel_loop3A_417 = vector.broadcast %parallel_loop3A_416 : f32 to vector<16xf32>
              %parallel_loop3A_418 = arith.subf %parallel_loop3A_415, %parallel_loop3A_417 : vector<16xf32>
              %parallel_loop3A_419 = arith.mulf %parallel_loop3A_418, %parallel_loop3A_406 : vector<16xf32>
              %parallel_loop3A_420 = arith.constant -6.000000e+00 : f32
              %parallel_loop3A_421 = vector.broadcast %parallel_loop3A_420 : f32 to vector<16xf32>
              %parallel_loop3A_422 = arith.addf %parallel_loop3A_419, %parallel_loop3A_421 : vector<16xf32>
              %parallel_loop3A_423 = arith.mulf %parallel_loop3A_422, %parallel_loop3A_406 : vector<16xf32>
              %parallel_loop3A_424 = arith.constant -3.000000e+00 : f32
              %parallel_loop3A_425 = vector.broadcast %parallel_loop3A_424 : f32 to vector<16xf32>
              %parallel_loop3A_426 = arith.subf %parallel_loop3A_423, %parallel_loop3A_425 : vector<16xf32>
              %parallel_loop3A_427 = arith.constant 1.250000e+00 : f32
              %parallel_loop3A_428 = vector.broadcast %parallel_loop3A_427 : f32 to vector<16xf32>
              %parallel_loop3A_429 = arith.mulf %parallel_loop3A_428, %parallel_loop3A_391 : vector<16xf32>
              %parallel_loop3A_430 = arith.constant 2.250000e+00 : f32
              %parallel_loop3A_431 = vector.broadcast %parallel_loop3A_430 : f32 to vector<16xf32>
              %parallel_loop3A_432 = arith.subf %parallel_loop3A_429, %parallel_loop3A_431 : vector<16xf32>
              %parallel_loop3A_433 = arith.mulf %parallel_loop3A_432, %parallel_loop3A_391 : vector<16xf32>
              %parallel_loop3A_434 = arith.mulf %parallel_loop3A_433, %parallel_loop3A_391 : vector<16xf32>
              %parallel_loop3A_435 = arith.constant 1.000000e+00 : f32
              %parallel_loop3A_436 = vector.broadcast %parallel_loop3A_435 : f32 to vector<16xf32>
              %parallel_loop3A_437 = arith.addf %parallel_loop3A_434, %parallel_loop3A_436 : vector<16xf32>
              %parallel_loop3A_438 = arith.constant 1.250000e+00 : f32
              %parallel_loop3A_439 = vector.broadcast %parallel_loop3A_438 : f32 to vector<16xf32>
              %parallel_loop3A_440 = arith.mulf %parallel_loop3A_439, %parallel_loop3A_409 : vector<16xf32>
              %parallel_loop3A_441 = arith.constant 2.250000e+00 : f32
              %parallel_loop3A_442 = vector.broadcast %parallel_loop3A_441 : f32 to vector<16xf32>
              %parallel_loop3A_443 = arith.subf %parallel_loop3A_440, %parallel_loop3A_442 : vector<16xf32>
              %parallel_loop3A_444 = arith.mulf %parallel_loop3A_443, %parallel_loop3A_409 : vector<16xf32>
              %parallel_loop3A_445 = arith.mulf %parallel_loop3A_444, %parallel_loop3A_409 : vector<16xf32>
              %parallel_loop3A_446 = arith.constant 1.000000e+00 : f32
              %parallel_loop3A_447 = vector.broadcast %parallel_loop3A_446 : f32 to vector<16xf32>
              %parallel_loop3A_448 = arith.addf %parallel_loop3A_445, %parallel_loop3A_447 : vector<16xf32>
              %parallel_loop3A_449 = arith.constant -7.500000e-01 : f32
              %parallel_loop3A_450 = vector.broadcast %parallel_loop3A_449 : f32 to vector<16xf32>
              %parallel_loop3A_451 = arith.mulf %parallel_loop3A_450, %parallel_loop3A_412 : vector<16xf32>
              %parallel_loop3A_452 = arith.constant -3.750000e+00 : f32
              %parallel_loop3A_453 = vector.broadcast %parallel_loop3A_452 : f32 to vector<16xf32>
              %parallel_loop3A_454 = arith.subf %parallel_loop3A_451, %parallel_loop3A_453 : vector<16xf32>
              %parallel_loop3A_455 = arith.mulf %parallel_loop3A_454, %parallel_loop3A_412 : vector<16xf32>
              %parallel_loop3A_456 = arith.constant -6.000000e+00 : f32
              %parallel_loop3A_457 = vector.broadcast %parallel_loop3A_456 : f32 to vector<16xf32>
              %parallel_loop3A_458 = arith.addf %parallel_loop3A_455, %parallel_loop3A_457 : vector<16xf32>
              %parallel_loop3A_459 = arith.mulf %parallel_loop3A_458, %parallel_loop3A_412 : vector<16xf32>
              %parallel_loop3A_460 = arith.constant -3.000000e+00 : f32
              %parallel_loop3A_461 = vector.broadcast %parallel_loop3A_460 : f32 to vector<16xf32>
              %parallel_loop3A_462 = arith.subf %parallel_loop3A_459, %parallel_loop3A_461 : vector<16xf32>
              %parallel_loop3A_463 = arith.constant 1.000000e+00 : f32
              %parallel_loop3A_464 = vector.broadcast %parallel_loop3A_463 : f32 to vector<16xf32>
              %parallel_loop3A_465 = arith.addf %parallel_loop3A_393, %parallel_loop3A_464 : vector<16xf32>
              %parallel_loop3A_466 = arith.constant 1.000000e+00 : f32
              %parallel_loop3A_467 = vector.broadcast %parallel_loop3A_466 : f32 to vector<16xf32>
              %parallel_loop3A_468 = arith.subf %parallel_loop3A_467, %parallel_loop3A_393 : vector<16xf32>
              %parallel_loop3A_469 = arith.constant 2.000000e+00 : f32
              %parallel_loop3A_470 = vector.broadcast %parallel_loop3A_469 : f32 to vector<16xf32>
              %parallel_loop3A_471 = arith.subf %parallel_loop3A_470, %parallel_loop3A_393 : vector<16xf32>
              %parallel_loop3A_472 = arith.constant -7.500000e-01 : f32
              %parallel_loop3A_473 = vector.broadcast %parallel_loop3A_472 : f32 to vector<16xf32>
              %parallel_loop3A_474 = arith.mulf %parallel_loop3A_473, %parallel_loop3A_465 : vector<16xf32>
              %parallel_loop3A_475 = arith.constant -3.750000e+00 : f32
              %parallel_loop3A_476 = vector.broadcast %parallel_loop3A_475 : f32 to vector<16xf32>
              %parallel_loop3A_477 = arith.subf %parallel_loop3A_474, %parallel_loop3A_476 : vector<16xf32>
              %parallel_loop3A_478 = arith.mulf %parallel_loop3A_477, %parallel_loop3A_465 : vector<16xf32>
              %parallel_loop3A_479 = arith.constant -6.000000e+00 : f32
              %parallel_loop3A_480 = vector.broadcast %parallel_loop3A_479 : f32 to vector<16xf32>
              %parallel_loop3A_481 = arith.addf %parallel_loop3A_478, %parallel_loop3A_480 : vector<16xf32>
              %parallel_loop3A_482 = arith.mulf %parallel_loop3A_481, %parallel_loop3A_465 : vector<16xf32>
              %parallel_loop3A_483 = arith.constant -3.000000e+00 : f32
              %parallel_loop3A_484 = vector.broadcast %parallel_loop3A_483 : f32 to vector<16xf32>
              %parallel_loop3A_485 = arith.subf %parallel_loop3A_482, %parallel_loop3A_484 : vector<16xf32>
              %parallel_loop3A_486 = arith.constant 1.250000e+00 : f32
              %parallel_loop3A_487 = vector.broadcast %parallel_loop3A_486 : f32 to vector<16xf32>
              %parallel_loop3A_488 = arith.mulf %parallel_loop3A_487, %parallel_loop3A_393 : vector<16xf32>
              %parallel_loop3A_489 = arith.constant 2.250000e+00 : f32
              %parallel_loop3A_490 = vector.broadcast %parallel_loop3A_489 : f32 to vector<16xf32>
              %parallel_loop3A_491 = arith.subf %parallel_loop3A_488, %parallel_loop3A_490 : vector<16xf32>
              %parallel_loop3A_492 = arith.mulf %parallel_loop3A_491, %parallel_loop3A_393 : vector<16xf32>
              %parallel_loop3A_493 = arith.mulf %parallel_loop3A_492, %parallel_loop3A_393 : vector<16xf32>
              %parallel_loop3A_494 = arith.constant 1.000000e+00 : f32
              %parallel_loop3A_495 = vector.broadcast %parallel_loop3A_494 : f32 to vector<16xf32>
              %parallel_loop3A_496 = arith.addf %parallel_loop3A_493, %parallel_loop3A_495 : vector<16xf32>
              %parallel_loop3A_497 = arith.constant 1.250000e+00 : f32
              %parallel_loop3A_498 = vector.broadcast %parallel_loop3A_497 : f32 to vector<16xf32>
              %parallel_loop3A_499 = arith.mulf %parallel_loop3A_498, %parallel_loop3A_468 : vector<16xf32>
              %parallel_loop3A_500 = arith.constant 2.250000e+00 : f32
              %parallel_loop3A_501 = vector.broadcast %parallel_loop3A_500 : f32 to vector<16xf32>
              %parallel_loop3A_502 = arith.subf %parallel_loop3A_499, %parallel_loop3A_501 : vector<16xf32>
              %parallel_loop3A_503 = arith.mulf %parallel_loop3A_502, %parallel_loop3A_468 : vector<16xf32>
              %parallel_loop3A_504 = arith.mulf %parallel_loop3A_503, %parallel_loop3A_468 : vector<16xf32>
              %parallel_loop3A_505 = arith.constant 1.000000e+00 : f32
              %parallel_loop3A_506 = vector.broadcast %parallel_loop3A_505 : f32 to vector<16xf32>
              %parallel_loop3A_507 = arith.addf %parallel_loop3A_504, %parallel_loop3A_506 : vector<16xf32>
              %parallel_loop3A_508 = arith.constant -7.500000e-01 : f32
              %parallel_loop3A_509 = vector.broadcast %parallel_loop3A_508 : f32 to vector<16xf32>
              %parallel_loop3A_510 = arith.mulf %parallel_loop3A_509, %parallel_loop3A_471 : vector<16xf32>
              %parallel_loop3A_511 = arith.constant -3.750000e+00 : f32
              %parallel_loop3A_512 = vector.broadcast %parallel_loop3A_511 : f32 to vector<16xf32>
              %parallel_loop3A_513 = arith.subf %parallel_loop3A_510, %parallel_loop3A_512 : vector<16xf32>
              %parallel_loop3A_514 = arith.mulf %parallel_loop3A_513, %parallel_loop3A_471 : vector<16xf32>
              %parallel_loop3A_515 = arith.constant -6.000000e+00 : f32
              %parallel_loop3A_516 = vector.broadcast %parallel_loop3A_515 : f32 to vector<16xf32>
              %parallel_loop3A_517 = arith.addf %parallel_loop3A_514, %parallel_loop3A_516 : vector<16xf32>
              %parallel_loop3A_518 = arith.mulf %parallel_loop3A_517, %parallel_loop3A_471 : vector<16xf32>
              %parallel_loop3A_519 = arith.constant -3.000000e+00 : f32
              %parallel_loop3A_520 = vector.broadcast %parallel_loop3A_519 : f32 to vector<16xf32>
              %parallel_loop3A_521 = arith.subf %parallel_loop3A_518, %parallel_loop3A_520 : vector<16xf32>
              %parallel_loop3A_522 = tpu.pack_subelements %parallel_loop3A_426, %parallel_loop3A_426 {pack_format = #tpu.pack_format<interleaved>, positions = array<i32: 0, 1>} : vector<16xf32>, vector<16xf32> -> vector<32xbf16>
              %parallel_loop3A_523 = tpu.pack_subelements %parallel_loop3A_437, %parallel_loop3A_437 {pack_format = #tpu.pack_format<interleaved>, positions = array<i32: 0, 1>} : vector<16xf32>, vector<16xf32> -> vector<32xbf16>
              %parallel_loop3A_524 = tpu.pack_subelements %parallel_loop3A_448, %parallel_loop3A_448 {pack_format = #tpu.pack_format<interleaved>, positions = array<i32: 0, 1>} : vector<16xf32>, vector<16xf32> -> vector<32xbf16>
              %parallel_loop3A_525 = tpu.pack_subelements %parallel_loop3A_462, %parallel_loop3A_462 {pack_format = #tpu.pack_format<interleaved>, positions = array<i32: 0, 1>} : vector<16xf32>, vector<16xf32> -> vector<32xbf16>
              %parallel_loop3A_526 = tpu.pack_subelements %parallel_loop3A_485, %parallel_loop3A_485 {pack_format = #tpu.pack_format<interleaved>, positions = array<i32: 0, 1>} : vector<16xf32>, vector<16xf32> -> vector<32xbf16>
              %parallel_loop3A_527 = tpu.pack_subelements %parallel_loop3A_496, %parallel_loop3A_496 {pack_format = #tpu.pack_format<interleaved>, positions = array<i32: 0, 1>} : vector<16xf32>, vector<16xf32> -> vector<32xbf16>
              %parallel_loop3A_528 = tpu.pack_subelements %parallel_loop3A_507, %parallel_loop3A_507 {pack_format = #tpu.pack_format<interleaved>, positions = array<i32: 0, 1>} : vector<16xf32>, vector<16xf32> -> vector<32xbf16>
              %parallel_loop3A_529 = tpu.pack_subelements %parallel_loop3A_521, %parallel_loop3A_521 {pack_format = #tpu.pack_format<interleaved>, positions = array<i32: 0, 1>} : vector<16xf32>, vector<16xf32> -> vector<32xbf16>
              %parallel_loop3A_530 = arith.constant 0.000000e+00 : bf16
              %parallel_loop3A_531 = vector.broadcast %parallel_loop3A_530 : bf16 to vector<32xbf16>
              %parallel_loop3A_532 = arith.constant 0.000000e+00 : f32
              %parallel_loop3A_533 = vector.broadcast %parallel_loop3A_532 : f32 to vector<16xf32>
              %parallel_loop3A_534 = arith.constant 0.000000e+00 : bf16
              %parallel_loop3A_535 = vector.broadcast %parallel_loop3A_534 : bf16 to vector<32xbf16>
              %parallel_loop3A_536 = arith.constant 0.000000e+00 : f32
              %parallel_loop3A_537 = vector.broadcast %parallel_loop3A_536 : f32 to vector<16xf32>
              %parallel_loop3A_538 = arith.constant 0 : i32
              %parallel_loop3A_539 = vector.broadcast %parallel_loop3A_538 : i32 to vector<16xi32>
              %parallel_loop3A_540 = arith.addi %parallel_loop3A_403, %parallel_loop3A_539 : vector<16xi32>
              %parallel_loop3A_541 = tpu.vector_load_idx %arg7[%parallel_loop3A_540] : memref<53592xi32, #tpu.memory_space<vmem>>[vector<16xi32>], vector<16xi32>,
              %parallel_loop3A_542 = tpu.vector_load_idx %arg8[%parallel_loop3A_540] : memref<53592xf32, #tpu.memory_space<vmem>>[vector<16xi32>], vector<16xf32>,
              %parallel_loop3A_543 = vector.bitcast %parallel_loop3A_541 : vector<16xi32> to vector<32xbf16>
              %parallel_loop3A_544 = arith.mulf %parallel_loop3A_522, %parallel_loop3A_543 : vector<32xbf16>
              %parallel_loop3A_545 = arith.addf %parallel_loop3A_535, %parallel_loop3A_544 : vector<32xbf16>
              %parallel_loop3A_546 = arith.mulf %parallel_loop3A_426, %parallel_loop3A_542 : vector<16xf32>
              %parallel_loop3A_547 = arith.addf %parallel_loop3A_537, %parallel_loop3A_546 : vector<16xf32>
              %parallel_loop3A_548 = arith.constant 1 : i32
              %parallel_loop3A_549 = vector.broadcast %parallel_loop3A_548 : i32 to vector<16xi32>
              %parallel_loop3A_550 = arith.addi %parallel_loop3A_403, %parallel_loop3A_549 : vector<16xi32>
              %parallel_loop3A_551 = tpu.vector_load_idx %arg7[%parallel_loop3A_550] : memref<53592xi32, #tpu.memory_space<vmem>>[vector<16xi32>], vector<16xi32>,
              %parallel_loop3A_552 = tpu.vector_load_idx %arg8[%parallel_loop3A_550] : memref<53592xf32, #tpu.memory_space<vmem>>[vector<16xi32>], vector<16xf32>,
              %parallel_loop3A_553 = vector.bitcast %parallel_loop3A_551 : vector<16xi32> to vector<32xbf16>
              %parallel_loop3A_554 = arith.mulf %parallel_loop3A_523, %parallel_loop3A_553 : vector<32xbf16>
              %parallel_loop3A_555 = arith.addf %parallel_loop3A_545, %parallel_loop3A_554 : vector<32xbf16>
              %parallel_loop3A_556 = arith.mulf %parallel_loop3A_437, %parallel_loop3A_552 : vector<16xf32>
              %parallel_loop3A_557 = arith.addf %parallel_loop3A_547, %parallel_loop3A_556 : vector<16xf32>
              %parallel_loop3A_558 = arith.constant 2 : i32
              %parallel_loop3A_559 = vector.broadcast %parallel_loop3A_558 : i32 to vector<16xi32>
              %parallel_loop3A_560 = arith.addi %parallel_loop3A_403, %parallel_loop3A_559 : vector<16xi32>
              %parallel_loop3A_561 = tpu.vector_load_idx %arg7[%parallel_loop3A_560] : memref<53592xi32, #tpu.memory_space<vmem>>[vector<16xi32>], vector<16xi32>,
              %parallel_loop3A_562 = tpu.vector_load_idx %arg8[%parallel_loop3A_560] : memref<53592xf32, #tpu.memory_space<vmem>>[vector<16xi32>], vector<16xf32>,
              %parallel_loop3A_563 = vector.bitcast %parallel_loop3A_561 : vector<16xi32> to vector<32xbf16>
              %parallel_loop3A_564 = arith.mulf %parallel_loop3A_524, %parallel_loop3A_563 : vector<32xbf16>
              %parallel_loop3A_565 = arith.addf %parallel_loop3A_555, %parallel_loop3A_564 : vector<32xbf16>
              %parallel_loop3A_566 = arith.mulf %parallel_loop3A_448, %parallel_loop3A_562 : vector<16xf32>
              %parallel_loop3A_567 = arith.addf %parallel_loop3A_557, %parallel_loop3A_566 : vector<16xf32>
              %parallel_loop3A_568 = arith.constant 3 : i32
              %parallel_loop3A_569 = vector.broadcast %parallel_loop3A_568 : i32 to vector<16xi32>
              %parallel_loop3A_570 = arith.addi %parallel_loop3A_403, %parallel_loop3A_569 : vector<16xi32>
              %parallel_loop3A_571 = tpu.vector_load_idx %arg7[%parallel_loop3A_570] : memref<53592xi32, #tpu.memory_space<vmem>>[vector<16xi32>], vector<16xi32>,
              %parallel_loop3A_572 = tpu.vector_load_idx %arg8[%parallel_loop3A_570] : memref<53592xf32, #tpu.memory_space<vmem>>[vector<16xi32>], vector<16xf32>,
              %parallel_loop3A_573 = vector.bitcast %parallel_loop3A_571 : vector<16xi32> to vector<32xbf16>
              %parallel_loop3A_574 = arith.mulf %parallel_loop3A_525, %parallel_loop3A_573 : vector<32xbf16>
              %parallel_loop3A_575 = arith.addf %parallel_loop3A_565, %parallel_loop3A_574 : vector<32xbf16>
              %parallel_loop3A_576 = arith.mulf %parallel_loop3A_462, %parallel_loop3A_572 : vector<16xf32>
              %parallel_loop3A_577 = arith.addf %parallel_loop3A_567, %parallel_loop3A_576 : vector<16xf32>
              %parallel_loop3A_578 = arith.mulf %parallel_loop3A_526, %parallel_loop3A_575 : vector<32xbf16>
              %parallel_loop3A_579 = arith.addf %parallel_loop3A_531, %parallel_loop3A_578 : vector<32xbf16>
              %parallel_loop3A_580 = arith.mulf %parallel_loop3A_485, %parallel_loop3A_577 : vector<16xf32>
              %parallel_loop3A_581 = arith.addf %parallel_loop3A_533, %parallel_loop3A_580 : vector<16xf32>
              %parallel_loop3A_582 = arith.constant 0.000000e+00 : bf16
              %parallel_loop3A_583 = vector.broadcast %parallel_loop3A_582 : bf16 to vector<32xbf16>
              %parallel_loop3A_584 = arith.constant 0.000000e+00 : f32
              %parallel_loop3A_585 = vector.broadcast %parallel_loop3A_584 : f32 to vector<16xf32>
              %parallel_loop3A_586 = arith.constant 232 : i32
              %parallel_loop3A_587 = vector.broadcast %parallel_loop3A_586 : i32 to vector<16xi32>
              %parallel_loop3A_588 = arith.addi %parallel_loop3A_403, %parallel_loop3A_587 : vector<16xi32>
              %parallel_loop3A_589 = tpu.vector_load_idx %arg7[%parallel_loop3A_588] : memref<53592xi32, #tpu.memory_space<vmem>>[vector<16xi32>], vector<16xi32>,
              %parallel_loop3A_590 = tpu.vector_load_idx %arg8[%parallel_loop3A_588] : memref<53592xf32, #tpu.memory_space<vmem>>[vector<16xi32>], vector<16xf32>,
              %parallel_loop3A_591 = vector.bitcast %parallel_loop3A_589 : vector<16xi32> to vector<32xbf16>
              %parallel_loop3A_592 = arith.mulf %parallel_loop3A_522, %parallel_loop3A_591 : vector<32xbf16>
              %parallel_loop3A_593 = arith.addf %parallel_loop3A_583, %parallel_loop3A_592 : vector<32xbf16>
              %parallel_loop3A_594 = arith.mulf %parallel_loop3A_426, %parallel_loop3A_590 : vector<16xf32>
              %parallel_loop3A_595 = arith.addf %parallel_loop3A_585, %parallel_loop3A_594 : vector<16xf32>
              %parallel_loop3A_596 = arith.constant 233 : i32
              %parallel_loop3A_597 = vector.broadcast %parallel_loop3A_596 : i32 to vector<16xi32>
              %parallel_loop3A_598 = arith.addi %parallel_loop3A_403, %parallel_loop3A_597 : vector<16xi32>
              %parallel_loop3A_599 = tpu.vector_load_idx %arg7[%parallel_loop3A_598] : memref<53592xi32, #tpu.memory_space<vmem>>[vector<16xi32>], vector<16xi32>,
              %parallel_loop3A_600 = tpu.vector_load_idx %arg8[%parallel_loop3A_598] : memref<53592xf32, #tpu.memory_space<vmem>>[vector<16xi32>], vector<16xf32>,
              %parallel_loop3A_601 = vector.bitcast %parallel_loop3A_599 : vector<16xi32> to vector<32xbf16>
              %parallel_loop3A_602 = arith.mulf %parallel_loop3A_523, %parallel_loop3A_601 : vector<32xbf16>
              %parallel_loop3A_603 = arith.addf %parallel_loop3A_593, %parallel_loop3A_602 : vector<32xbf16>
              %parallel_loop3A_604 = arith.mulf %parallel_loop3A_437, %parallel_loop3A_600 : vector<16xf32>
              %parallel_loop3A_605 = arith.addf %parallel_loop3A_595, %parallel_loop3A_604 : vector<16xf32>
              %parallel_loop3A_606 = arith.constant 234 : i32
              %parallel_loop3A_607 = vector.broadcast %parallel_loop3A_606 : i32 to vector<16xi32>
              %parallel_loop3A_608 = arith.addi %parallel_loop3A_403, %parallel_loop3A_607 : vector<16xi32>
              %parallel_loop3A_609 = tpu.vector_load_idx %arg7[%parallel_loop3A_608] : memref<53592xi32, #tpu.memory_space<vmem>>[vector<16xi32>], vector<16xi32>,
              %parallel_loop3A_610 = tpu.vector_load_idx %arg8[%parallel_loop3A_608] : memref<53592xf32, #tpu.memory_space<vmem>>[vector<16xi32>], vector<16xf32>,
              %parallel_loop3A_611 = vector.bitcast %parallel_loop3A_609 : vector<16xi32> to vector<32xbf16>
              %parallel_loop3A_612 = arith.mulf %parallel_loop3A_524, %parallel_loop3A_611 : vector<32xbf16>
              %parallel_loop3A_613 = arith.addf %parallel_loop3A_603, %parallel_loop3A_612 : vector<32xbf16>
              %parallel_loop3A_614 = arith.mulf %parallel_loop3A_448, %parallel_loop3A_610 : vector<16xf32>
              %parallel_loop3A_615 = arith.addf %parallel_loop3A_605, %parallel_loop3A_614 : vector<16xf32>
              %parallel_loop3A_616 = arith.constant 235 : i32
              %parallel_loop3A_617 = vector.broadcast %parallel_loop3A_616 : i32 to vector<16xi32>
              %parallel_loop3A_618 = arith.addi %parallel_loop3A_403, %parallel_loop3A_617 : vector<16xi32>
              %parallel_loop3A_619 = tpu.vector_load_idx %arg7[%parallel_loop3A_618] : memref<53592xi32, #tpu.memory_space<vmem>>[vector<16xi32>], vector<16xi32>,
              %parallel_loop3A_620 = tpu.vector_load_idx %arg8[%parallel_loop3A_618] : memref<53592xf32, #tpu.memory_space<vmem>>[vector<16xi32>], vector<16xf32>,
              %parallel_loop3A_621 = vector.bitcast %parallel_loop3A_619 : vector<16xi32> to vector<32xbf16>
              %parallel_loop3A_622 = arith.mulf %parallel_loop3A_525, %parallel_loop3A_621 : vector<32xbf16>
              %parallel_loop3A_623 = arith.addf %parallel_loop3A_613, %parallel_loop3A_622 : vector<32xbf16>
              %parallel_loop3A_624 = arith.mulf %parallel_loop3A_462, %parallel_loop3A_620 : vector<16xf32>
              %parallel_loop3A_625 = arith.addf %parallel_loop3A_615, %parallel_loop3A_624 : vector<16xf32>
              %parallel_loop3A_626 = arith.mulf %parallel_loop3A_527, %parallel_loop3A_623 : vector<32xbf16>
              %parallel_loop3A_627 = arith.addf %parallel_loop3A_579, %parallel_loop3A_626 : vector<32xbf16>
              %parallel_loop3A_628 = arith.mulf %parallel_loop3A_496, %parallel_loop3A_625 : vector<16xf32>
              %parallel_loop3A_629 = arith.addf %parallel_loop3A_581, %parallel_loop3A_628 : vector<16xf32>
              %parallel_loop3A_630 = arith.constant 0.000000e+00 : bf16
              %parallel_loop3A_631 = vector.broadcast %parallel_loop3A_630 : bf16 to vector<32xbf16>
              %parallel_loop3A_632 = arith.constant 0.000000e+00 : f32
              %parallel_loop3A_633 = vector.broadcast %parallel_loop3A_632 : f32 to vector<16xf32>
              %parallel_loop3A_634 = arith.constant 464 : i32
              %parallel_loop3A_635 = vector.broadcast %parallel_loop3A_634 : i32 to vector<16xi32>
              %parallel_loop3A_636 = arith.addi %parallel_loop3A_403, %parallel_loop3A_635 : vector<16xi32>
              %parallel_loop3A_637 = tpu.vector_load_idx %arg7[%parallel_loop3A_636] : memref<53592xi32, #tpu.memory_space<vmem>>[vector<16xi32>], vector<16xi32>,
              %parallel_loop3A_638 = tpu.vector_load_idx %arg8[%parallel_loop3A_636] : memref<53592xf32, #tpu.memory_space<vmem>>[vector<16xi32>], vector<16xf32>,
              %parallel_loop3A_639 = vector.bitcast %parallel_loop3A_637 : vector<16xi32> to vector<32xbf16>
              %parallel_loop3A_640 = arith.mulf %parallel_loop3A_522, %parallel_loop3A_639 : vector<32xbf16>
              %parallel_loop3A_641 = arith.addf %parallel_loop3A_631, %parallel_loop3A_640 : vector<32xbf16>
              %parallel_loop3A_642 = arith.mulf %parallel_loop3A_426, %parallel_loop3A_638 : vector<16xf32>
              %parallel_loop3A_643 = arith.addf %parallel_loop3A_633, %parallel_loop3A_642 : vector<16xf32>
              %parallel_loop3A_644 = arith.constant 465 : i32
              %parallel_loop3A_645 = vector.broadcast %parallel_loop3A_644 : i32 to vector<16xi32>
              %parallel_loop3A_646 = arith.addi %parallel_loop3A_403, %parallel_loop3A_645 : vector<16xi32>
              %parallel_loop3A_647 = tpu.vector_load_idx %arg7[%parallel_loop3A_646] : memref<53592xi32, #tpu.memory_space<vmem>>[vector<16xi32>], vector<16xi32>,
              %parallel_loop3A_648 = tpu.vector_load_idx %arg8[%parallel_loop3A_646] : memref<53592xf32, #tpu.memory_space<vmem>>[vector<16xi32>], vector<16xf32>,
              %parallel_loop3A_649 = vector.bitcast %parallel_loop3A_647 : vector<16xi32> to vector<32xbf16>
              %parallel_loop3A_650 = arith.mulf %parallel_loop3A_523, %parallel_loop3A_649 : vector<32xbf16>
              %parallel_loop3A_651 = arith.addf %parallel_loop3A_641, %parallel_loop3A_650 : vector<32xbf16>
              %parallel_loop3A_652 = arith.mulf %parallel_loop3A_437, %parallel_loop3A_648 : vector<16xf32>
              %parallel_loop3A_653 = arith.addf %parallel_loop3A_643, %parallel_loop3A_652 : vector<16xf32>
              %parallel_loop3A_654 = arith.constant 466 : i32
              %parallel_loop3A_655 = vector.broadcast %parallel_loop3A_654 : i32 to vector<16xi32>
              %parallel_loop3A_656 = arith.addi %parallel_loop3A_403, %parallel_loop3A_655 : vector<16xi32>
              %parallel_loop3A_657 = tpu.vector_load_idx %arg7[%parallel_loop3A_656] : memref<53592xi32, #tpu.memory_space<vmem>>[vector<16xi32>], vector<16xi32>,
              %parallel_loop3A_658 = tpu.vector_load_idx %arg8[%parallel_loop3A_656] : memref<53592xf32, #tpu.memory_space<vmem>>[vector<16xi32>], vector<16xf32>,
              %parallel_loop3A_659 = vector.bitcast %parallel_loop3A_657 : vector<16xi32> to vector<32xbf16>
              %parallel_loop3A_660 = arith.mulf %parallel_loop3A_524, %parallel_loop3A_659 : vector<32xbf16>
              %parallel_loop3A_661 = arith.addf %parallel_loop3A_651, %parallel_loop3A_660 : vector<32xbf16>
              %parallel_loop3A_662 = arith.mulf %parallel_loop3A_448, %parallel_loop3A_658 : vector<16xf32>
              %parallel_loop3A_663 = arith.addf %parallel_loop3A_653, %parallel_loop3A_662 : vector<16xf32>
              %parallel_loop3A_664 = arith.constant 467 : i32
              %parallel_loop3A_665 = vector.broadcast %parallel_loop3A_664 : i32 to vector<16xi32>
              %parallel_loop3A_666 = arith.addi %parallel_loop3A_403, %parallel_loop3A_665 : vector<16xi32>
              %parallel_loop3A_667 = tpu.vector_load_idx %arg7[%parallel_loop3A_666] : memref<53592xi32, #tpu.memory_space<vmem>>[vector<16xi32>], vector<16xi32>,
              %parallel_loop3A_668 = tpu.vector_load_idx %arg8[%parallel_loop3A_666] : memref<53592xf32, #tpu.memory_space<vmem>>[vector<16xi32>], vector<16xf32>,
              %parallel_loop3A_669 = vector.bitcast %parallel_loop3A_667 : vector<16xi32> to vector<32xbf16>
              %parallel_loop3A_670 = arith.mulf %parallel_loop3A_525, %parallel_loop3A_669 : vector<32xbf16>
              %parallel_loop3A_671 = arith.addf %parallel_loop3A_661, %parallel_loop3A_670 : vector<32xbf16>
              %parallel_loop3A_672 = arith.mulf %parallel_loop3A_462, %parallel_loop3A_668 : vector<16xf32>
              %parallel_loop3A_673 = arith.addf %parallel_loop3A_663, %parallel_loop3A_672 : vector<16xf32>
              %parallel_loop3A_674 = arith.mulf %parallel_loop3A_528, %parallel_loop3A_671 : vector<32xbf16>
              %parallel_loop3A_675 = arith.addf %parallel_loop3A_627, %parallel_loop3A_674 : vector<32xbf16>
              %parallel_loop3A_676 = arith.mulf %parallel_loop3A_507, %parallel_loop3A_673 : vector<16xf32>
              %parallel_loop3A_677 = arith.addf %parallel_loop3A_629, %parallel_loop3A_676 : vector<16xf32>
              %parallel_loop3A_678 = arith.constant 0.000000e+00 : bf16
              %parallel_loop3A_679 = vector.broadcast %parallel_loop3A_678 : bf16 to vector<32xbf16>
              %parallel_loop3A_680 = arith.constant 0.000000e+00 : f32
              %parallel_loop3A_681 = vector.broadcast %parallel_loop3A_680 : f32 to vector<16xf32>
              %parallel_loop3A_682 = arith.constant 696 : i32
              %parallel_loop3A_683 = vector.broadcast %parallel_loop3A_682 : i32 to vector<16xi32>
              %parallel_loop3A_684 = arith.addi %parallel_loop3A_403, %parallel_loop3A_683 : vector<16xi32>
              %parallel_loop3A_685 = tpu.vector_load_idx %arg7[%parallel_loop3A_684] : memref<53592xi32, #tpu.memory_space<vmem>>[vector<16xi32>], vector<16xi32>,
              %parallel_loop3A_686 = tpu.vector_load_idx %arg8[%parallel_loop3A_684] : memref<53592xf32, #tpu.memory_space<vmem>>[vector<16xi32>], vector<16xf32>,
              %parallel_loop3A_687 = vector.bitcast %parallel_loop3A_685 : vector<16xi32> to vector<32xbf16>
              %parallel_loop3A_688 = arith.mulf %parallel_loop3A_522, %parallel_loop3A_687 : vector<32xbf16>
              %parallel_loop3A_689 = arith.addf %parallel_loop3A_679, %parallel_loop3A_688 : vector<32xbf16>
              %parallel_loop3A_690 = arith.mulf %parallel_loop3A_426, %parallel_loop3A_686 : vector<16xf32>
              %parallel_loop3A_691 = arith.addf %parallel_loop3A_681, %parallel_loop3A_690 : vector<16xf32>
              %parallel_loop3A_692 = arith.constant 697 : i32
              %parallel_loop3A_693 = vector.broadcast %parallel_loop3A_692 : i32 to vector<16xi32>
              %parallel_loop3A_694 = arith.addi %parallel_loop3A_403, %parallel_loop3A_693 : vector<16xi32>
              %parallel_loop3A_695 = tpu.vector_load_idx %arg7[%parallel_loop3A_694] : memref<53592xi32, #tpu.memory_space<vmem>>[vector<16xi32>], vector<16xi32>,
              %parallel_loop3A_696 = tpu.vector_load_idx %arg8[%parallel_loop3A_694] : memref<53592xf32, #tpu.memory_space<vmem>>[vector<16xi32>], vector<16xf32>,
              %parallel_loop3A_697 = vector.bitcast %parallel_loop3A_695 : vector<16xi32> to vector<32xbf16>
              %parallel_loop3A_698 = arith.mulf %parallel_loop3A_523, %parallel_loop3A_697 : vector<32xbf16>
              %parallel_loop3A_699 = arith.addf %parallel_loop3A_689, %parallel_loop3A_698 : vector<32xbf16>
              %parallel_loop3A_700 = arith.mulf %parallel_loop3A_437, %parallel_loop3A_696 : vector<16xf32>
              %parallel_loop3A_701 = arith.addf %parallel_loop3A_691, %parallel_loop3A_700 : vector<16xf32>
              %parallel_loop3A_702 = arith.constant 698 : i32
              %parallel_loop3A_703 = vector.broadcast %parallel_loop3A_702 : i32 to vector<16xi32>
              %parallel_loop3A_704 = arith.addi %parallel_loop3A_403, %parallel_loop3A_703 : vector<16xi32>
              %parallel_loop3A_705 = tpu.vector_load_idx %arg7[%parallel_loop3A_704] : memref<53592xi32, #tpu.memory_space<vmem>>[vector<16xi32>], vector<16xi32>,
              %parallel_loop3A_706 = tpu.vector_load_idx %arg8[%parallel_loop3A_704] : memref<53592xf32, #tpu.memory_space<vmem>>[vector<16xi32>], vector<16xf32>,
              %parallel_loop3A_707 = vector.bitcast %parallel_loop3A_705 : vector<16xi32> to vector<32xbf16>
              %parallel_loop3A_708 = arith.mulf %parallel_loop3A_524, %parallel_loop3A_707 : vector<32xbf16>
              %parallel_loop3A_709 = arith.addf %parallel_loop3A_699, %parallel_loop3A_708 : vector<32xbf16>
              %parallel_loop3A_710 = arith.mulf %parallel_loop3A_448, %parallel_loop3A_706 : vector<16xf32>
              %parallel_loop3A_711 = arith.addf %parallel_loop3A_701, %parallel_loop3A_710 : vector<16xf32>
              %parallel_loop3A_712 = arith.constant 699 : i32
              %parallel_loop3A_713 = vector.broadcast %parallel_loop3A_712 : i32 to vector<16xi32>
              %parallel_loop3A_714 = arith.addi %parallel_loop3A_403, %parallel_loop3A_713 : vector<16xi32>
              %parallel_loop3A_715 = tpu.vector_load_idx %arg7[%parallel_loop3A_714] : memref<53592xi32, #tpu.memory_space<vmem>>[vector<16xi32>], vector<16xi32>,
              %parallel_loop3A_716 = tpu.vector_load_idx %arg8[%parallel_loop3A_714] : memref<53592xf32, #tpu.memory_space<vmem>>[vector<16xi32>], vector<16xf32>,
              %parallel_loop3A_717 = vector.bitcast %parallel_loop3A_715 : vector<16xi32> to vector<32xbf16>
              %parallel_loop3A_718 = arith.mulf %parallel_loop3A_525, %parallel_loop3A_717 : vector<32xbf16>
              %parallel_loop3A_719 = arith.addf %parallel_loop3A_709, %parallel_loop3A_718 : vector<32xbf16>
              %parallel_loop3A_720 = arith.mulf %parallel_loop3A_462, %parallel_loop3A_716 : vector<16xf32>
              %parallel_loop3A_721 = arith.addf %parallel_loop3A_711, %parallel_loop3A_720 : vector<16xf32>
              %parallel_loop3A_722 = arith.mulf %parallel_loop3A_529, %parallel_loop3A_719 : vector<32xbf16>
              %parallel_loop3A_723 = arith.addf %parallel_loop3A_675, %parallel_loop3A_722 : vector<32xbf16>
              %parallel_loop3A_724 = arith.mulf %parallel_loop3A_521, %parallel_loop3A_721 : vector<16xf32>
              %parallel_loop3A_725 = arith.addf %parallel_loop3A_677, %parallel_loop3A_724 : vector<16xf32>
              %parallel_loop3A_726 = tpu.unpack_subelements %parallel_loop3A_723, 0 {pack_format = #tpu.pack_format<interleaved>} : vector<32xbf16> -> vector<16xf32>
              %parallel_loop3A_727 = tpu.unpack_subelements %parallel_loop3A_723, 1 {pack_format = #tpu.pack_format<interleaved>} : vector<32xbf16> -> vector<16xf32>
              %parallel_loop3A_728 = arith.mulf %parallel_loop3A_367, %parallel_loop3A_726 : vector<16xf32>
              %parallel_loop3A_729 = arith.index_cast %parallel_loop3A_349 : i32 to index
              %parallel_loop3A_730 = tpu.vector_load %arg12[%parallel_loop3A_729] {strides = array<i32>} : memref<4704xf32, #tpu.memory_space<vmem>>, vector<16xf32>,
              tpu.vector_store %arg12[%parallel_loop3A_729], %parallel_loop3A_728 {add = true, strides = array<i32>} : memref<4704xf32, #tpu.memory_space<vmem>>, vector<16xf32>,
              %parallel_loop3A_731 = arith.constant 1568 : i32
              %parallel_loop3A_732 = arith.addi %parallel_loop3A_731, %parallel_loop3A_349 : i32
              %parallel_loop3A_733 = arith.mulf %parallel_loop3A_367, %parallel_loop3A_727 : vector<16xf32>
              %parallel_loop3A_734 = arith.index_cast %parallel_loop3A_732 : i32 to index
              %parallel_loop3A_735 = tpu.vector_load %arg12[%parallel_loop3A_734] {strides = array<i32>} : memref<4704xf32, #tpu.memory_space<vmem>>, vector<16xf32>,
              tpu.vector_store %arg12[%parallel_loop3A_734], %parallel_loop3A_733 {add = true, strides = array<i32>} : memref<4704xf32, #tpu.memory_space<vmem>>, vector<16xf32>,
              %parallel_loop3A_736 = arith.constant 3136 : i32
              %parallel_loop3A_737 = arith.addi %parallel_loop3A_736, %parallel_loop3A_349 : i32
              %parallel_loop3A_738 = arith.mulf %parallel_loop3A_367, %parallel_loop3A_725 : vector<16xf32>
              %parallel_loop3A_739 = arith.index_cast %parallel_loop3A_737 : i32 to index
              %parallel_loop3A_740 = tpu.vector_load %arg12[%parallel_loop3A_739] {strides = array<i32>} : memref<4704xf32, #tpu.memory_space<vmem>>, vector<16xf32>,
              tpu.vector_store %arg12[%parallel_loop3A_739], %parallel_loop3A_738 {add = true, strides = array<i32>} : memref<4704xf32, #tpu.memory_space<vmem>>, vector<16xf32>,
            } {sc.loop_unroll_factor = 2 : i64, sc.parallel_access}
          }
          %scan3A_338 = arith.constant 7 : i32
        } else {
        }
      }
      %scan3A_101 = arith.constant 13 : i32
      %mul3A_102 = arith.constant 2 : i32
      %mul3A_103 = arith.muli %select_n3A, %mul3A_102 : i32
      %mul3A_104 = arith.constant 25 : i32
      %mul3A_105 = arith.muli %mul3A_103, %mul3A_104 : i32
      %mul3A_106 = arith.constant 50176 : i32
      %mul3A_107 = arith.muli %mul3A_105, %mul3A_106 : i32
      %add3A_108 = arith.addi %mul3A_107, %mul3A_47 : i32
      %dma_wait3A = arith.constant 0 : i32
      %dma_wait3A_109 = arith.constant 0 : i32
      %dma_wait3A_110 = tpu.memref_slice %arg9[%dma_wait3A_109] : memref<3136xf32, #tpu.memory_space<vmem>> -> memref<1568xf32, #tpu.memory_space<vmem>>
      %dma_wait3A_111 = tpu.memref_slice %arg4[%add3A_108] : memref<10035200xf32, #tpu.memory_space<hbm>> -> memref<1568xf32, #tpu.memory_space<hbm>>
      %dma_wait3A_112 = tpu.memref_slice %arg13[%dma_wait3A] : memref<2x!tpu.dma_semaphore, #tpu.memory_space<semaphore_mem>> -> memref<1x!tpu.dma_semaphore, #tpu.memory_space<semaphore_mem>>
      %dma_wait3A_113 = tpu.memref_squeeze %dma_wait3A_112 : memref<1x!tpu.dma_semaphore, #tpu.memory_space<semaphore_mem>> -> memref<!tpu.dma_semaphore, #tpu.memory_space<semaphore_mem>>
      %dma_wait3A_114 = arith.constant 0 : i32
      %dma_wait3A_115 = tpu.memref_slice %arg9[%dma_wait3A_114] : memref<3136xf32, #tpu.memory_space<vmem>> -> memref<1568xf32, #tpu.memory_space<vmem>>
      %dma_wait3A_116 = tpu.memref_slice %arg4[%add3A_108] : memref<10035200xf32, #tpu.memory_space<hbm>> -> memref<1568xf32, #tpu.memory_space<hbm>>
      tpu.wait_dma2 semaphore(%dma_wait3A_113 : memref<!tpu.dma_semaphore, #tpu.memory_space<semaphore_mem>>) src(%dma_wait3A_116 : memref<1568xf32, #tpu.memory_space<hbm>>) dst(%dma_wait3A_115 : memref<1568xf32, #tpu.memory_space<vmem>>)
      %dma_wait3A_117 = arith.constant 0 : i32
      %dma_wait3A_118 = arith.constant 0 : i32
      %dma_wait3A_119 = tpu.memref_slice %arg10[%dma_wait3A_118] : memref<3136xf32, #tpu.memory_space<vmem>> -> memref<1568xf32, #tpu.memory_space<vmem>>
      %dma_wait3A_120 = tpu.memref_slice %arg4[%add3A_108] : memref<10035200xf32, #tpu.memory_space<hbm>> -> memref<1568xf32, #tpu.memory_space<hbm>>
      %dma_wait3A_121 = tpu.memref_slice %arg13[%dma_wait3A_117] : memref<2x!tpu.dma_semaphore, #tpu.memory_space<semaphore_mem>> -> memref<1x!tpu.dma_semaphore, #tpu.memory_space<semaphore_mem>>
      %dma_wait3A_122 = tpu.memref_squeeze %dma_wait3A_121 : memref<1x!tpu.dma_semaphore, #tpu.memory_space<semaphore_mem>> -> memref<!tpu.dma_semaphore, #tpu.memory_space<semaphore_mem>>
      %dma_wait3A_123 = arith.constant 0 : i32
      %dma_wait3A_124 = tpu.memref_slice %arg10[%dma_wait3A_123] : memref<3136xf32, #tpu.memory_space<vmem>> -> memref<1568xf32, #tpu.memory_space<vmem>>
      %dma_wait3A_125 = tpu.memref_slice %arg4[%add3A_108] : memref<10035200xf32, #tpu.memory_space<hbm>> -> memref<1568xf32, #tpu.memory_space<hbm>>
      tpu.wait_dma2 semaphore(%dma_wait3A_122 : memref<!tpu.dma_semaphore, #tpu.memory_space<semaphore_mem>>) src(%dma_wait3A_125 : memref<1568xf32, #tpu.memory_space<hbm>>) dst(%dma_wait3A_124 : memref<1568xf32, #tpu.memory_space<vmem>>)
      %dma_wait3A_126 = arith.constant 0 : i32
      %dma_wait3A_127 = arith.constant 0 : i32
      %dma_wait3A_128 = tpu.memref_slice %arg11[%dma_wait3A_127] : memref<3136xf32, #tpu.memory_space<vmem>> -> memref<1568xf32, #tpu.memory_space<vmem>>
      %dma_wait3A_129 = tpu.memref_slice %arg4[%add3A_108] : memref<10035200xf32, #tpu.memory_space<hbm>> -> memref<1568xf32, #tpu.memory_space<hbm>>
      %dma_wait3A_130 = tpu.memref_slice %arg13[%dma_wait3A_126] : memref<2x!tpu.dma_semaphore, #tpu.memory_space<semaphore_mem>> -> memref<1x!tpu.dma_semaphore, #tpu.memory_space<semaphore_mem>>
      %dma_wait3A_131 = tpu.memref_squeeze %dma_wait3A_130 : memref<1x!tpu.dma_semaphore, #tpu.memory_space<semaphore_mem>> -> memref<!tpu.dma_semaphore, #tpu.memory_space<semaphore_mem>>
      %dma_wait3A_132 = arith.constant 0 : i32
      %dma_wait3A_133 = tpu.memref_slice %arg11[%dma_wait3A_132] : memref<3136xf32, #tpu.memory_space<vmem>> -> memref<1568xf32, #tpu.memory_space<vmem>>
      %dma_wait3A_134 = tpu.memref_slice %arg4[%add3A_108] : memref<10035200xf32, #tpu.memory_space<hbm>> -> memref<1568xf32, #tpu.memory_space<hbm>>
      tpu.wait_dma2 semaphore(%dma_wait3A_131 : memref<!tpu.dma_semaphore, #tpu.memory_space<semaphore_mem>>) src(%dma_wait3A_134 : memref<1568xf32, #tpu.memory_space<hbm>>) dst(%dma_wait3A_133 : memref<1568xf32, #tpu.memory_space<vmem>>)
      %mul3A_135 = arith.constant 3 : i32
      %mul3A_136 = arith.muli %select_n3A, %mul3A_135 : i32
      %add3A_137 = arith.constant 0 : i32
      %add3A_138 = arith.addi %mul3A_136, %add3A_137 : i32
      %mul3A_139 = arith.constant 50176 : i32
      %mul3A_140 = arith.muli %add3A_138, %mul3A_139 : i32
      %add3A_141 = arith.addi %mul3A_140, %mul3A_47 : i32
      "tpu.region"() ({
        %run_scoped3A = tpu.sem_alloc : memref<!tpu.dma_semaphore, #tpu.memory_space<semaphore_mem>>
        %dma_start3A_156 = arith.constant 0 : i32
        %dma_start3A_157 = tpu.memref_slice %arg12[%dma_start3A_156] : memref<4704xf32, #tpu.memory_space<vmem>> -> memref<1568xf32, #tpu.memory_space<vmem>>
        %dma_start3A_158 = tpu.memref_slice %arg6[%add3A_141] : memref<602112xf32, #tpu.memory_space<hbm>> -> memref<1568xf32, #tpu.memory_space<hbm>>
        %dma_start3A_159 = tpu.memref_slice %arg6[%add3A_141] : memref<602112xf32, #tpu.memory_space<hbm>> -> memref<1568xf32, #tpu.memory_space<hbm>>
        %dma_start3A_160 = arith.constant 0 : i32
        %dma_start3A_161 = tpu.memref_slice %arg12[%dma_start3A_160] : memref<4704xf32, #tpu.memory_space<vmem>> -> memref<1568xf32, #tpu.memory_space<vmem>>
        tpu.enqueue_dma source(%dma_start3A_161 : memref<1568xf32, #tpu.memory_space<vmem>>) target(%dma_start3A_159 : memref<1568xf32, #tpu.memory_space<hbm>>) target_semaphore(%run_scoped3A : memref<!tpu.dma_semaphore, #tpu.memory_space<semaphore_mem>>)
        %dma_wait3A_162 = arith.constant 0 : i32
        %dma_wait3A_163 = tpu.memref_slice %arg12[%dma_wait3A_162] : memref<4704xf32, #tpu.memory_space<vmem>> -> memref<1568xf32, #tpu.memory_space<vmem>>
        %dma_wait3A_164 = tpu.memref_slice %arg6[%add3A_141] : memref<602112xf32, #tpu.memory_space<hbm>> -> memref<1568xf32, #tpu.memory_space<hbm>>
        %dma_wait3A_165 = tpu.memref_slice %arg6[%add3A_141] : memref<602112xf32, #tpu.memory_space<hbm>> -> memref<1568xf32, #tpu.memory_space<hbm>>
        %dma_wait3A_166 = arith.constant 0 : i32
        %dma_wait3A_167 = tpu.memref_slice %arg12[%dma_wait3A_166] : memref<4704xf32, #tpu.memory_space<vmem>> -> memref<1568xf32, #tpu.memory_space<vmem>>
        tpu.wait_dma2 semaphore(%run_scoped3A : memref<!tpu.dma_semaphore, #tpu.memory_space<semaphore_mem>>) src(%dma_wait3A_167 : memref<1568xf32, #tpu.memory_space<vmem>>) dst(%dma_wait3A_165 : memref<1568xf32, #tpu.memory_space<hbm>>)
        tpu.yield
      }) : () -> ()
      %mul3A_142 = arith.constant 3 : i32
      %mul3A_143 = arith.muli %select_n3A, %mul3A_142 : i32
      %add3A_144 = arith.constant 1 : i32
      %add3A_145 = arith.addi %mul3A_143, %add3A_144 : i32
      %mul3A_146 = arith.constant 50176 : i32
      %mul3A_147 = arith.muli %add3A_145, %mul3A_146 : i32
      %add3A_148 = arith.addi %mul3A_147, %mul3A_47 : i32
      "tpu.region"() ({
        %run_scoped3A = tpu.sem_alloc : memref<!tpu.dma_semaphore, #tpu.memory_space<semaphore_mem>>
        %dma_start3A_156 = arith.constant 1568 : i32
        %dma_start3A_157 = tpu.memref_slice %arg12[%dma_start3A_156] : memref<4704xf32, #tpu.memory_space<vmem>> -> memref<1568xf32, #tpu.memory_space<vmem>>
        %dma_start3A_158 = tpu.memref_slice %arg6[%add3A_148] : memref<602112xf32, #tpu.memory_space<hbm>> -> memref<1568xf32, #tpu.memory_space<hbm>>
        %dma_start3A_159 = tpu.memref_slice %arg6[%add3A_148] : memref<602112xf32, #tpu.memory_space<hbm>> -> memref<1568xf32, #tpu.memory_space<hbm>>
        %dma_start3A_160 = arith.constant 1568 : i32
        %dma_start3A_161 = tpu.memref_slice %arg12[%dma_start3A_160] : memref<4704xf32, #tpu.memory_space<vmem>> -> memref<1568xf32, #tpu.memory_space<vmem>>
        tpu.enqueue_dma source(%dma_start3A_161 : memref<1568xf32, #tpu.memory_space<vmem>>) target(%dma_start3A_159 : memref<1568xf32, #tpu.memory_space<hbm>>) target_semaphore(%run_scoped3A : memref<!tpu.dma_semaphore, #tpu.memory_space<semaphore_mem>>)
        %dma_wait3A_162 = arith.constant 1568 : i32
        %dma_wait3A_163 = tpu.memref_slice %arg12[%dma_wait3A_162] : memref<4704xf32, #tpu.memory_space<vmem>> -> memref<1568xf32, #tpu.memory_space<vmem>>
        %dma_wait3A_164 = tpu.memref_slice %arg6[%add3A_148] : memref<602112xf32, #tpu.memory_space<hbm>> -> memref<1568xf32, #tpu.memory_space<hbm>>
        %dma_wait3A_165 = tpu.memref_slice %arg6[%add3A_148] : memref<602112xf32, #tpu.memory_space<hbm>> -> memref<1568xf32, #tpu.memory_space<hbm>>
        %dma_wait3A_166 = arith.constant 1568 : i32
        %dma_wait3A_167 = tpu.memref_slice %arg12[%dma_wait3A_166] : memref<4704xf32, #tpu.memory_space<vmem>> -> memref<1568xf32, #tpu.memory_space<vmem>>
        tpu.wait_dma2 semaphore(%run_scoped3A : memref<!tpu.dma_semaphore, #tpu.memory_space<semaphore_mem>>) src(%dma_wait3A_167 : memref<1568xf32, #tpu.memory_space<vmem>>) dst(%dma_wait3A_165 : memref<1568xf32, #tpu.memory_space<hbm>>)
        tpu.yield
      }) : () -> ()
      %mul3A_149 = arith.constant 3 : i32
      %mul3A_150 = arith.muli %select_n3A, %mul3A_149 : i32
      %add3A_151 = arith.constant 2 : i32
      %add3A_152 = arith.addi %mul3A_150, %add3A_151 : i32
      %mul3A_153 = arith.constant 50176 : i32
      %mul3A_154 = arith.muli %add3A_152, %mul3A_153 : i32
      %add3A_155 = arith.addi %mul3A_154, %mul3A_47 : i32
      "tpu.region"() ({
        %run_scoped3A = tpu.sem_alloc : memref<!tpu.dma_semaphore, #tpu.memory_space<semaphore_mem>>
        %dma_start3A_156 = arith.constant 3136 : i32
        %dma_start3A_157 = tpu.memref_slice %arg12[%dma_start3A_156] : memref<4704xf32, #tpu.memory_space<vmem>> -> memref<1568xf32, #tpu.memory_space<vmem>>
        %dma_start3A_158 = tpu.memref_slice %arg6[%add3A_155] : memref<602112xf32, #tpu.memory_space<hbm>> -> memref<1568xf32, #tpu.memory_space<hbm>>
        %dma_start3A_159 = tpu.memref_slice %arg6[%add3A_155] : memref<602112xf32, #tpu.memory_space<hbm>> -> memref<1568xf32, #tpu.memory_space<hbm>>
        %dma_start3A_160 = arith.constant 3136 : i32
        %dma_start3A_161 = tpu.memref_slice %arg12[%dma_start3A_160] : memref<4704xf32, #tpu.memory_space<vmem>> -> memref<1568xf32, #tpu.memory_space<vmem>>
        tpu.enqueue_dma source(%dma_start3A_161 : memref<1568xf32, #tpu.memory_space<vmem>>) target(%dma_start3A_159 : memref<1568xf32, #tpu.memory_space<hbm>>) target_semaphore(%run_scoped3A : memref<!tpu.dma_semaphore, #tpu.memory_space<semaphore_mem>>)
        %dma_wait3A_162 = arith.constant 3136 : i32
        %dma_wait3A_163 = tpu.memref_slice %arg12[%dma_wait3A_162] : memref<4704xf32, #tpu.memory_space<vmem>> -> memref<1568xf32, #tpu.memory_space<vmem>>
        %dma_wait3A_164 = tpu.memref_slice %arg6[%add3A_155] : memref<602112xf32, #tpu.memory_space<hbm>> -> memref<1568xf32, #tpu.memory_space<hbm>>
        %dma_wait3A_165 = tpu.memref_slice %arg6[%add3A_155] : memref<602112xf32, #tpu.memory_space<hbm>> -> memref<1568xf32, #tpu.memory_space<hbm>>
        %dma_wait3A_166 = arith.constant 3136 : i32
        %dma_wait3A_167 = tpu.memref_slice %arg12[%dma_wait3A_166] : memref<4704xf32, #tpu.memory_space<vmem>> -> memref<1568xf32, #tpu.memory_space<vmem>>
        tpu.wait_dma2 semaphore(%run_scoped3A : memref<!tpu.dma_semaphore, #tpu.memory_space<semaphore_mem>>) src(%dma_wait3A_167 : memref<1568xf32, #tpu.memory_space<vmem>>) dst(%dma_wait3A_165 : memref<1568xf32, #tpu.memory_space<hbm>>)
        tpu.yield
      }) : () -> ()
    }
    %scan3A_39 = arith.constant 4 : i32
    return
  }
}

</mosaic_0001>

<sc_bundles>
// kernel: kernel.3.cloned.1.call-start
scs
__scs_entry_jumppad:
0x0: {  	(pc) =	sbr.rel $0x88, $3  }
0x1: {  	(tag) =	ssettag $0x0;
	lr =	simm.s32 $0x1  }
0x2: {  	[smem:$0x3F9E] =	sst lr;
	_ =	strace $0xD0000000  }
0x3: {  	_ = 	snop  }
0x4: {  	_ = 	snop  }
0x5: {  	_ = 	snop  }
0x6: {  	_ = 	snop  }
0x7: {  	_ = 	snop  }
__scs_overlays_trampoline_lowered:
0x8: {  	[smem:$0x3FAD] =	sst s0  }
0x9: {  	[smem:$0x3FAE] =	sst s1  }
0xa: {  	[smem:$0x3FAF] =	sst s2  }
0xb: {  	[smem:$0x3FB0] =	sst s3  }
0xc: {  	[smem:$0x3FB1] =	sst s4  }
0xd: {  	[smem:$0x3FB2] =	sst s5  }
0xe: {  	[smem:$0x3FB3] =	sst s6  }
0xf: {  	[smem:$0x3FB4] =	sst s7  }
0x10: {  	[smem:$0x3FB5] =	sst s8  }
0x11: {  	[smem:$0x3FB6] =	sst s9;
	s0 =	simm.s32 @!p0 $0x0  }
0x12: {  	s1 =	sld [smem:$0x3F9C];
	s0 =	simm.s32 @p0 $0x1  }
0x13: {  	[smem:$0x3FB7] =	sst s0;
	s0 =	simm.s32 @!p1 $0x0  }
0x14: {  	s2 =	sld [smem:$0x3F9B];
	s0 =	simm.s32 @p1 $0x1  }
0x15: {  	[smem:$0x3FB8] =	sst s0;
	s0 =	simm.s32 @!p2 $0x0  }
0x16: {  	s3 =	sld [smem:$0x3FDB];
	s0 =	simm.s32 @p2 $0x1  }
0x17: {  	s4 =	simm.s32 $0x1BF5;
	[smem:$0x3FBA] =	sst s0  }
0x18: {  	s0 =	sld [smem:$0x3F9D];
	_ =	swait.ge [sflag:s4], $0x0  }
0x19: {  	s7 =	sld [smem:$0x3F9E]  }
0x1a: {  	s8 =	sadd.s32 $0xFFFFE003, lr  }
0x1b: {  	s9 =	sadd.s32 $0xFFFFFEF7, lr;
	s5 =	simm.s32 $0xFFFFFFFF;
	p2 =	slt.u32 s8, $0xFFFFF086  }
0x1c: {  	p1 =	slt.u32 s9, $0xF7A;
	s5 =	simm.s32 @!p2 $0x0  }
0x1d: {  	s5 =	simm.s32 @p1 $0x1;
	p0 =	seq.s32 s7, s2  }
0x1e: {  	s7 =	smul.u32 @!p0 $0xF7A, s2;
	p2 =	seq.s32 @!p0 s5, $0x0  }
0x1f: {  	s9 =	smul.u32 $0xF7A, s1;
	s8 =	simm.s32 @!p0 $0x1BF5;
	p2 =	por !p2, p0  }
0x20: {  	[sflag:s8] =	ssyncset.s32 @!p0 $0xFFFFF086;
	s6 =	sadd.s32 @!p0 s3, s7;
	s7 =	simm.s32 @!p0 $0x108  }
0x21: {  	s3 =	sadd.s32 s3, s9;
	s6 =	sadd.s32 @!p0 $0x88, s6;
	s7 =	simm.s32 @p2 $0x1082  }
0x22: {  	[simem:s7], [sflag:s8] =	dma.local @!p0 [hbm:s6], $0xF7A  }
0x23: {  	s9 =	sor.u32 $0xD0000000, s2;
	s6 =	simm.s32 $0x108;
	_ =	swait.ge @!p0 [sflag:s8], $0x0  }
0x24: {  	s3 =	sadd.s32 $0x88, s3;
	s6 =	simm.s32 @!p1 $0x1082;
	[sflag:s4] =	ssyncset.s32 $0xFFFFF086  }
0x25: {  	[simem:s6], [sflag:s4] =	dma.local [hbm:s3], $0xF7A  }
0x26: {  	[smem:$0x3F9E] =	sst s1;
	(tag) =	ssettag s2;
	_ =	strace s9  }
0x27: {  	s1 =	sld [smem:$0x3FAE]  }
0x28: {  	s2 =	sld [smem:$0x3FAF]  }
0x29: {  	s4 =	sld [smem:$0x3FB1]  }
0x2a: {  	p0 =	seq.s32 s5, $0x0;
	s5 =	sld [smem:$0x3FB2]  }
0x2b: {  	s6 =	sld [smem:$0x3FB3]  }
0x2c: {  	s7 =	sld [smem:$0x3FB4]  }
0x2d: {  	s3 =	simm.s32 $0x108;
	s8 =	sld [smem:$0x3FB5]  }
0x2e: {  	s3 =	simm.s32 @!p0 $0x1082;
	s9 =	sld [smem:$0x3FB6]  }
0x2f: {  	lr =	sadd.s32 s0, s3;
	s0 =	sld [smem:$0x3FAD]  }
0x30: {  	s3 =	sld [smem:$0x3FB0]  }
0x31: {  	[smem:$0x3FB9] =	sst s10  }
0x32: {  	s10 =	sld [smem:$0x3FB7];
	_ =	sdelay $0x3  }
0x33: {  	p0 =	seq.s32 s10, $0x1;
	s10 =	sld [smem:$0x3FB9];
	_ =	sdelay $0x3  }
0x34: {  	[smem:$0x3FB9] =	sst s10  }
0x35: {  	s10 =	sld [smem:$0x3FB8];
	_ =	sdelay $0x3  }
0x36: {  	p1 =	seq.s32 s10, $0x1;
	s10 =	sld [smem:$0x3FB9];
	_ =	sdelay $0x3  }
0x37: {  	[smem:$0x3FB9] =	sst s10  }
0x38: {  	s10 =	sld [smem:$0x3FBA]  }
0x39: {  	_ = 	snop;
	(pc) =	sbr.ind lr, $3  }
0x3a: {  	_ = 	snop  }
0x3b: {  	_ = 	snop  }
0x3c: {  	p2 =	seq.s32 s10, $0x1;
	s10 =	sld [smem:$0x3FB9]  }
0x3d: {  	_ =	shalt  }
0x3e: {  	_ =	shalt  }
0x3f: {  	_ =	shalt  }
0x40: {  	_ =	shalt  }
0x41: {  	_ =	shalt  }
0x42: {  	_ =	shalt  }
0x43: {  	_ =	shalt  }
0x44: {  	_ =	shalt  }
0x45: {  	_ =	shalt  }
0x46: {  	_ =	shalt  }
0x47: {  	_ =	shalt  }
0x48: {  	_ =	shalt  }
0x49: {  	_ =	shalt  }
0x4a: {  	_ =	shalt  }
0x4b: {  	_ =	shalt  }
0x4c: {  	_ =	shalt  }
0x4d: {  	_ =	shalt  }
0x4e: {  	_ =	shalt  }
0x4f: {  	_ =	shalt  }
0x50: {  	_ =	shalt  }
0x51: {  	_ =	shalt  }
0x52: {  	_ =	shalt  }
0x53: {  	_ =	shalt  }
0x54: {  	_ =	shalt  }
0x55: {  	_ =	shalt  }
0x56: {  	_ =	shalt  }
0x57: {  	_ =	shalt  }
0x58: {  	_ =	shalt  }
0x59: {  	_ =	shalt  }
0x5a: {  	_ =	shalt  }
0x5b: {  	_ =	shalt  }
0x5c: {  	_ =	shalt  }
0x5d: {  	_ =	shalt  }
0x5e: {  	_ =	shalt  }
0x5f: {  	_ =	shalt  }
0x60: {  	_ =	shalt  }
0x61: {  	_ =	shalt  }
0x62: {  	_ =	shalt  }
0x63: {  	_ =	shalt  }
0x64: {  	_ =	shalt  }
0x65: {  	_ =	shalt  }
0x66: {  	_ =	shalt  }
0x67: {  	_ =	shalt  }
0x68: {  	_ =	shalt  }
0x69: {  	_ =	shalt  }
0x6a: {  	_ =	shalt  }
0x6b: {  	_ =	shalt  }
0x6c: {  	_ =	shalt  }
0x6d: {  	_ =	shalt  }
0x6e: {  	_ =	shalt  }
0x6f: {  	_ =	shalt  }
0x70: {  	_ =	shalt  }
0x71: {  	_ =	shalt  }
0x72: {  	_ =	shalt  }
0x73: {  	_ =	shalt  }
0x74: {  	_ =	shalt  }
0x75: {  	_ =	shalt  }
0x76: {  	_ =	shalt  }
0x77: {  	_ =	shalt  }
0x78: {  	_ =	shalt  }
0x79: {  	_ =	shalt  }
0x7a: {  	_ =	shalt  }
0x7b: {  	_ =	shalt  }
0x7c: {  	_ =	shalt  }
0x7d: {  	_ =	shalt  }
0x7e: {  	_ =	shalt  }
0x7f: {  	_ =	shalt  }
0x80: {  	_ =	shalt  }
0x81: {  	_ =	shalt  }
0x82: {  	_ =	shalt  }
0x83: {  	_ =	shalt  }
0x84: {  	_ =	shalt  }
0x85: {  	_ =	shalt  }
0x86: {  	_ =	shalt  }
0x87: {  	_ =	shalt  }
.Lfunc_end0:
.L_simem_size_0:
called_computation_lowered:
.L_overlay_start_0:
0x88: {  	s2 =	sld [smem:$0x3FD9]  }
0x89: {  	s3 =	sld [smem:$0x3FFE];
	_ =	sdelay $0x1  }
0x8a: {  	s1 =	srdreg.scid  }
0x8b: {  	s0 =	sand.u32 $0x1, s1  }
0x8c: {  	s17 =	sshll.u32 s0, $0xA;
	s2 =	sadd.s32 s3, s2  }
0x8d: {  	s2 =	sadd.s32 s2, s17  }
0x8e: {  	[smem:$0x3FC5] =	sst s2  }
0x8f: {  	_ = 	snop  }
0x90: {  	s2 =	sld [smem:$0x3FD0];
	(tm) =	ssettm $0x1  }
0x91: {  	s18 =	sld [smem:$0x3FFB];
	_ =	sdelay $0x3  }
0x92: {  	_ =	strace s18  }
0x93: {  	s3 =	sld [smem:$0x3FFC];
	_ =	sdelay $0x3  }
0x94: {  	_ =	strace s3  }
0x95: {  	s3 =	sld [smem:$0x3FFD];
	_ =	sdelay $0x3  }
0x96: {  	_ =	strace s3  }
0x97: {  	_ =	strace $0x8FFFFFFF  }
0x98: {  	s19 =	sld [smem:$0x3FDB];
	_ =	sdelay $0x1  }
0x99: {  	s4 =	simm.s32 $_scs_section_size  }
0x9a: {  	s5 =	simm.s32 $_size__tile_overlayer_lowered;
	s6 =	simm.s32 $_tile_overlayer_lowered  }
0x9b: {  	s22 =	simm.s32 $0x1BFF;
	s21 =	sshll.u32 s6, $0x1;
	s3 =	sadd.s32 s4, s19  }
0x9c: {  	s7 =	simm.s32 $0x0;
	s20 =	sshll.u32 s5, $0x1;
	s5 =	sadd.s32 s21, s3  }
0x9d: {  	[timem:s7], [sflag:s22] =	dma.local [hbm:s5], s20  }
0x9e: {  	_ =	swait.ge [sflag:s22], s20  }
0x9f: {  	s4 =	ssub.s32 $0x0, s20;
	[sflag:s22] =	ssyncset.done $0x0  }
0xa0: {  	[sflag:s22] =	ssyncadd.s32 s4;
	_ =	sdelay $0x1  }
0xa1: {  	s23 =	simm.s32 $0x1B8B  }
0xa2: {  	_ =	swait.ge [sflag:s23], $0x1  }
0xa3: {  	[sflag:s23] =	ssyncset.done $0x0  }
0xa4: {  	s25 =	simm.s32 $0x1B8E;
	s24 =	sld [smem:$0x3FFE];
	[sflag:s23] =	ssyncadd.s32 $0xFFFFFFFF  }
0xa5: {  	s26 =	simm.s32 $execute0_lowered;
	[smem:$0x3FD2] =	sst s25  }
0xa6: {  	s5 =	sshll.u32 s26, $0x1;
	_ =	strace $0x80000046;
	[dreg:$0x1] =	wrdreg $0xFFFFFFFF  }
0xa7: {  	s28 =	simm.s32 $_size_execute0_lowered;
	s3 =	sadd.s32 s3, s5;
	[dreg:$0x0] =	wrdreg $0x0  }
0xa8: {  	s5 =	sshll.u32 s28, $0x1;
	[dreg:$0x2] =	wrdreg s3  }
0xa9: {  	[dreg:$0x3] =	wrdreg s5  }
0xaa: {  	[dreg:$0x4] =	wrdreg $0xC0  }
0xab: {  	_ =	task [dreg:s7], $0x5FFFF  }
0xac: {  	[dreg:$0x1] =	wrdreg $0xFFFFFFFF  }
0xad: {  	[dreg:$0x0] =	wrdreg $0x60  }
0xae: {  	[dreg:$0x2] =	wrdreg s2  }
0xaf: {  	[dreg:$0x3] =	wrdreg s24  }
0xb0: {  	[dreg:$0x4] =	wrdreg $0x9  }
0xb1: {  	_ =	task.clear_ibuf [dreg:s7], $0x5FFFF;
	_ =	strace $0x90000046  }
0xb2: {  	s29 =	simm.s32 $0x9;
	_ =	strace $0x80000048  }
0xb3: {  	_ =	swait.ge [sflag:s29], $0x1  }
0xb4: {  	[sflag:s29] =	ssyncadd.s32 $0xFFFFFFFF  }
0xb5: {  	_ =	strace $0x90000048  }
0xb6: {  	_ =	sfence  }
0xb7: {  	s30 =	sld [smem:$0x0];
	_ =	sdelay $0x2  }
0xb8: {  	s31 =	sshll.u32 s1, $0xD;
	s1 =	sshrl.u32 s1, $0x2  }
0xb9: {  	s3 =	sand.u32 $0x4000, s31;
	s1 =	sadd.s32 s1, s30  }
0xba: {  	s0 =	sor.u32 s3, s0;
	s1 =	sshll.u32 s1, $0x11  }
0xbb: {  	s0 =	sor.u32 s1, s0  }
0xbc: {  	s0 =	sadd.s32 $0x8F2B, s0  }
0xbd: {  	[sflag:s0] =	ssyncadd.remote.s32 $0x1  }
0xbe: {  	_ =	sfence.sel $0xFFFF  }
0xbf: {  	[dreg:$0x0] =	wrdreg $0xFFFFFFFF;
	(pc) =	sbr.abs _section_cstart, $3  }
0xc0: {  	[dreg:$0x1] =	wrdreg $0xFFFFFFFF  }
0xc1: {  	_ =	task.clear_ibuf [dreg:s7], $0x2FFFF;
	_ =	strace $0x9FFFFFFF  }
0xc2: {  	(tm) =	ssettm $0x7FFFFFFF  }
0xc3: {  	_ =	shalt  }
tec
execute0_lowered:
.L_overlay_start_1:
0x0: {  	(tag) =	ssettag $0x1  }
0x1: {  	s0 =	rddreg [dreg:$0x0]  }
0x2: {  	s1 =	rddreg [dreg:$0x1]  }
0x3: {  	s2 =	simm.s32 $0x0;
	s5 =	stileid.u32;
	s4 =	srdreg.scid  }
0x4: {  	s17 =	simm.s32 $0x3;
	s18 =	simm.s32 $0xD180;
	s3 =	sshrl.u32 s5, $0x2  }
0x5: {  	s19 =	simm.s32 $0x1A300;
	s20 =	simm.s32 $0x1AF80;
	s7 =	smul.u32 $0x1A2B, s3  }
0x6: {  	s21 =	simm.s32 $0x1BC00;
	s11 =	simm.s32 $0x0;
	s24 =	smul.u32 $0x132400, s3  }
0x7: {  	s5 =	sshll.u32 s5, $0x1;
	s6 =	sand.u32 $0x1, s4;
	s8 =	smul.u32 $0x264800, s3  }
0x8: {  	[smem:$0x7FF] =	sst s2;
	s22 =	sand.u32 $0x6, s5;
	s26 =	smul.u32 $0x24C00, s3  }
0x9: {  	_ =	strace $0x80000047;
	s9 =	ssub.s32 $0x2, s6;
	s12 =	smul.u32 $0x32, s3  }
0xa: {  	s13 =	smul.u32 $0x19, s3;
	s4 =	sor.u32 s6, s22;
	s6 =	sadd.s32 $0x7800, s1  }
0xb: {  	s10 =	sshrl.u32 s9, $0x1;
	s22 =	simm.s32 $0x1;
	[dreg:$0x4] =	wrdreg s24  }
0xc: {  	s23 =	sadd.s32 s7, s1;
	s4 =	smul.u32 $0x1C, s4;
	[dreg:$0x5] =	wrdreg s8  }
0xd: {  	s8 =	sadd.s32 $0x1D2E00, s1;
	s0 =	sadd.s32 s0, s7;
	[dreg:$0x6] =	wrdreg s26  }
0xe: {  	s25 =	ssub.s32 s9, s10;
	s29 =	sadd.s32 $0xC400, s26;
	[dreg:$0x7] =	wrdreg s0  }
.Ltmp0:
0xf: {  	s30 =	sadd.s32 $0x18800, s26;
	[dreg:$0x9] =	wrdreg s29;
	(pc) =	sbr.rel .LBB2_1-.Ltmp0, $4  }
0x10: {  	s24 =	simm.s32 $0x1B5A0;
	s26 =	simm.s32 $0x2;
	[dreg:$0xa] =	wrdreg s30  }
0x11: {  	s28 =	sadd.s32 $0xE00, s23;
	s31 =	smax.u32 s25, $0x1;
	[dreg:$0x3] =	wrdreg s4  }
0x12: {  	s23 =	simm.s32 $0x1A920;
	s25 =	simm.s32 $0x1C220;
	[dreg:$0x8] =	wrdreg s28  }
0x13: {  	v0 =	vimm.f32 $0.0e+00;
	v19 =	vlaneseq.u32;
	v54 =	vimm.bf16 $0.0e+00;
	s4 =	sadd.s32 $0xA0A00, s1;
	[dreg:$0xb] =	wrdreg s31;
	s1 =	simm.s32 $0x0  }
.LBB2_15:
0x14: {  	s1 =	rddreg [dreg:$0xc]  }
0x15: {  	s0 =	rddreg [dreg:$0xb];
	s1 =	sadd.s32 $0x1, s1  }
0x16: {  	p0 =	sne.s32 s1, s0  }
.Ltmp1:
0x17: {  	_ = 	snop;
	(pc) =	sbr.rel @!p0 .LBB2_16-.Ltmp1, $1  }
0x18: {  	_ =	sdelay $0x3  }
.LBB2_1:
0x19: {  	[dreg:$0xc] =	wrdreg s1  }
0x1a: {  	s0 =	rddreg [dreg:$0x7]  }
0x1b: {  	[tilespmem:s2], [sflag:$0x3] =	stream.linear.gather [hbm4b:s0+s2], $0xD158, $0x38;
	[tilespmem:$0x1DB00] =	vst v63  }
0x1c: {  	_ =	swait.ge [sflag:s17], $0xD158  }
0x1d: {  	[sflag:s17] =	ssyncset.done $0x0  }
.Ltmp2:
0x1e: {  	s31 =	rddreg [dreg:$0x8];
	[sflag:s17] =	ssyncadd.s32 $0xFFFF2EA8;
	(pc) =	sbr.rel .LBB2_2-.Ltmp2, $4  }
0x1f: {  	[tilespmem:s18], [sflag:$0x3] =	stream.linear.gather [hbm4b:s31+s2], $0xD158, $0x38;
	[tilespmem:$0x1DB00] =	vst v63  }
0x20: {  	_ =	swait.ge [sflag:s17], $0xD158  }
0x21: {  	[sflag:s17] =	ssyncset.done $0x0  }
0x22: {  	s0 =	simm.s32 $0x0;
	[sflag:s17] =	ssyncadd.s32 $0xFFFF2EA8  }
.LBB2_14:
0x23: {  	_ =	swait.ge [sflag:s22], $0x620  }
0x24: {  	[sflag:s22] =	ssyncset.done $0x0  }
0x25: {  	[sflag:s22] =	ssyncadd.s32 $0xFFFFF9E0  }
0x26: {  	_ =	swait.ge [sflag:s22], $0x620  }
0x27: {  	[sflag:s22] =	ssyncset.done $0x0  }
0x28: {  	[sflag:s22] =	ssyncadd.s32 $0xFFFFF9E0  }
0x29: {  	_ =	swait.ge [sflag:s22], $0x620  }
0x2a: {  	s3 =	rddreg [dreg:$0x6]  }
0x2b: {  	s3 =	sadd.s32 s3, s1  }
0x2c: {  	[sflag:s22] =	ssyncset.done $0x0;
	s3 =	sshrl.u32 s3, $0x3  }
0x2d: {  	s5 =	simm.s32 $0x1C880;
	[sflag:s22] =	ssyncadd.s32 $0xFFFFF9E0;
	s3 =	sadd.s32 s8, s3  }
0x2e: {  	[hbm4b:s3+s2] =	stream.linear.scatter [tilespmem:s5], [sflag:$0x3], $0x620, $0x38;
	[tilespmem:$0x1DB00] =	vst v63  }
0x2f: {  	_ =	swait.ge [sflag:s17], $0x620  }
0x30: {  	s16 =	rddreg [dreg:$0x9]  }
0x31: {  	s3 =	sadd.s32 s1, s16  }
0x32: {  	[sflag:s17] =	ssyncset.done $0x0;
	s3 =	sshrl.u32 s3, $0x3  }
0x33: {  	s28 =	simm.s32 $0x1CEA0;
	[sflag:s17] =	ssyncadd.s32 $0xFFFFF9E0;
	s3 =	sadd.s32 s8, s3  }
0x34: {  	[hbm4b:s3+s2] =	stream.linear.scatter [tilespmem:s28], [sflag:$0x3], $0x620, $0x38;
	[tilespmem:$0x1DB00] =	vst v63  }
0x35: {  	_ =	swait.ge [sflag:s17], $0x620  }
0x36: {  	s29 =	rddreg [dreg:$0xa]  }
0x37: {  	s31 =	simm.s32 $0x1D4C0;
	s0 =	sadd.s32 $0x1, s0;
	s30 =	sadd.s32 s1, s29  }
0x38: {  	p0 =	sne.s32 s0, $0x4;
	[sflag:s17] =	ssyncset.done $0x0;
	s1 =	sshrl.u32 s30, $0x3  }
.Ltmp3:
0x39: {  	[sflag:s17] =	ssyncadd.s32 $0xFFFFF9E0;
	s1 =	sadd.s32 s8, s1;
	(pc) =	sbr.rel @!p0 .LBB2_15-.Ltmp3, $4  }
0x3a: {  	[hbm4b:s1+s2] =	stream.linear.scatter [tilespmem:s31], [sflag:$0x3], $0x620, $0x38;
	[tilespmem:$0x1DB00] =	vst v63  }
0x3b: {  	_ =	swait.ge [sflag:s17], $0x620  }
0x3c: {  	[sflag:s17] =	ssyncset.done $0x0  }
0x3d: {  	v0 =	vimm.f32 $0.0e+00;
	[sflag:s17] =	ssyncadd.s32 $0xFFFFF9E0  }
.LBB2_2:
0x3e: {  	s1 =	simm.s32 $0x40;
	s3 =	simm.s32 $0x0  }
.LBB2_3:
0x3f: {  	p0 =	sne.s32 s1, $0x4940;
	[tilespmem:s3+$0x1C880] =	vst v0;
	s3 =	smov.u32 s1;
	s1 =	sadd.s32 $0x40, s1  }
.Ltmp4:
0x40: {  	(pc) =	sbr.rel @p0 .LBB2_3-.Ltmp4, $2  }
0x41: {  	_ =	sdelay $0x2  }
0x42: {  	s3 =	sshra.s32 s3, $0x2  }
0x43: {  	s1 =	smul.u32 $0x7, s0  }
0x44: {  	s5 =	rddreg [dreg:$0x3]  }
0x45: {  	s10 =	sadd.s32 s5, s1  }
0x46: {  	s1 =	smul.u32 $0xE0, s10  }
0x47: {  	s28 =	rddreg [dreg:$0x5]  }
0x48: {  	s5 =	sadd.s32 s28, s1  }
0x49: {  	s5 =	sshrl.u32 s5, $0x3  }
0x4a: {  	[tilespmem:s3+$0x1C880] =	vst v0;
	s30 =	rddreg [dreg:$0x4];
	s29 =	sadd.s32 s4, s5  }
0x4b: {  	[tilespmem:s19], [sflag:$0x1] =	stream.linear.gather [hbm4b:s29+s11], $0x620, $0x38;
	[tilespmem:$0x1DB00] =	vst v63  }
.Ltmp5:
0x4c: {  	s5 =	sadd.s32 s30, s1;
	(pc) =	sbr.rel .LBB2_5-.Ltmp5, $4  }
0x4d: {  	s3 =	sadd.s32 $0x1880, s29;
	s31 =	sshrl.u32 s5, $0x3  }
0x4e: {  	[tilespmem:s20], [sflag:$0x1] =	stream.linear.gather [hbm4b:s3+s11], $0x620, $0x38;
	[tilespmem:$0x1DB00] =	vst v63  }
0x4f: {  	s16 =	simm.s32 $0x0;
	s3 =	sadd.s32 s6, s31  }
0x50: {  	[tilespmem:s21], [sflag:$0x1] =	stream.linear.gather [hbm4b:s3+s11], $0x620, $0x38;
	[tilespmem:$0x1DB00] =	vst v63  }
.LBB2_13:
0x51: {  	s16 =	sadd.s32 $0x1, s16  }
0x52: {  	p0 =	sne.s32 s16, $0xD  }
.Ltmp6:
0x53: {  	_ = 	snop;
	(pc) =	sbr.rel @!p0 .LBB2_14-.Ltmp6, $1  }
0x54: {  	_ =	sdelay $0x3  }
.LBB2_5:
0x55: {  	s31 =	sshllo.u32 s16, $0x1;
	_ =	swait.ge [sflag:s22], $0x620  }
0x56: {  	[sflag:s22] =	ssyncset.done $0x0;
	s3 =	smin.u32 s31, $0x18  }
0x57: {  	[sflag:s22] =	ssyncadd.s32 $0xFFFFF9E0;
	s5 =	sshll.u32 s3, $0x1  }
0x58: {  	_ =	swait.ge [sflag:s22], $0x620;
	s5 =	sadd.s32 s12, s5  }
0x59: {  	[sflag:s22] =	ssyncset.done $0x0;
	s5 =	smul.u32 $0xC400, s5  }
0x5a: {  	s3 =	sadd.s32 s13, s3;
	[sflag:s22] =	ssyncadd.s32 $0xFFFFF9E0  }
0x5b: {  	s3 =	smul.u32 $0xC400, s3;
	_ =	swait.ge [sflag:s22], $0x620;
	s5 =	sadd.s32 s1, s5  }
0x5c: {  	[sflag:s22] =	ssyncset.done $0x0;
	s5 =	sshrl.u32 s5, $0x3  }
0x5d: {  	s3 =	sadd.s32 s1, s3;
	[sflag:s22] =	ssyncadd.s32 $0xFFFFF9E0;
	s5 =	sadd.s32 s4, s5  }
0x5e: {  	[tilespmem:s23], [sflag:$0x2] =	stream.linear.gather [hbm4b:s5+s11], $0x620, $0x38;
	[tilespmem:$0x1DB00] =	vst v63  }
0x5f: {  	s28 =	sshll.u32 s16, $0x1;
	s3 =	sshrl.u32 s3, $0x3;
	s5 =	sadd.s32 $0x1880, s5  }
0x60: {  	[tilespmem:s24], [sflag:$0x2] =	stream.linear.gather [hbm4b:s5+s11], $0x620, $0x38;
	[tilespmem:$0x1DB00] =	vst v63  }
0x61: {  	s29 =	simm.s32 $0x0;
	s30 =	simm.s32 $0x0;
	s3 =	sadd.s32 s6, s3  }
0x62: {  	[tilespmem:s25], [sflag:$0x2] =	stream.linear.gather [hbm4b:s3+s11], $0x620, $0x38;
	[tilespmem:$0x1DB00] =	vst v63  }
.LBB2_6:
0x63: {  	s5 =	sadd.s32 s10, s30;
	s3 =	sshra.s32 s29, $0x2  }
0x64: {  	s9 =	simm.s32 $0x0;
	s7 =	scvt.s32.f32 s5;
	v4 =	vld [tilespmem:s3+$0x1AF90]  }
0x65: {  	s5 =	simm.s32 $0x10;
	v5 =	vld [tilespmem:s3+$0x1A310];
	v6 =	vor.u32 s9, v19  }
0x66: {  	v7 =	vld [tilespmem:s3+$0x1A300];
	v3 =	vor.u32 s5, v19;
	v6 =	vcvt.s32.f32 v6;
	s7 =	sadd.f32 $4.000000000e+00, s7  }
0x67: {  	v8 =	vcvt.s32.f32 v3  }
0x68: {  	v6 =	vadd.f32 $4.000000000e+00, v6;
	v0 =	vmov s7  }
0x69: {  	v8 =	vadd.f32 $4.000000000e+00, v8;
	v4 =	vadd.f32 v4, v0  }
0x6a: {  	v9 =	vld [tilespmem:s3+$0x1AF80]  }
0x6b: {  	v6 =	vadd.f32 v7, v6;
	v5 =	vadd.f32 v5, v8;
	v4 =	vmax.f32 v4, $2.000000000e+00  }
0x6c: {  	v7 =	vmin.f32 v4, $2.290000000e+02  }
0x6d: {  	v5 =	vmax.f32 v5, $2.000000000e+00;
	v4 =	vmax.f32 v6, $2.000000000e+00;
	v6 =	vtrunc.f32 v7  }
0x6e: {  	v5 =	vmin.f32 v5, $2.290000000e+02;
	v4 =	vmin.f32 v4, $2.290000000e+02;
	v6 =	vcvt.f32.s32 v6  }
0x6f: {  	v9 =	vadd.f32 v9, v0;
	v8 =	vtrunc.f32 v5;
	v10 =	vtrunc.f32 v4  }
0x70: {  	v8 =	vcvt.f32.s32 v8;
	v22 =	vcvt.f32.s32 v10;
	v10 =	vmul.u32 $0xE8, v6  }
0x71: {  	v9 =	vmax.f32 v9, $2.000000000e+00;
	v6 =	vcvt.s32.f32 v6  }
0x72: {  	v23 =	vmin.f32 v9, $2.290000000e+02;
	v11 =	vcvt.s32.f32 v8;
	v9 =	vadd.s32 v8, v10  }
0x73: {  	v30 =	vcvt.s32.f32 v22;
	v12 =	vsub.f32 v7, v6;
	v7 =	vadd.s32 $0xE8, v9  }
0x74: {  	v11 =	vsub.f32 v5, v11;
	v8 =	vadd.s32 $0x1, v9;
	v14 =	vadd.s32 $0xE7, v9  }
0x75: {  	[tilespmem:$0x1FFF0] =	vst v0;
	v5 =	vadd.s32 $0xE9, v9;
	v10 =	vadd.s32 $0xFFFFFF19, v9;
	v0 =	vadd.s32 $0xFFFFFF18, v9  }
0x76: {  	v16 =	vadd.s32 $0xFFFFFFFF, v9;
	v29 =	vadd.s32 $0xFFFFFE30, v9;
	v28 =	vadd.s32 $0xFFFFFF17, v9  }
0x77: {  	v26 =	vadd.s32 $0xFFFFFE2F, v9;
	v25 =	vadd.s32 $0xFFFFFF16, v9;
	v13 =	vsub.f32 $1.000000000e+00, v12;
	v60 =	vld.idx.msk [tilespmem:v9+s2+$0x0], $0xffff  }
0x78: {  	v15 =	vsub.f32 $2.000000000e+00, v12;
	v31 =	vadd.f32 $1.000000000e+00, v12;
	v18 =	vmul.f32 $1.250000000e+00, v12;
	v39 =	vld.idx.msk [tilespmem:v7+s2+$0x0], $0xffff  }
0x79: {  	v17 =	vsub.f32 $1.000000000e+00, v11;
	v20 =	vadd.f32 $1.000000000e+00, v11;
	v21 =	vmul.f32 $1.250000000e+00, v11;
	v41 =	vld.idx.msk [tilespmem:v14+s2+$0x0], $0xffff  }
0x7a: {  	v32 =	vsub.f32 $2.000000000e+00, v11;
	v33 =	vmul.f32 $1.250000000e+00, v13;
	v34 =	vmul.f32 $7.500000000e-01, v15;
	v63 =	vld.idx.msk [tilespmem:v0+s2+$0x0], $0xffff  }
0x7b: {  	v18 =	vadd.f32 $-2.250000000e+00, v18;
	v36 =	vmul.f32 $7.500000000e-01, v31;
	v35 =	vmul.f32 $7.500000000e-01, v20;
	v53 =	vld.idx.msk [tilespmem:v16+s2+$0x0], $0xffff  }
0x7c: {  	v21 =	vadd.f32 $-2.250000000e+00, v21;
	v37 =	vmul.f32 $1.250000000e+00, v17;
	v38 =	vmul.f32 $7.500000000e-01, v32;
	v43 =	vld.idx.msk [tilespmem:v28+s2+$0x0], $0xffff  }
0x7d: {  	v18 =	vmul.f32 v18, v12;
	v33 =	vadd.f32 $-2.250000000e+00, v33;
	v34 =	vsub.f32 $3.750000000e+00, v34;
	v44 =	vld.idx.msk [tilespmem:v26+s2+$0x0], $0xffff  }
0x7e: {  	v36 =	vsub.f32 $3.750000000e+00, v36;
	v55 =	vld.idx.msk [tilespmem:v25+s2+$0x0], $0xffff;
	v35 =	vsub.f32 $3.750000000e+00, v35;
	v21 =	vmul.f32 v21, v11  }
0x7f: {  	v57 =	vld.idx.msk [tilespmem:v29+s2+$0x0], $0xffff;
	v52 =	vsub.f32 $3.750000000e+00, v38;
	v40 =	vmul.f32 v18, v12;
	v33 =	vmul.f32 v33, v13  }
0x80: {  	v28 =	vld.idx.msk [tilespmem:v28+s18+$0x0], $0xffff;
	v18 =	vadd.f32 $-2.250000000e+00, v37;
	v36 =	vmul.f32 v36, v31;
	v34 =	vmul.f32 v34, v15  }
0x81: {  	v6 =	vadd.s32 $0xFFFFFE31, v9;
	v26 =	vld.idx.msk [tilespmem:v26+s18+$0x0], $0xffff;
	v12 =	vmul.f32 v35, v20;
	v11 =	vmul.f32 v21, v11  }
0x82: {  	v24 =	vadd.s32 $0xFFFFFE2E, v9;
	v16 =	vld.idx.msk [tilespmem:v16+s18+$0x0], $0xffff;
	v37 =	vmul.f32 v52, v32;
	v42 =	vmul.f32 v18, v17  }
0x83: {  	v14 =	vld.idx.msk [tilespmem:v14+s18+$0x0], $0xffff;
	v33 =	vmul.f32 v33, v13;
	v36 =	vadd.f32 $-6.000000000e+00, v36;
	v34 =	vadd.f32 $-6.000000000e+00, v34  }
0x84: {  	v29 =	vld.idx.msk [tilespmem:v29+s18+$0x0], $0xffff;
	v12 =	vadd.f32 $-6.000000000e+00, v12;
	v18 =	vadd.f32 $1.000000000e+00, v11;
	v11 =	vmul.f32 v42, v17  }
0x85: {  	v27 =	vadd.s32 $0xFFFFFFFE, v9;
	v25 =	vld.idx.msk [tilespmem:v25+s18+$0x0], $0xffff;
	v31 =	vmul.f32 v36, v31;
	v34 =	vmul.f32 v34, v15  }
0x86: {  	v0 =	vld.idx.msk [tilespmem:v0+s18+$0x0], $0xffff;
	v17 =	vadd.f32 $-6.000000000e+00, v37;
	v12 =	vmul.f32 v12, v20;
	v26 =	vmul.f32 v26, v18  }
0x87: {  	v30 =	vsub.f32 v4, v30;
	v13 =	vld.idx.msk [tilespmem:v24+s2+$0x0], $0xffff;
	v28 =	vmul.f32 v28, v18;
	v16 =	vmul.f32 v16, v18  }
0x88: {  	v24 =	vld.idx.msk [tilespmem:v24+s18+$0x0], $0xffff;
	v56 =	vpack.i.f32.bf16 v18, v18;
	v14 =	vmul.f32 v14, v18;
	v32 =	vmul.f32 v17, v32  }
0x89: {  	v7 =	vld.idx.msk [tilespmem:v7+s18+$0x0], $0xffff;
	v21 =	vadd.s32 $0xE6, v9;
	v38 =	vmul.bf16 v53, v56;
	v41 =	vmul.bf16 v41, v56  }
0x8a: {  	v9 =	vld.idx.msk [tilespmem:v9+s18+$0x0], $0xffff;
	v43 =	vmul.bf16 v43, v56;
	v17 =	vadd.f32 $3.000000000e+00, v31;
	v36 =	vmul.bf16 v44, v56  }
0x8b: {  	v20 =	vadd.f32 $3.000000000e+00, v34;
	v56 =	vtrunc.f32 v23;
	v1 =	vadd.f32 $3.000000000e+00, v12  }
0x8c: {  	v12 =	vadd.f32 $1.000000000e+00, v11;
	v11 =	vadd.f32 $1.000000000e+00, v40;
	v34 =	vcvt.f32.s32 v56  }
0x8d: {  	v50 =	vpack.i.f32.bf16 v17, v17;
	v24 =	vmul.f32 v1, v24;
	v25 =	vmul.f32 v25, v1  }
0x8e: {  	v15 =	vld.idx.msk [tilespmem:v27+s2+$0x0], $0xffff;
	v45 =	vpack.i.f32.bf16 v1, v1;
	v29 =	vmul.f32 v29, v12;
	v0 =	vmul.f32 v0, v12  }
0x8f: {  	v58 =	vld.idx.msk [tilespmem:v21+s2+$0x0], $0xffff;
	v59 =	vpack.i.f32.bf16 v12, v12;
	v9 =	vmul.f32 v9, v12;
	v12 =	vmul.f32 v7, v12  }
0x90: {  	v51 =	vpack.i.f32.bf16 v11, v11;
	v13 =	vmul.bf16 v13, v45;
	v37 =	vmul.bf16 v55, v45  }
0x91: {  	v44 =	vmul.u32 $0xE8, v34;
	v39 =	vmul.bf16 v39, v59;
	v42 =	vmul.bf16 v57, v59  }
0x92: {  	v31 =	vmul.bf16 v60, v59;
	v57 =	vadd.f32 $1.000000000e+00, v30;
	v60 =	vsub.f32 $1.000000000e+00, v30  }
0x93: {  	v48 =	vld.idx.msk [tilespmem:v10+s2+$0x0], $0xffff;
	v15 =	vmul.bf16 v15, v45;
	v24 =	vadd.f32 $0.0e+00, v24;
	v25 =	vadd.f32 $0.0e+00, v25  }
0x94: {  	v10 =	vld.idx.msk [tilespmem:v10+s18+$0x0], $0xffff;
	v40 =	vmul.bf16 v58, v45;
	v47 =	vadd.bf16 v54, v13;
	v13 =	vadd.f32 $3.000000000e+00, v32  }
0x95: {  	v62 =	vld.idx.msk [tilespmem:v8+s2+$0x0], $0xffff;
	v61 =	vmul.bf16 v63, v59;
	v37 =	vadd.bf16 v54, v37;
	v15 =	vadd.bf16 v54, v15  }
0x96: {  	v8 =	vld.idx.msk [tilespmem:v8+s18+$0x0], $0xffff;
	v58 =	vpack.i.f32.bf16 v20, v20;
	v45 =	vadd.bf16 v54, v40;
	v24 =	vadd.f32 v26, v24  }
0x97: {  	v22 =	vadd.s32 v22, v44;
	v25 =	vadd.f32 v28, v25;
	v36 =	vadd.bf16 v36, v47  }
0x98: {  	v46 =	vld.idx.msk [tilespmem:v6+s2+$0x0], $0xffff;
	v63 =	vpack.i.f32.bf16 v13, v13;
	v37 =	vadd.bf16 v43, v37;
	v15 =	vadd.bf16 v38, v15  }
0x99: {  	v47 =	vcvt.s32.f32 v34;
	v10 =	vmul.f32 v10, v13;
	v38 =	vadd.bf16 v41, v45  }
0x9a: {  	v35 =	vmul.bf16 v62, v63;
	v62 =	vsub.f32 $2.000000000e+00, v30;
	v24 =	vadd.f32 v29, v24  }
0x9b: {  	v8 =	vmul.f32 v8, v13;
	v0 =	vadd.f32 v0, v25;
	v36 =	vadd.bf16 v42, v36  }
0x9c: {  	v40 =	vld.idx.msk [tilespmem:v6+s18+$0x0], $0xffff;
	v45 =	vmul.f32 $1.250000000e+00, v30;
	v32 =	vadd.bf16 v61, v37;
	v31 =	vadd.bf16 v31, v15  }
0x9d: {  	v2 =	vmul.bf16 v46, v63;
	v46 =	vld.idx.msk [tilespmem:v5+s2+$0x0], $0xffff;
	v15 =	vadd.f32 $1.000000000e+00, v33;
	v52 =	vadd.bf16 v39, v38  }
0x9e: {  	v49 =	vmul.bf16 v48, v63;
	v48 =	vadd.f32 $-2.250000000e+00, v45;
	v39 =	vld.idx.msk [tilespmem:v27+s18+$0x0], $0xffff;
	v27 =	vsub.f32 v23, v47  }
0x9f: {  	v61 =	vmul.f32 $7.500000000e-01, v57;
	v10 =	vadd.f32 v10, v0;
	v36 =	vadd.bf16 v2, v36  }
0xa0: {  	v38 =	vadd.s32 $0xFFFFFE2E, v22;
	v32 =	vadd.bf16 v49, v32;
	v31 =	vadd.bf16 v35, v31  }
0xa1: {  	v55 =	vpack.i.f32.bf16 v15, v15;
	v49 =	vmul.f32 $1.250000000e+00, v60;
	v40 =	vmul.f32 v40, v13  }
0xa2: {  	v21 =	vld.idx.msk [tilespmem:v21+s18+$0x0], $0xffff;
	v2 =	vadd.s32 $0xFFFFFE31, v22;
	v23 =	vmul.f32 v48, v30;
	v36 =	vmul.bf16 v36, v50  }
0xa3: {  	v41 =	vadd.f32 $1.000000000e+00, v27;
	v32 =	vmul.bf16 v32, v51;
	v53 =	vmul.bf16 v46, v63  }
0xa4: {  	v31 =	vmul.bf16 v31, v55;
	v46 =	vsub.f32 $3.750000000e+00, v61;
	v50 =	vmul.f32 $7.500000000e-01, v62  }
0xa5: {  	v51 =	vadd.f32 $-2.250000000e+00, v49;
	v24 =	vadd.f32 v40, v24;
	v23 =	vmul.f32 v23, v30  }
0xa6: {  	v30 =	vadd.s32 $0xFFFFFE30, v22;
	v36 =	vadd.bf16 v54, v36;
	v33 =	vadd.bf16 v53, v52  }
0xa7: {  	v52 =	vadd.s32 $0xFFFFFE2F, v22;
	v39 =	vmul.f32 v39, v1;
	v1 =	vmul.f32 v21, v1  }
0xa8: {  	v17 =	vmul.f32 v24, v17;
	v32 =	vadd.bf16 v32, v36;
	v59 =	vmul.bf16 v33, v58  }
0xa9: {  	v5 =	vld.idx.msk [tilespmem:v5+s18+$0x0], $0xffff;
	v58 =	vmul.f32 $7.500000000e-01, v41;
	v39 =	vadd.f32 $0.0e+00, v39;
	v1 =	vadd.f32 $0.0e+00, v1  }
0xaa: {  	v49 =	vadd.s32 $0xFFFFFF18, v22;
	v56 =	vld.idx.msk [tilespmem:v38+s2+$0x0], $0xffff;
	v17 =	vadd.f32 $0.0e+00, v17;
	v31 =	vadd.bf16 v31, v32  }
0xab: {  	v53 =	vadd.s32 $0xFFFFFF16, v22;
	v38 =	vld.idx.msk [tilespmem:v38+s18+$0x0], $0xffff;
	v32 =	vsub.f32 $3.750000000e+00, v50;
	v63 =	vsub.f32 $3.750000000e+00, v58  }
0xac: {  	v34 =	vmul.f32 v51, v60;
	v51 =	vld.idx.msk [tilespmem:v30+s2+$0x0], $0xffff;
	v16 =	vadd.f32 v16, v39;
	v14 =	vadd.f32 v14, v1  }
0xad: {  	v30 =	vld.idx.msk [tilespmem:v30+s18+$0x0], $0xffff;
	v55 =	vadd.bf16 v59, v31;
	v31 =	vmul.f32 v46, v57;
	v32 =	vmul.f32 v32, v62  }
0xae: {  	v36 =	vld.idx.msk [tilespmem:v52+s18+$0x0], $0xffff;
	v59 =	vadd.s32 $0xFFFFFFFE, v22;
	v46 =	vadd.f32 $1.000000000e+00, v23;
	v23 =	vmul.f32 v34, v60  }
0xaf: {  	v47 =	vld.idx.msk [tilespmem:v2+s18+$0x0], $0xffff;
	v34 =	vmul.f32 v63, v41;
	v9 =	vadd.f32 v9, v16;
	v31 =	vadd.f32 $-6.000000000e+00, v31  }
0xb0: {  	v5 =	vmul.f32 v5, v13;
	v60 =	vld.idx.msk [tilespmem:v52+s2+$0x0], $0xffff;
	v32 =	vadd.f32 $-6.000000000e+00, v32;
	v23 =	vadd.f32 $1.000000000e+00, v23  }
0xb1: {  	v50 =	vadd.s32 $0xE6, v22;
	v61 =	vld.idx.msk [tilespmem:v53+s2+$0x0], $0xffff;
	v34 =	vadd.f32 $-6.000000000e+00, v34;
	v8 =	vadd.f32 v8, v9  }
0xb2: {  	v63 =	vld.idx.msk [tilespmem:v2+s2+$0x0], $0xffff;
	v31 =	vmul.f32 v31, v57;
	v57 =	vadd.s32 $0xFFFFFF17, v22;
	v32 =	vmul.f32 v32, v62  }
0xb3: {  	v42 =	vpack.i.f32.bf16 v46, v46;
	v62 =	vld.idx.msk [tilespmem:v53+s18+$0x0], $0xffff;
	v36 =	vmul.f32 v36, v46;
	v30 =	vmul.f32 v30, v23  }
0xb4: {  	v34 =	vmul.f32 v34, v41;
	v15 =	vmul.f32 v8, v15;
	v53 =	vld.idx.msk [tilespmem:v59+s2+$0x0], $0xffff;
	v31 =	vadd.f32 $3.000000000e+00, v31  }
0xb5: {  	v33 =	vmul.bf16 v60, v42;
	v45 =	vld.idx.msk [tilespmem:v59+s18+$0x0], $0xffff;
	v59 =	vadd.s32 $0xE7, v22;
	v32 =	vadd.f32 $3.000000000e+00, v32  }
0xb6: {  	v34 =	vadd.f32 $3.000000000e+00, v34;
	v44 =	vpack.i.f32.bf16 v31, v31;
	v38 =	vmul.f32 v31, v38  }
0xb7: {  	v28 =	vpack.i.f32.bf16 v32, v32;
	v47 =	vmul.f32 v47, v32;
	v35 =	vmul.bf16 v56, v44;
	v52 =	vld.idx.msk [tilespmem:v57+s2+$0x0], $0xffff  }
0xb8: {  	v18 =	vpack.i.f32.bf16 v34, v34;
	v48 =	vmul.bf16 v61, v44;
	v43 =	vld.idx.msk [tilespmem:v57+s18+$0x0], $0xffff;
	v37 =	vmul.f32 v62, v31  }
0xb9: {  	v57 =	vld.idx.msk [tilespmem:v49+s2+$0x0], $0xffff;
	v62 =	vadd.s32 $0xFFFFFF19, v22;
	v26 =	vmul.bf16 v63, v28;
	v38 =	vadd.f32 $0.0e+00, v38  }
0xba: {  	v56 =	vld.idx.msk [tilespmem:v50+s2+$0x0], $0xffff;
	v60 =	vmul.bf16 v53, v44;
	v53 =	vsub.f32 $1.000000000e+00, v27;
	v35 =	vadd.bf16 v54, v35  }
0xbb: {  	v50 =	vld.idx.msk [tilespmem:v50+s18+$0x0], $0xffff;
	v61 =	vmul.f32 v45, v31;
	v48 =	vadd.bf16 v54, v48;
	v37 =	vadd.f32 $0.0e+00, v37  }
0xbc: {  	v49 =	vld.idx.msk [tilespmem:v49+s18+$0x0], $0xffff;
	v36 =	vadd.f32 v36, v38;
	v33 =	vadd.bf16 v33, v35;
	v35 =	vpack.i.f32.bf16 v23, v23  }
0xbd: {  	v29 =	vld.idx.msk [tilespmem:v59+s18+$0x0], $0xffff;
	v38 =	vadd.s32 $0xFFFFFFFF, v22;
	v63 =	vadd.bf16 v54, v60;
	v51 =	vmul.bf16 v51, v35  }
0xbe: {  	v60 =	vadd.s32 $0xE8, v22;
	v52 =	vmul.bf16 v52, v42;
	v41 =	vmul.bf16 v57, v35;
	v57 =	vld.idx.msk [tilespmem:v62+s2+$0x0], $0xffff  }
0xbf: {  	v30 =	vadd.f32 v30, v36;
	v43 =	vmul.f32 v43, v46;
	v44 =	vmul.bf16 v56, v44;
	v45 =	vld.idx.msk [tilespmem:v62+s18+$0x0], $0xffff  }
0xc0: {  	v31 =	vmul.f32 v50, v31;
	v33 =	vadd.bf16 v51, v33;
	v48 =	vadd.bf16 v52, v48;
	v51 =	vld.idx.msk [tilespmem:v59+s2+$0x0], $0xffff  }
0xc1: {  	v37 =	vadd.f32 v43, v37;
	v52 =	vmul.f32 $1.250000000e+00, v27;
	v43 =	vadd.f32 $0.0e+00, v61;
	v61 =	vld.idx.msk [tilespmem:v22+s18+$0x0], $0xffff  }
0xc2: {  	v56 =	vmul.f32 v49, v23;
	v30 =	vadd.f32 v47, v30;
	v59 =	vmul.f32 $1.250000000e+00, v53;
	v58 =	vld.idx.msk [tilespmem:v38+s2+$0x0], $0xffff  }
0xc3: {  	v62 =	vadd.s32 $0x1, v22;
	v38 =	vld.idx.msk [tilespmem:v38+s18+$0x0], $0xffff;
	v21 =	vadd.bf16 v41, v48;
	v41 =	vadd.f32 $-2.250000000e+00, v52  }
0xc4: {  	v29 =	vmul.f32 v29, v46;
	v26 =	vadd.bf16 v26, v33;
	v47 =	vadd.f32 $-2.250000000e+00, v59  }
0xc5: {  	v44 =	vadd.bf16 v54, v44;
	v30 =	vmul.f32 v30, v34;
	v41 =	vmul.f32 v41, v27  }
0xc6: {  	v31 =	vadd.f32 $0.0e+00, v31;
	v47 =	vmul.f32 v47, v53;
	v18 =	vmul.bf16 v26, v18  }
0xc7: {  	v7 =	vld [tilespmem:s3+$0x1BC10];
	v37 =	vadd.f32 v56, v37;
	v33 =	vmul.bf16 v51, v42;
	v39 =	vmul.f32 v61, v23  }
0xc8: {  	v49 =	vld.idx.msk [tilespmem:v60+s18+$0x0], $0xffff;
	v52 =	vadd.f32 v29, v31;
	v36 =	vmul.bf16 v58, v42;
	v38 =	vmul.f32 v38, v46  }
0xc9: {  	v58 =	vld.idx.msk [tilespmem:v22+s2+$0x0], $0xffff;
	v41 =	vmul.f32 v41, v27;
	v42 =	vmul.bf16 v57, v28;
	v22 =	vadd.s32 $0xE9, v22  }
0xca: {  	v50 =	vld.idx.msk [tilespmem:v62+s2+$0x0], $0xffff;
	v27 =	vsub.f32 $2.000000000e+00, v27;
	v40 =	vmul.f32 v47, v53;
	v47 =	vmul.f32 v45, v32  }
0xcb: {  	v53 =	vld.idx.msk [tilespmem:v62+s18+$0x0], $0xffff;
	v62 =	vmul.f32 v10, v11;
	v11 =	vadd.bf16 v54, v18;
	v33 =	vadd.bf16 v33, v44  }
0xcc: {  	v36 =	vadd.bf16 v36, v63;
	v38 =	vadd.f32 v38, v43;
	v2 =	vmul.f32 $7.500000000e-01, v27  }
0xcd: {  	v16 =	vmul.f32 v49, v23;
	v63 =	vld.idx.msk [tilespmem:v60+s2+$0x0], $0xffff;
	v21 =	vadd.bf16 v42, v21;
	v37 =	vadd.f32 v47, v37  }
0xce: {  	v10 =	vunpack.i.u.bf16.f32 v55;
	v57 =	vadd.f32 $1.000000000e+00, v41;
	v48 =	vsub.f32 $3.750000000e+00, v2;
	v56 =	vld.idx.msk [tilespmem:v22+s2+$0x0], $0xffff  }
0xcf: {  	v23 =	vmul.bf16 v50, v28;
	v9 =	vadd.f32 v16, v52;
	v25 =	vmul.bf16 v58, v35;
	v22 =	vld.idx.msk [tilespmem:v22+s18+$0x0], $0xffff  }
0xd0: {  	v16 =	vmul.f32 v10, v7;
	v58 =	vpack.i.f32.bf16 v57, v57;
	v34 =	vmul.f32 v48, v27  }
0xd1: {  	v51 =	vadd.f32 v39, v38;
	v59 =	vmul.bf16 v21, v58;
	v25 =	vadd.bf16 v25, v36  }
0xd2: {  	v61 =	vmul.f32 v37, v57;
	v26 =	vmul.bf16 v63, v35;
	v34 =	vadd.f32 $-6.000000000e+00, v34  }
0xd3: {  	v10 =	vadd.bf16 v59, v11;
	v21 =	vadd.bf16 v23, v25;
	v23 =	vmul.f32 v53, v32  }
0xd4: {  	v63 =	vmul.f32 v22, v32;
	v22 =	vadd.f32 v12, v14;
	v12 =	vadd.f32 $1.000000000e+00, v40  }
0xd5: {  	v60 =	vadd.bf16 v26, v33;
	v27 =	vmul.f32 v34, v27;
	v14 =	vadd.f32 $0.0e+00, v30  }
0xd6: {  	v24 =	vmul.bf16 v56, v28;
	v23 =	vadd.f32 v23, v51;
	v11 =	vpack.i.f32.bf16 v12, v12  }
0xd7: {  	v14 =	vadd.f32 v61, v14;
	v8 =	vadd.f32 $3.000000000e+00, v27;
	v13 =	vmul.bf16 v21, v11  }
0xd8: {  	[tilespmem:s3+$0x1CEB0] =	vst.add.f32.msk $0xffff, v16;
	v11 =	vadd.bf16 v24, v60;
	v16 =	vmul.f32 v23, v12;
	v12 =	vadd.f32 v62, v17  }
0xd9: {  	s9 =	sadd.s32 $0x80, s29;
	s7 =	simm.s32 $0x0;
	v17 =	vadd.f32 v63, v9;
	v9 =	vadd.f32 v5, v22;
	v5 =	vld [tilespmem:s3+$0x1BC00]  }
.LBB2_7:
0xda: {  	_ = 	snop  }
0xdb: {  	s14 =	sshra.s32 s9, $0x2;
	v18 =	vpack.i.f32.bf16 v8, v8;
	v6 =	vunpack.i.l.bf16.f32 v55;
	v0 =	vld [tilespmem:$0x1FFF0];
	v10 =	vadd.bf16 v13, v10  }
0xdc: {  	s5 =	sadd.s32 $0x20, s5;
	v13 =	vadd.f32 v16, v14;
	v14 =	vld [tilespmem:s14+$0x1AF90];
	v11 =	vmul.bf16 v11, v18;
	v8 =	vmul.f32 v17, v8  }
0xdd: {  	v12 =	vadd.f32 v15, v12;
	s15 =	sadd.s32 $0xFFFFFFF0, s5;
	v15 =	vor.u32 s5, v19;
	v16 =	vld [tilespmem:s14+$0x1A310];
	v4 =	vmul.f32 v9, v20  }
0xde: {  	v17 =	vld [tilespmem:s14+$0x1A300];
	v9 =	vor.u32 s15, v19;
	v15 =	vcvt.s32.f32 v15;
	v10 =	vadd.bf16 v11, v10  }
0xdf: {  	v6 =	vmul.f32 v6, v7;
	v9 =	vcvt.s32.f32 v9;
	v11 =	vld [tilespmem:s14+$0x1AF80];
	v8 =	vadd.f32 v8, v13  }
0xe0: {  	v12 =	vadd.f32 v4, v12;
	v13 =	vadd.f32 $4.000000000e+00, v15;
	v15 =	vunpack.i.u.bf16.f32 v10  }
0xe1: {  	v4 =	vld [tilespmem:s14+$0x1BC00];
	v10 =	vunpack.i.l.bf16.f32 v10;
	v9 =	vadd.f32 $4.000000000e+00, v9;
	v14 =	vadd.f32 v14, v0  }
0xe2: {  	v8 =	vmul.f32 v8, v5;
	v10 =	vmul.f32 v10, v5;
	v13 =	vadd.f32 v16, v13  }
0xe3: {  	v15 =	vmul.f32 v15, v5;
	v9 =	vadd.f32 v17, v9;
	v14 =	vmax.f32 v14, $2.000000000e+00  }
0xe4: {  	[tilespmem:s3+$0x1C880] =	vst.add.f32.msk $0xffff, v10;
	v10 =	vadd.f32 v11, v0;
	v5 =	vmax.f32 v13, $2.000000000e+00;
	v11 =	vmin.f32 v14, $2.290000000e+02  }
0xe5: {  	v9 =	vmax.f32 v9, $2.000000000e+00;
	v13 =	vmin.f32 v5, $2.290000000e+02;
	v14 =	vtrunc.f32 v11  }
0xe6: {  	[tilespmem:s3+$0x1C890] =	vst.add.f32.msk $0xffff, v6;
	v53 =	vmovc v4;
	v4 =	vmin.f32 v9, $2.290000000e+02;
	v6 =	vtrunc.f32 v13;
	v9 =	vcvt.f32.s32 v14  }
0xe7: {  	[tilespmem:s3+$0x1D4C0] =	vst.add.f32.msk $0xffff, v8;
	v8 =	vmax.f32 v10, $2.000000000e+00;
	v10 =	vtrunc.f32 v4;
	v6 =	vcvt.f32.s32 v6  }
0xe8: {  	v22 =	vcvt.f32.s32 v10;
	v10 =	vcvt.s32.f32 v9;
	v9 =	vmul.u32 $0xE8, v9  }
0xe9: {  	v7 =	vmul.f32 v12, v7;
	v21 =	vmin.f32 v8, $2.290000000e+02;
	v8 =	vcvt.s32.f32 v6  }
0xea: {  	v23 =	vcvt.s32.f32 v22;
	v10 =	vsub.f32 v11, v10;
	v18 =	vadd.s32 v6, v9  }
0xeb: {  	[tilespmem:s3+$0x1CEA0] =	vst.add.f32.msk $0xffff, v15;
	v8 =	vsub.f32 v13, v8;
	v15 =	vadd.s32 $0x1, v18;
	v14 =	vadd.s32 $0xE9, v18  }
0xec: {  	v20 =	vadd.s32 $0xFFFFFF19, v18;
	v19 =	vadd.s32 $0xE7, v18;
	v16 =	vadd.s32 $0xE8, v18  }
0xed: {  	v26 =	vadd.s32 $0xFFFFFE31, v18;
	v32 =	vadd.s32 $0xFFFFFF18, v18;
	v24 =	vadd.s32 $0xFFFFFFFF, v18  }
0xee: {  	v31 =	vadd.s32 $0xFFFFFE30, v18;
	v6 =	vadd.s32 $0xFFFFFF17, v18;
	v28 =	vadd.s32 $0xE6, v18  }
0xef: {  	v29 =	vadd.s32 $0xFFFFFE2F, v18;
	v27 =	vadd.s32 $0xFFFFFF16, v18;
	v30 =	vadd.s32 $0xFFFFFFFE, v18  }
0xf0: {  	[tilespmem:s3+$0x1D4D0] =	vst.add.f32.msk $0xffff, v7;
	v25 =	vadd.s32 $0xFFFFFE2E, v18;
	v7 =	vsub.f32 $1.000000000e+00, v10;
	v9 =	vsub.f32 $2.000000000e+00, v10  }
0xf1: {  	v11 =	vsub.f32 $1.000000000e+00, v8;
	v13 =	vadd.f32 $1.000000000e+00, v10;
	v12 =	vmul.f32 $1.250000000e+00, v10  }
0xf2: {  	v17 =	vadd.f32 $1.000000000e+00, v8;
	v33 =	vsub.f32 $2.000000000e+00, v8;
	v34 =	vmul.f32 $1.250000000e+00, v8  }
0xf3: {  	v12 =	vadd.f32 $-2.250000000e+00, v12;
	v35 =	vmul.f32 $1.250000000e+00, v7;
	v36 =	vmul.f32 $7.500000000e-01, v9  }
0xf4: {  	v37 =	vmul.f32 $7.500000000e-01, v17;
	v34 =	vadd.f32 $-2.250000000e+00, v34;
	v38 =	vmul.f32 $7.500000000e-01, v13;
	v52 =	vld.idx.msk [tilespmem:v18+s2+$0x0], $0xffff  }
0xf5: {  	v39 =	vmul.f32 $1.250000000e+00, v11;
	v18 =	vld.idx.msk [tilespmem:v18+s18+$0x0], $0xffff;
	v12 =	vmul.f32 v12, v10;
	v35 =	vadd.f32 $-2.250000000e+00, v35  }
0xf6: {  	v40 =	vmul.f32 $7.500000000e-01, v33;
	v37 =	vsub.f32 $3.750000000e+00, v37;
	v36 =	vsub.f32 $3.750000000e+00, v36;
	v41 =	vld.idx.msk [tilespmem:v16+s2+$0x0], $0xffff  }
0xf7: {  	v34 =	vmul.f32 v34, v8;
	v38 =	vsub.f32 $3.750000000e+00, v38;
	v42 =	vld.idx.msk [tilespmem:v19+s2+$0x0], $0xffff;
	v10 =	vmul.f32 v12, v10  }
0xf8: {  	v55 =	vadd.f32 $-2.250000000e+00, v39;
	v56 =	vld.idx.msk [tilespmem:v32+s2+$0x0], $0xffff;
	v12 =	vmul.f32 v37, v17;
	v35 =	vmul.f32 v35, v7  }
0xf9: {  	v40 =	vsub.f32 $3.750000000e+00, v40;
	v43 =	vld.idx.msk [tilespmem:v24+s2+$0x0], $0xffff;
	v38 =	vmul.f32 v38, v13;
	v36 =	vmul.f32 v36, v9  }
0xfa: {  	v5 =	vimm.bf16 $0.0e+00;
	v44 =	vld.idx.msk [tilespmem:v6+s2+$0x0], $0xffff;
	v34 =	vmul.f32 v34, v8;
	v37 =	vmul.f32 v55, v11  }
0xfb: {  	v24 =	vld.idx.msk [tilespmem:v24+s18+$0x0], $0xffff;
	v40 =	vmul.f32 v40, v33;
	v12 =	vadd.f32 $-6.000000000e+00, v12;
	v0 =	vadd.f32 $1.000000000e+00, v10  }
0xfc: {  	v57 =	vld.idx.msk [tilespmem:v25+s2+$0x0], $0xffff;
	v7 =	vmul.f32 v35, v7;
	v38 =	vadd.f32 $-6.000000000e+00, v38;
	v36 =	vadd.f32 $-6.000000000e+00, v36  }
0xfd: {  	v45 =	vld.idx.msk [tilespmem:v29+s2+$0x0], $0xffff;
	v11 =	vmul.f32 v37, v11;
	v58 =	vadd.f32 $-6.000000000e+00, v40;
	v10 =	vmul.f32 v12, v17  }
0xfe: {  	v59 =	vld.idx.msk [tilespmem:v27+s2+$0x0], $0xffff;
	v12 =	vadd.f32 $1.000000000e+00, v34;
	v13 =	vmul.f32 v38, v13;
	v1 =	vadd.f32 $1.000000000e+00, v7  }
0xff: {  	v60 =	vld.idx.msk [tilespmem:v30+s2+$0x0], $0xffff;
	v36 =	vmul.f32 v36, v9;
	v17 =	vadd.f32 $3.000000000e+00, v10;
	v10 =	vadd.f32 $1.000000000e+00, v11  }
0x100: {  	v62 =	vld.idx.msk [tilespmem:v31+s2+$0x0], $0xffff;
	v11 =	vmul.f32 v58, v33;
	v61 =	vpack.i.f32.bf16 v12, v12;
	v24 =	vmul.f32 v24, v12  }
0x101: {  	v46 =	vld.idx.msk [tilespmem:v28+s2+$0x0], $0xffff;
	v13 =	vadd.f32 $3.000000000e+00, v13;
	v43 =	vmul.bf16 v43, v61;
	v42 =	vmul.bf16 v42, v61  }
0x102: {  	v2 =	vld.idx.msk [tilespmem:v26+s2+$0x0], $0xffff;
	v44 =	vmul.bf16 v44, v61;
	v33 =	vmul.bf16 v45, v61;
	v63 =	vpack.i.f32.bf16 v17, v17  }
0x103: {  	v26 =	vld.idx.msk [tilespmem:v26+s18+$0x0], $0xffff;
	v47 =	vpack.i.f32.bf16 v10, v10;
	v18 =	vmul.f32 v18, v10;
	v7 =	vmul.bf16 v57, v63  }
0x104: {  	v9 =	vadd.f32 $3.000000000e+00, v36;
	v37 =	vmul.bf16 v59, v63;
	v41 =	vmul.bf16 v41, v47  }
0x105: {  	[tilespmem:$0x1FFA0] =	vst v53;
	v48 =	vld.idx.msk [tilespmem:v20+s2+$0x0], $0xffff;
	v11 =	vadd.f32 $3.000000000e+00, v11;
	v39 =	vmul.bf16 v56, v47;
	v38 =	vmul.bf16 v60, v63  }
0x106: {  	v49 =	vld.idx.msk [tilespmem:v15+s2+$0x0], $0xffff;
	v61 =	vpack.i.f32.bf16 v13, v13;
	v34 =	vmul.bf16 v62, v47;
	v40 =	vmul.bf16 v46, v63  }
0x107: {  	v53 =	vld.idx.msk [tilespmem:v14+s2+$0x0], $0xffff;
	v58 =	vmul.bf16 v52, v47;
	v46 =	vpack.i.f32.bf16 v1, v1;
	v52 =	vpack.i.f32.bf16 v9, v9  }
0x108: {  	v50 =	vpack.i.f32.bf16 v11, v11;
	v26 =	vmul.f32 v26, v11;
	v7 =	vadd.bf16 v54, v7  }
0x109: {  	v37 =	vadd.bf16 v54, v37;
	v38 =	vadd.bf16 v54, v38;
	v55 =	vmul.bf16 v2, v50  }
0x10a: {  	v40 =	vadd.bf16 v54, v40;
	v60 =	vmul.bf16 v48, v50;
	v2 =	vld.idx.msk [tilespmem:v14+s18+$0x0], $0xffff;
	v33 =	vadd.bf16 v33, v7  }
0x10b: {  	v63 =	vmul.bf16 v49, v50;
	v56 =	vadd.bf16 v44, v37;
	v57 =	vadd.bf16 v43, v38  }
0x10c: {  	v45 =	vmul.bf16 v53, v50;
	v40 =	vadd.bf16 v42, v40;
	v37 =	vsub.f32 v4, v23  }
0x10d: {  	v50 =	vtrunc.f32 v21;
	v23 =	vld.idx.msk [tilespmem:v32+s18+$0x0], $0xffff;
	v33 =	vadd.bf16 v34, v33;
	v59 =	vadd.bf16 v39, v56  }
0x10e: {  	v53 =	vcvt.f32.s32 v50;
	v43 =	vld.idx.msk [tilespmem:v30+s18+$0x0], $0xffff;
	v44 =	vadd.bf16 v41, v40;
	v51 =	vadd.f32 $1.000000000e+00, v37  }
0x10f: {  	v42 =	vpack.i.f32.bf16 v0, v0;
	v40 =	vsub.f32 $2.000000000e+00, v37;
	[tilespmem:$0x1FFD0] =	vst v2;
	v2 =	vadd.bf16 v58, v57  }
0x110: {  	v57 =	vmul.u32 $0xE8, v53;
	v58 =	vmul.f32 $1.250000000e+00, v37;
	v33 =	vadd.bf16 v55, v33  }
0x111: {  	v39 =	vld.idx.msk [tilespmem:v27+s18+$0x0], $0xffff;
	v34 =	vadd.bf16 v60, v59;
	v49 =	vadd.bf16 v45, v44;
	v56 =	vmul.f32 $7.500000000e-01, v51  }
0x112: {  	[tilespmem:$0x1FFE0] =	vst v1;
	v55 =	vsub.f32 $1.000000000e+00, v37;
	v59 =	vcvt.s32.f32 v53;
	v1 =	vmul.f32 $7.500000000e-01, v40  }
0x113: {  	v35 =	vadd.bf16 v63, v2;
	v43 =	vmul.f32 v43, v17;
	v23 =	vmul.f32 v23, v10  }
0x114: {  	v33 =	vmul.bf16 v33, v61;
	v34 =	vmul.bf16 v34, v42;
	v60 =	vsub.f32 $3.750000000e+00, v56  }
0x115: {  	v61 =	vmul.f32 $1.250000000e+00, v55;
	v30 =	vsub.f32 v21, v59;
	v59 =	vsub.f32 $3.750000000e+00, v1  }
0x116: {  	v48 =	vmul.bf16 v35, v46;
	v39 =	vmul.f32 v39, v17;
	v43 =	vadd.f32 $0.0e+00, v43  }
0x117: {  	v16 =	vld.idx.msk [tilespmem:v16+s18+$0x0], $0xffff;
	v33 =	vadd.bf16 v54, v33;
	v54 =	vmul.bf16 v49, v52;
	v41 =	vadd.f32 $-2.250000000e+00, v61  }
0x118: {  	v28 =	vld.idx.msk [tilespmem:v28+s18+$0x0], $0xffff;
	v21 =	vmul.f32 v60, v51;
	v45 =	vadd.f32 $1.000000000e+00, v30;
	v39 =	vadd.f32 $0.0e+00, v39  }
0x119: {  	v42 =	vld.idx.msk [tilespmem:v29+s18+$0x0], $0xffff;
	v61 =	vmul.f32 v59, v40;
	v24 =	vadd.f32 v24, v43;
	v47 =	vadd.bf16 v34, v33  }
0x11a: {  	v62 =	vld.idx.msk [tilespmem:v15+s18+$0x0], $0xffff;
	v33 =	vadd.s32 v22, v57;
	v22 =	vadd.f32 $-2.250000000e+00, v58;
	v21 =	vadd.f32 $-6.000000000e+00, v21  }
0x11b: {  	[tilespmem:$0x1FFC0] =	vst v0;
	v15 =	vld.idx.msk [tilespmem:v19+s18+$0x0], $0xffff;
	v60 =	vmul.f32 v41, v55;
	v58 =	vmul.f32 $1.250000000e+00, v30;
	v0 =	vadd.s32 $0xFFFFFE2E, v33  }
0x11c: {  	v35 =	vld.idx.msk [tilespmem:v31+s18+$0x0], $0xffff;
	v2 =	vadd.s32 $0xFFFFFE2F, v33;
	v46 =	vadd.s32 $0xFFFFFF16, v33;
	v36 =	vadd.s32 $0xFFFFFE30, v33  }
0x11d: {  	v34 =	vld.idx.msk [tilespmem:v6+s18+$0x0], $0xffff;
	v50 =	vadd.s32 $0xFFFFFFFE, v33;
	v53 =	vadd.s32 $0xFFFFFE31, v33;
	v56 =	vadd.s32 $0xFFFFFFFF, v33  }
0x11e: {  	s3 =	smov.u32 s14;
	v25 =	vld.idx.msk [tilespmem:v25+s18+$0x0], $0xffff;
	v57 =	vadd.s32 $0xE6, v33;
	v42 =	vmul.f32 v42, v12;
	v19 =	vadd.s32 $0x1, v33  }
0x11f: {  	v8 =	vld [tilespmem:s3+$0x1BC10];
	v6 =	vadd.s32 $0xE8, v33;
	v18 =	vadd.f32 v18, v24;
	v22 =	vmul.f32 v22, v37  }
0x120: {  	v14 =	vld.idx.msk [tilespmem:v20+s18+$0x0], $0xffff;
	v32 =	vadd.bf16 v48, v47;
	v21 =	vmul.f32 v21, v51;
	v47 =	vadd.s32 $0xFFFFFF17, v33  }
0x121: {  	[tilespmem:$0x1FFB0] =	vst v62;
	v58 =	vadd.f32 $-2.250000000e+00, v58;
	v35 =	vmul.f32 v35, v10;
	v22 =	vmul.f32 v22, v37;
	v27 =	vld.idx.msk [tilespmem:v33+s18+$0x0], $0xffff  }
0x122: {  	v7 =	vadd.bf16 v54, v32;
	v34 =	vmul.f32 v34, v12;
	v12 =	vmul.f32 v15, v12;
	v15 =	vld [tilespmem:$0x1FFB0]  }
0x123: {  	v10 =	vmul.f32 v16, v10;
	v48 =	vadd.f32 $3.000000000e+00, v21;
	v21 =	vmul.f32 $7.500000000e-01, v45;
	v52 =	vld.idx.msk [tilespmem:v2+s2+$0x0], $0xffff  }
0x124: {  	v32 =	vsub.f32 $1.000000000e+00, v30;
	v62 =	vunpack.i.u.bf16.f32 v7;
	v29 =	vadd.f32 $1.000000000e+00, v22;
	v54 =	vld.idx.msk [tilespmem:v46+s2+$0x0], $0xffff  }
0x125: {  	v22 =	vmul.f32 v60, v55;
	v1 =	vsub.f32 $3.750000000e+00, v21;
	v51 =	vpack.i.f32.bf16 v48, v48;
	v37 =	vld.idx.msk [tilespmem:v2+s18+$0x0], $0xffff  }
0x126: {  	v55 =	vadd.s32 $0xFFFFFF18, v33;
	v2 =	vmul.f32 v17, v25;
	v46 =	vld.idx.msk [tilespmem:v46+s18+$0x0], $0xffff;
	v25 =	vsub.f32 $2.000000000e+00, v30  }
0x127: {  	v4 =	vld.idx.msk [tilespmem:v56+s2+$0x0], $0xffff;
	v17 =	vmul.f32 v28, v17;
	v63 =	vmul.f32 v62, v8;
	v34 =	vadd.f32 v34, v39  }
0x128: {  	v20 =	vld.idx.msk [tilespmem:v57+s2+$0x0], $0xffff;
	v21 =	vadd.f32 $1.000000000e+00, v22;
	v41 =	vmul.f32 v1, v45;
	v44 =	vpack.i.f32.bf16 v29, v29  }
0x129: {  	v62 =	vld.idx.msk [tilespmem:v0+s2+$0x0], $0xffff;
	v1 =	vmul.f32 $1.250000000e+00, v32;
	v3 =	vmul.f32 $7.500000000e-01, v25;
	v17 =	vadd.f32 $0.0e+00, v17  }
0x12a: {  	[tilespmem:s3+$0x1CEB0] =	vst.add.f32.msk $0xffff, v63;
	v63 =	vadd.f32 $-6.000000000e+00, v61;
	v61 =	vadd.s32 $0xFFFFFF19, v33;
	v23 =	vadd.f32 v23, v34  }
0x12b: {  	v0 =	vld.idx.msk [tilespmem:v0+s18+$0x0], $0xffff;
	v41 =	vadd.f32 $-6.000000000e+00, v41;
	v27 =	vmul.f32 v27, v21;
	v15 =	vmul.f32 v15, v11  }
0x12c: {  	v60 =	vld.idx.msk [tilespmem:v47+s2+$0x0], $0xffff;
	v1 =	vadd.f32 $-2.250000000e+00, v1;
	v22 =	vmul.f32 v63, v40;
	v52 =	vmul.bf16 v52, v44  }
0x12d: {  	v47 =	vld.idx.msk [tilespmem:v47+s18+$0x0], $0xffff;
	v3 =	vsub.f32 $3.750000000e+00, v3;
	v54 =	vmul.bf16 v54, v51;
	v37 =	vmul.f32 v37, v29  }
0x12e: {  	v12 =	vadd.f32 v12, v17;
	v46 =	vmul.f32 v46, v48;
	v20 =	vmul.bf16 v20, v51  }
0x12f: {  	v59 =	vld.idx.msk [tilespmem:v36+s2+$0x0], $0xffff;
	v40 =	vadd.f32 $0.0e+00, v2;
	v4 =	vmul.bf16 v4, v44;
	v49 =	vmul.bf16 v62, v51  }
0x130: {  	v38 =	vmul.f32 v48, v0;
	v62 =	vadd.s32 $0xE7, v33;
	v0 =	vld.idx.msk [tilespmem:v36+s18+$0x0], $0xffff;
	v36 =	vpack.i.f32.bf16 v21, v21  }
0x131: {  	v31 =	vld.idx.msk [tilespmem:v33+s2+$0x0], $0xffff;
	v60 =	vmul.bf16 v60, v44;
	v41 =	vmul.f32 v41, v45;
	v15 =	vadd.f32 v15, v18  }
0x132: {  	v63 =	vld.idx.msk [tilespmem:v50+s2+$0x0], $0xffff;
	v47 =	vmul.f32 v47, v29;
	v22 =	vadd.f32 $3.000000000e+00, v22;
	v54 =	vadd.bf16 v5, v54  }
0x133: {  	v50 =	vld.idx.msk [tilespmem:v50+s18+$0x0], $0xffff;
	v3 =	vmul.f32 v3, v25;
	v40 =	vadd.f32 v42, v40;
	v46 =	vadd.f32 $0.0e+00, v46  }
0x134: {  	v2 =	vld.idx.msk [tilespmem:v53+s2+$0x0], $0xffff;
	v33 =	vadd.s32 $0xE9, v33;
	v49 =	vadd.bf16 v5, v49;
	v38 =	vadd.f32 $0.0e+00, v38  }
0x135: {  	v1 =	vmul.f32 v1, v32;
	v42 =	vld.idx.msk [tilespmem:v53+s18+$0x0], $0xffff;
	v41 =	vadd.f32 $3.000000000e+00, v41;
	v3 =	vadd.f32 $-6.000000000e+00, v3  }
0x136: {  	v53 =	vld.idx.msk [tilespmem:v55+s18+$0x0], $0xffff;
	v31 =	vmul.bf16 v31, v36;
	v54 =	vadd.bf16 v60, v54;
	v35 =	vadd.f32 v35, v40  }
0x137: {  	v1 =	vmul.f32 v1, v32;
	v40 =	vadd.f32 v47, v46;
	v46 =	vld.idx.msk [tilespmem:v19+s2+$0x0], $0xffff;
	v49 =	vadd.bf16 v52, v49  }
0x138: {  	v19 =	vld.idx.msk [tilespmem:v19+s18+$0x0], $0xffff;
	v52 =	vmul.bf16 v59, v36;
	v63 =	vmul.bf16 v63, v51;
	v38 =	vadd.f32 v37, v38  }
0x139: {  	v59 =	vld.idx.msk [tilespmem:v55+s2+$0x0], $0xffff;
	v37 =	vpack.i.f32.bf16 v22, v22;
	v50 =	vmul.f32 v50, v48;
	v1 =	vadd.f32 $1.000000000e+00, v1  }
0x13a: {  	v55 =	vld.idx.msk [tilespmem:v56+s18+$0x0], $0xffff;
	v3 =	vmul.f32 v3, v25;
	v0 =	vmul.f32 v0, v21;
	v26 =	vadd.f32 v26, v35  }
0x13b: {  	v2 =	vmul.bf16 v2, v37;
	v45 =	vadd.bf16 v52, v49;
	v49 =	vld.idx.msk [tilespmem:v57+s18+$0x0], $0xffff;
	v57 =	vadd.bf16 v5, v63  }
0x13c: {  	v56 =	vld.idx.msk [tilespmem:v61+s2+$0x0], $0xffff;
	v52 =	vmul.f32 v58, v30;
	v39 =	vadd.f32 $0.0e+00, v50;
	v0 =	vadd.f32 v0, v38  }
0x13d: {  	v51 =	vld.idx.msk [tilespmem:v62+s2+$0x0], $0xffff;
	v38 =	vmul.f32 v42, v22;
	v13 =	vmul.f32 v26, v13;
	v2 =	vadd.bf16 v2, v45  }
0x13e: {  	v42 =	vld.idx.msk [tilespmem:v62+s18+$0x0], $0xffff;
	v30 =	vmul.f32 v52, v30;
	v4 =	vadd.bf16 v4, v57;
	v19 =	vmul.f32 v19, v22  }
0x13f: {  	v62 =	vld.idx.msk [tilespmem:v33+s2+$0x0], $0xffff;
	v63 =	vmul.bf16 v59, v36;
	v60 =	vmul.f32 v55, v29;
	v0 =	vadd.f32 v38, v0  }
0x140: {  	v55 =	vmovc v7;
	v7 =	vmovc v8;
	v8 =	vmul.f32 v14, v11;
	v30 =	vadd.f32 $1.000000000e+00, v30;
	v4 =	vadd.bf16 v31, v4  }
0x141: {  	v59 =	vld.idx.msk [tilespmem:v61+s18+$0x0], $0xffff;
	v47 =	vmul.f32 v49, v48;
	v49 =	vmul.f32 v53, v21;
	v61 =	vadd.bf16 v63, v54  }
0x142: {  	v54 =	vimm.bf16 $0.0e+00;
	v63 =	vmul.bf16 v56, v37;
	v53 =	vmul.bf16 v51, v44  }
0x143: {  	v33 =	vld.idx.msk [tilespmem:v33+s18+$0x0], $0xffff;
	v56 =	vpack.i.f32.bf16 v41, v41;
	v28 =	vadd.f32 v60, v39;
	v0 =	vmul.f32 v0, v41  }
0x144: {  	v48 =	vld.idx.msk [tilespmem:v6+s2+$0x0], $0xffff;
	v8 =	vadd.f32 v8, v23;
	v20 =	vadd.bf16 v54, v20;
	v29 =	vmul.f32 v42, v29  }
0x145: {  	v6 =	vld.idx.msk [tilespmem:v6+s18+$0x0], $0xffff;
	v2 =	vmul.bf16 v2, v56;
	v16 =	vpack.i.f32.bf16 v30, v30;
	v40 =	vadd.f32 v49, v40  }
0x146: {  	v17 =	vmul.bf16 v62, v37;
	v58 =	vadd.f32 $0.0e+00, v47;
	v14 =	vadd.bf16 v63, v61  }
0x147: {  	v27 =	vadd.f32 v27, v28;
	v0 =	vadd.f32 $0.0e+00, v0;
	v57 =	vmul.f32 v59, v22  }
0x148: {  	v18 =	vmul.f32 v33, v22;
	v20 =	vadd.bf16 v53, v20;
	v22 =	vadd.f32 v10, v12;
	v10 =	vld [tilespmem:$0x1FFD0]  }
0x149: {  	v63 =	vld [tilespmem:$0x1FFE0];
	v59 =	vmul.bf16 v46, v37;
	v2 =	vadd.bf16 v54, v2;
	v60 =	vadd.f32 v57, v40  }
0x14a: {  	v61 =	vmul.bf16 v48, v36;
	v6 =	vmul.f32 v6, v21;
	v21 =	vadd.f32 $0.0e+00, v13;
	v13 =	vld [tilespmem:$0x1FFC0]  }
0x14b: {  	s7 =	sadd.s32 $0x2, s7;
	v23 =	vadd.f32 v29, v58;
	v14 =	vmul.bf16 v14, v16;
	v19 =	vadd.f32 v19, v27  }
0x14c: {  	p0 =	slt.u32 s7, $0xC;
	v4 =	vadd.bf16 v59, v4;
	v16 =	vadd.bf16 v61, v20;
	v20 =	vmul.f32 v60, v30  }
.Ltmp7:
0x14d: {  	v6 =	vadd.f32 v6, v23;
	v23 =	vmul.f32 v10, v11;
	v10 =	vadd.bf16 v14, v2;
	(pc) =	sbr.rel @p0 .LBB2_7-.Ltmp7, $4  }
0x14e: {  	v15 =	vmul.f32 v15, v63;
	v11 =	vadd.bf16 v17, v16;
	v14 =	vadd.f32 v20, v0  }
0x14f: {  	v16 =	vmul.f32 v19, v1;
	v19 =	vlaneseq.u32;
	v62 =	vmul.f32 v8, v13  }
0x150: {  	v17 =	vadd.f32 v18, v6;
	v8 =	vadd.f32 $3.000000000e+00, v3;
	v3 =	vpack.i.f32.bf16 v1, v1  }
0x151: {  	s9 =	sadd.s32 $0x80, s9;
	v5 =	vld [tilespmem:$0x1FFA0];
	v13 =	vmul.bf16 v4, v3;
	v20 =	vmovc v9;
	v9 =	vadd.f32 v23, v22;
	v12 =	vadd.f32 v62, v21  }
0x152: {  	v0 =	vpack.i.f32.bf16 v8, v8;
	v59 =	vadd.f32 v16, v14  }
0x153: {  	v2 =	vmul.f32 v17, v8;
	v1 =	vadd.bf16 v13, v10;
	v0 =	vmul.bf16 v11, v0  }
0x154: {  	v3 =	vadd.f32 v15, v12;
	v6 =	vmul.f32 v9, v20  }
0x155: {  	v60 =	vunpack.i.l.bf16.f32 v55;
	v0 =	vadd.bf16 v0, v1;
	v1 =	vadd.f32 v2, v59  }
0x156: {  	s30 =	sadd.s32 $0x1, s30;
	v62 =	vmul.f32 v60, v7;
	v61 =	vadd.f32 v6, v3  }
0x157: {  	p0 =	sne.s32 s30, $0x7;
	v1 =	vmul.f32 v1, v5  }
.Ltmp8:
0x158: {  	[tilespmem:s3+$0x1C890] =	vst.add.f32.msk $0xffff, v62;
	v4 =	vunpack.i.l.bf16.f32 v0;
	v63 =	vmul.f32 v61, v7;
	(pc) =	sbr.rel @p0 .LBB2_6-.Ltmp8, $4  }
0x159: {  	v0 =	vunpack.i.u.bf16.f32 v0;
	v4 =	vmul.f32 v4, v5;
	[tilespmem:s3+$0x1D4C0] =	vst.add.f32.msk $0xffff, v1  }
0x15a: {  	v0 =	vmul.f32 v0, v5;
	[tilespmem:s3+$0x1D4D0] =	vst.add.f32.msk $0xffff, v63  }
0x15b: {  	[tilespmem:s3+$0x1C880] =	vst.add.f32.msk $0xffff, v4  }
0x15c: {  	s29 =	sadd.s32 $0x380, s29;
	[tilespmem:s3+$0x1CEA0] =	vst.add.f32.msk $0xffff, v0  }
0x15d: {  	_ =	swait.ge [sflag:s26], $0x620;
	s3 =	smin.u32 s28, $0x16  }
0x15e: {  	[sflag:s26] =	ssyncset.done $0x0;
	s3 =	sadd.s32 $0x2, s3  }
0x15f: {  	[sflag:s26] =	ssyncadd.s32 $0xFFFFF9E0;
	s5 =	sshll.u32 s3, $0x1  }
0x160: {  	_ =	swait.ge [sflag:s26], $0x620;
	s5 =	sadd.s32 s12, s5  }
0x161: {  	[sflag:s26] =	ssyncset.done $0x0;
	s5 =	smul.u32 $0xC400, s5  }
0x162: {  	s28 =	simm.s32 $0x0;
	[sflag:s26] =	ssyncadd.s32 $0xFFFFF9E0  }
0x163: {  	p0 =	sgt.u32 s31, $0x18;
	_ =	swait.ge [sflag:s26], $0x620;
	s5 =	sadd.s32 s1, s5  }
0x164: {  	s3 =	sadd.s32 s13, s3;
	[sflag:s26] =	ssyncset.done $0x0;
	s5 =	sshrl.u32 s5, $0x3  }
0x165: {  	s3 =	smul.u32 $0xC400, s3;
	[sflag:s26] =	ssyncadd.s32 $0xFFFFF9E0;
	s5 =	sadd.s32 s4, s5  }
0x166: {  	[tilespmem:s19], [sflag:$0x1] =	stream.linear.gather [hbm4b:s5+s28], $0x620, $0x38;
	[tilespmem:$0x1DB00] =	vst v63  }
.Ltmp9:
0x167: {  	s3 =	sadd.s32 s1, s3;
	(pc) =	sbr.rel @p0 .LBB2_13-.Ltmp9, $4  }
0x168: {  	s3 =	sshrl.u32 s3, $0x3;
	s5 =	sadd.s32 $0x1880, s5  }
0x169: {  	[tilespmem:s20], [sflag:$0x1] =	stream.linear.gather [hbm4b:s5+s28], $0x620, $0x38;
	[tilespmem:$0x1DB00] =	vst v63  }
0x16a: {  	s31 =	simm.s32 $0x0;
	s3 =	sadd.s32 s6, s3  }
0x16b: {  	[tilespmem:s21], [sflag:$0x1] =	stream.linear.gather [hbm4b:s3+s28], $0x620, $0x38;
	[tilespmem:$0x1DB00] =	vst v63  }
.LBB2_10:
0x16c: {  	s5 =	sadd.s32 s10, s31;
	s3 =	sshra.s32 s28, $0x2  }
0x16d: {  	s9 =	simm.s32 $0x0;
	s7 =	scvt.s32.f32 s5;
	v0 =	vld [tilespmem:s3+$0x1B5B0]  }
0x16e: {  	s5 =	simm.s32 $0x10;
	v2 =	vld [tilespmem:s3+$0x1A930];
	v3 =	vor.u32 s9, v19  }
0x16f: {  	v4 =	vld [tilespmem:s3+$0x1A920];
	v1 =	vor.u32 s5, v19;
	v5 =	vcvt.s32.f32 v3;
	s7 =	sadd.f32 $4.000000000e+00, s7  }
0x170: {  	v1 =	vcvt.s32.f32 v1  }
0x171: {  	v5 =	vadd.f32 $4.000000000e+00, v5;
	v3 =	vmov s7  }
0x172: {  	v1 =	vadd.f32 $4.000000000e+00, v1;
	v0 =	vadd.f32 v0, v3  }
0x173: {  	v6 =	vld [tilespmem:s3+$0x1B5A0]  }
0x174: {  	v55 =	vadd.f32 v4, v5;
	v1 =	vadd.f32 v2, v1;
	v0 =	vmax.f32 v0, $2.000000000e+00  }
0x175: {  	v0 =	vmin.f32 v0, $2.290000000e+02  }
0x176: {  	v2 =	vmax.f32 v55, $2.000000000e+00;
	v1 =	vmax.f32 v1, $2.000000000e+00;
	v5 =	vtrunc.f32 v0  }
0x177: {  	v4 =	vmin.f32 v2, $2.290000000e+02;
	v1 =	vmin.f32 v1, $2.290000000e+02;
	v5 =	vcvt.f32.s32 v5  }
0x178: {  	v6 =	vadd.f32 v6, v3;
	v7 =	vtrunc.f32 v4;
	v56 =	vtrunc.f32 v1  }
0x179: {  	v22 =	vcvt.f32.s32 v7;
	v2 =	vcvt.f32.s32 v56;
	v7 =	vmul.u32 $0xE8, v5  }
0x17a: {  	v6 =	vmax.f32 v6, $2.000000000e+00  }
0x17b: {  	v5 =	vcvt.s32.f32 v5;
	v30 =	vcvt.s32.f32 v22;
	v9 =	vadd.s32 v2, v7  }
0x17c: {  	v23 =	vmin.f32 v6, $2.290000000e+02;
	v8 =	vcvt.s32.f32 v2;
	v7 =	vadd.s32 $0xE8, v9  }
0x17d: {  	v0 =	vsub.f32 v0, v5;
	v30 =	vsub.f32 v4, v30;
	v51 =	vadd.s32 $0xFFFFFF18, v9  }
0x17e: {  	v1 =	vsub.f32 v1, v8;
	v8 =	vadd.s32 $0x1, v9;
	v16 =	vadd.s32 $0xFFFFFFFF, v9  }
0x17f: {  	[tilespmem:$0x1FF90] =	vst v3;
	v10 =	vadd.s32 $0xFFFFFF19, v9;
	v14 =	vadd.s32 $0xE7, v9;
	v28 =	vadd.s32 $0xFFFFFF17, v9  }
0x180: {  	v29 =	vadd.s32 $0xFFFFFE30, v9;
	v26 =	vadd.s32 $0xFFFFFE2F, v9;
	v24 =	vadd.s32 $0xFFFFFE2E, v9;
	v56 =	vld.idx.msk [tilespmem:v9+s2+$0x0], $0xffff  }
0x181: {  	v25 =	vadd.s32 $0xFFFFFF16, v9;
	v27 =	vadd.s32 $0xFFFFFFFE, v9;
	v57 =	vsub.f32 $1.000000000e+00, v0;
	v36 =	vld.idx.msk [tilespmem:v7+s2+$0x0], $0xffff  }
0x182: {  	v11 =	vsub.f32 $2.000000000e+00, v0;
	v13 =	vadd.f32 $1.000000000e+00, v0;
	v15 =	vmul.f32 $1.250000000e+00, v0;
	v37 =	vld.idx.msk [tilespmem:v51+s2+$0x0], $0xffff  }
0x183: {  	v12 =	vsub.f32 $1.000000000e+00, v1;
	v17 =	vadd.f32 $1.000000000e+00, v1;
	v18 =	vmul.f32 $1.250000000e+00, v1;
	v39 =	vld.idx.msk [tilespmem:v16+s2+$0x0], $0xffff  }
0x184: {  	v31 =	vsub.f32 $2.000000000e+00, v1;
	v20 =	vmul.f32 $1.250000000e+00, v57;
	v21 =	vmul.f32 $7.500000000e-01, v11;
	v40 =	vld.idx.msk [tilespmem:v28+s2+$0x0], $0xffff  }
0x185: {  	v15 =	vadd.f32 $-2.250000000e+00, v15;
	v33 =	vmul.f32 $7.500000000e-01, v13;
	v32 =	vmul.f32 $7.500000000e-01, v17;
	v41 =	vld.idx.msk [tilespmem:v24+s2+$0x0], $0xffff  }
0x186: {  	v18 =	vadd.f32 $-2.250000000e+00, v18;
	v34 =	vmul.f32 $1.250000000e+00, v12;
	v35 =	vmul.f32 $7.500000000e-01, v31;
	v60 =	vld.idx.msk [tilespmem:v26+s2+$0x0], $0xffff  }
0x187: {  	v15 =	vmul.f32 v15, v0;
	v20 =	vadd.f32 $-2.250000000e+00, v20;
	v21 =	vsub.f32 $3.750000000e+00, v21;
	v63 =	vld.idx.msk [tilespmem:v25+s2+$0x0], $0xffff  }
0x188: {  	v33 =	vsub.f32 $3.750000000e+00, v33;
	v49 =	vld.idx.msk [tilespmem:v27+s2+$0x0], $0xffff;
	v32 =	vsub.f32 $3.750000000e+00, v32;
	v18 =	vmul.f32 v18, v1  }
0x189: {  	v28 =	vld.idx.msk [tilespmem:v28+s18+$0x0], $0xffff;
	v34 =	vadd.f32 $-2.250000000e+00, v34;
	v0 =	vmul.f32 v15, v0;
	v20 =	vmul.f32 v20, v57  }
0x18a: {  	v26 =	vld.idx.msk [tilespmem:v26+s18+$0x0], $0xffff;
	v35 =	vsub.f32 $3.750000000e+00, v35;
	v33 =	vmul.f32 v33, v13;
	v38 =	vmul.f32 v21, v11  }
0x18b: {  	v5 =	vadd.s32 $0xE9, v9;
	v16 =	vld.idx.msk [tilespmem:v16+s18+$0x0], $0xffff;
	v32 =	vmul.f32 v32, v17;
	v1 =	vmul.f32 v18, v1  }
0x18c: {  	v6 =	vadd.s32 $0xFFFFFE31, v9;
	v15 =	vld.idx.msk [tilespmem:v14+s2+$0x0], $0xffff;
	v34 =	vmul.f32 v34, v12;
	v35 =	vmul.f32 v35, v31  }
0x18d: {  	v14 =	vld.idx.msk [tilespmem:v14+s18+$0x0], $0xffff;
	v2 =	vmul.f32 v20, v57;
	v58 =	vadd.f32 $-6.000000000e+00, v33;
	v59 =	vadd.f32 $-6.000000000e+00, v38  }
0x18e: {  	v53 =	vld.idx.msk [tilespmem:v29+s2+$0x0], $0xffff;
	v32 =	vadd.f32 $-6.000000000e+00, v32;
	v61 =	vmul.f32 v34, v12;
	v62 =	vadd.f32 $-6.000000000e+00, v35  }
0x18f: {  	v45 =	vld.idx.msk [tilespmem:v10+s2+$0x0], $0xffff;
	v3 =	vadd.f32 $1.000000000e+00, v1;
	v13 =	vmul.f32 v58, v13;
	v48 =	vmul.f32 v59, v11  }
0x190: {  	v46 =	vadd.f32 $1.000000000e+00, v30;
	v25 =	vld.idx.msk [tilespmem:v25+s18+$0x0], $0xffff;
	v17 =	vmul.f32 v32, v17;
	v50 =	vmul.f32 v62, v31  }
0x191: {  	v4 =	vld.idx.msk [tilespmem:v51+s18+$0x0], $0xffff;
	v21 =	vadd.s32 $0xE6, v9;
	v26 =	vmul.f32 v26, v3;
	v28 =	vmul.f32 v28, v3  }
0x192: {  	v9 =	vld.idx.msk [tilespmem:v9+s18+$0x0], $0xffff;
	v52 =	vpack.i.f32.bf16 v3, v3;
	v16 =	vmul.f32 v16, v3;
	v14 =	vmul.f32 v14, v3  }
0x193: {  	v24 =	vld.idx.msk [tilespmem:v24+s18+$0x0], $0xffff;
	v11 =	vadd.f32 $1.000000000e+00, v0;
	v39 =	vmul.bf16 v39, v52;
	v15 =	vmul.bf16 v15, v52  }
0x194: {  	v10 =	vld.idx.msk [tilespmem:v10+s18+$0x0], $0xffff;
	v12 =	vadd.f32 $1.000000000e+00, v61;
	v40 =	vmul.bf16 v40, v52;
	v31 =	vmul.bf16 v60, v52  }
0x195: {  	v58 =	vld.idx.msk [tilespmem:v8+s2+$0x0], $0xffff;
	v20 =	vadd.f32 $3.000000000e+00, v48;
	v48 =	vsub.f32 $1.000000000e+00, v30;
	v52 =	vmul.f32 $1.250000000e+00, v30  }
0x196: {  	v8 =	vld.idx.msk [tilespmem:v8+s18+$0x0], $0xffff;
	v18 =	vadd.f32 $3.000000000e+00, v17;
	v44 =	vpack.i.f32.bf16 v12, v12;
	v4 =	vmul.f32 v4, v12  }
0x197: {  	v43 =	vld.idx.msk [tilespmem:v6+s2+$0x0], $0xffff;
	v17 =	vadd.f32 $3.000000000e+00, v13;
	v9 =	vmul.f32 v9, v12;
	v36 =	vmul.bf16 v36, v44  }
0x198: {  	v55 =	vld.idx.msk [tilespmem:v21+s2+$0x0], $0xffff;
	v13 =	vadd.f32 $3.000000000e+00, v50;
	v57 =	vmul.bf16 v37, v44;
	v34 =	vmul.bf16 v53, v44  }
0x199: {  	v38 =	vmul.bf16 v56, v44;
	v42 =	vpack.i.f32.bf16 v18, v18;
	v24 =	vmul.f32 v18, v24  }
0x19a: {  	v47 =	vpack.i.f32.bf16 v20, v20;
	v25 =	vmul.f32 v25, v18;
	v41 =	vmul.bf16 v41, v42  }
0x19b: {  	v59 =	vpack.i.f32.bf16 v13, v13;
	v10 =	vmul.f32 v10, v13;
	v8 =	vmul.f32 v8, v13  }
0x19c: {  	v35 =	vmul.bf16 v63, v42;
	v33 =	vmul.bf16 v49, v42;
	v41 =	vadd.bf16 v54, v41  }
0x19d: {  	v61 =	vld.idx.msk [tilespmem:v5+s2+$0x0], $0xffff;
	v56 =	vadd.f32 $-2.250000000e+00, v52;
	v0 =	vmul.bf16 v55, v42;
	v60 =	vmul.bf16 v43, v59  }
0x19e: {  	v62 =	vmul.bf16 v45, v59;
	v35 =	vadd.bf16 v54, v35;
	v31 =	vadd.bf16 v31, v41  }
0x19f: {  	v63 =	vpack.i.f32.bf16 v17, v17;
	v24 =	vadd.f32 $0.0e+00, v24;
	v25 =	vadd.f32 $0.0e+00, v25  }
0x1a0: {  	v37 =	vmul.bf16 v58, v59;
	v35 =	vadd.bf16 v40, v35;
	v31 =	vadd.bf16 v34, v31  }
0x1a1: {  	v49 =	vmul.f32 $7.500000000e-01, v46;
	v33 =	vadd.bf16 v54, v33;
	v0 =	vadd.bf16 v54, v0  }
0x1a2: {  	v5 =	vld.idx.msk [tilespmem:v5+s18+$0x0], $0xffff;
	v43 =	vmul.bf16 v61, v59;
	v1 =	vadd.bf16 v57, v35;
	v31 =	vadd.bf16 v60, v31  }
0x1a3: {  	v45 =	vtrunc.f32 v23;
	v53 =	vsub.f32 $3.750000000e+00, v49;
	v24 =	vadd.f32 v26, v24  }
0x1a4: {  	v0 =	vadd.bf16 v15, v0;
	v1 =	vadd.bf16 v62, v1;
	v31 =	vmul.bf16 v31, v63  }
0x1a5: {  	v25 =	vadd.f32 v28, v25;
	v33 =	vadd.bf16 v39, v33;
	v40 =	vpack.i.f32.bf16 v11, v11  }
0x1a6: {  	v0 =	vadd.bf16 v36, v0;
	v36 =	vld.idx.msk [tilespmem:v27+s18+$0x0], $0xffff;
	v1 =	vmul.bf16 v1, v40;
	v31 =	vadd.bf16 v54, v31  }
0x1a7: {  	v21 =	vld.idx.msk [tilespmem:v21+s18+$0x0], $0xffff;
	v5 =	vmul.f32 v5, v13;
	v15 =	vadd.f32 $1.000000000e+00, v2;
	v33 =	vadd.bf16 v38, v33  }
0x1a8: {  	v4 =	vadd.f32 v4, v25;
	v1 =	vadd.bf16 v1, v31;
	v31 =	vcvt.f32.s32 v45  }
0x1a9: {  	v44 =	vpack.i.f32.bf16 v15, v15;
	v34 =	vsub.f32 $2.000000000e+00, v30;
	v42 =	vadd.bf16 v37, v33;
	v37 =	vld.idx.msk [tilespmem:v6+s18+$0x0], $0xffff  }
0x1aa: {  	v57 =	vmul.f32 $1.250000000e+00, v48;
	v10 =	vadd.f32 v10, v4;
	v50 =	vmul.u32 $0xE8, v31  }
0x1ab: {  	v0 =	vadd.bf16 v43, v0;
	v58 =	vmul.f32 $7.500000000e-01, v34;
	v36 =	vmul.f32 v36, v18  }
0x1ac: {  	v59 =	vadd.f32 $-2.250000000e+00, v57;
	v18 =	vmul.f32 v21, v18;
	v22 =	vadd.s32 v22, v50  }
0x1ad: {  	v2 =	vmul.bf16 v42, v44;
	v36 =	vadd.f32 $0.0e+00, v36;
	v35 =	vadd.s32 $0xFFFFFE2E, v22  }
0x1ae: {  	v0 =	vmul.bf16 v0, v47;
	v37 =	vmul.f32 v37, v13;
	v18 =	vadd.f32 $0.0e+00, v18  }
0x1af: {  	v16 =	vadd.f32 v16, v36;
	v1 =	vadd.bf16 v2, v1;
	v60 =	vadd.s32 $0xFFFFFE2F, v22  }
0x1b0: {  	v7 =	vld.idx.msk [tilespmem:v7+s18+$0x0], $0xffff;
	v14 =	vadd.f32 v14, v18;
	v55 =	vcvt.s32.f32 v31;
	v31 =	vmul.f32 v59, v48  }
0x1b1: {  	v9 =	vadd.f32 v9, v16;
	v6 =	vadd.bf16 v0, v1;
	v1 =	vld.idx.msk [tilespmem:v29+s18+$0x0], $0xffff;
	v61 =	vadd.s32 $0xFFFFFF16, v22  }
0x1b2: {  	v0 =	vmul.f32 v53, v46;
	v27 =	vsub.f32 v23, v55;
	v23 =	vmul.f32 v56, v30;
	v63 =	vld.idx.msk [tilespmem:v35+s2+$0x0], $0xffff  }
0x1b3: {  	v29 =	vsub.f32 $3.750000000e+00, v58;
	v2 =	vmul.f32 v31, v48;
	v52 =	vadd.s32 $0xFFFFFF17, v22;
	v35 =	vld.idx.msk [tilespmem:v35+s18+$0x0], $0xffff  }
0x1b4: {  	v62 =	vadd.s32 $0xFFFFFE30, v22;
	v55 =	vadd.s32 $0xFFFFFFFE, v22;
	v0 =	vadd.f32 $-6.000000000e+00, v0;
	v56 =	vld.idx.msk [tilespmem:v60+s2+$0x0], $0xffff  }
0x1b5: {  	v57 =	vadd.s32 $0xFFFFFE31, v22;
	v47 =	vadd.s32 $0xFFFFFF18, v22;
	v23 =	vmul.f32 v23, v30;
	v33 =	vld.idx.msk [tilespmem:v60+s18+$0x0], $0xffff  }
0x1b6: {  	v38 =	vadd.f32 $1.000000000e+00, v27;
	v29 =	vmul.f32 v29, v34;
	v0 =	vmul.f32 v0, v46;
	v46 =	vld.idx.msk [tilespmem:v61+s2+$0x0], $0xffff  }
0x1b7: {  	v48 =	vadd.s32 $0xE6, v22;
	v51 =	vadd.s32 $0xE8, v22;
	v8 =	vadd.f32 v8, v9;
	v59 =	vld.idx.msk [tilespmem:v61+s18+$0x0], $0xffff  }
0x1b8: {  	v53 =	vmul.f32 $7.500000000e-01, v38;
	v43 =	vadd.f32 $1.000000000e+00, v23;
	v29 =	vadd.f32 $-6.000000000e+00, v29;
	v49 =	vld.idx.msk [tilespmem:v52+s2+$0x0], $0xffff  }
0x1b9: {  	v23 =	vadd.f32 $1.000000000e+00, v2;
	v1 =	vmul.f32 v1, v12;
	v12 =	vmul.f32 v7, v12;
	v30 =	vld.idx.msk [tilespmem:v62+s18+$0x0], $0xffff  }
0x1ba: {  	v0 =	vadd.f32 $3.000000000e+00, v0;
	v41 =	vsub.f32 $3.750000000e+00, v53;
	v58 =	vmul.f32 v29, v34;
	v50 =	vld.idx.msk [tilespmem:v55+s2+$0x0], $0xffff  }
0x1bb: {  	v34 =	vpack.i.f32.bf16 v43, v43;
	v61 =	vadd.s32 $0xFFFFFFFF, v22;
	v42 =	vld.idx.msk [tilespmem:v55+s18+$0x0], $0xffff;
	v55 =	vadd.s32 $0xE7, v22  }
0x1bc: {  	v40 =	vld.idx.msk [tilespmem:v52+s18+$0x0], $0xffff;
	v1 =	vadd.f32 v1, v24;
	v9 =	vadd.f32 v12, v14;
	v44 =	vpack.i.f32.bf16 v0, v0  }
0x1bd: {  	v60 =	vld.idx.msk [tilespmem:v62+s2+$0x0], $0xffff;
	v41 =	vmul.f32 v41, v38;
	v2 =	vadd.f32 $3.000000000e+00, v58;
	v32 =	vmul.bf16 v63, v44  }
0x1be: {  	v62 =	vld.idx.msk [tilespmem:v57+s2+$0x0], $0xffff;
	v58 =	vadd.s32 $0xFFFFFF19, v22;
	v35 =	vmul.f32 v0, v35;
	v31 =	vmul.bf16 v56, v34  }
0x1bf: {  	v1 =	vadd.f32 v37, v1;
	v33 =	vmul.f32 v33, v43;
	v46 =	vmul.bf16 v46, v44  }
0x1c0: {  	v45 =	vld.idx.msk [tilespmem:v57+s18+$0x0], $0xffff;
	v9 =	vadd.f32 v5, v9;
	v29 =	vmul.f32 v59, v0;
	v49 =	vmul.bf16 v49, v34  }
0x1c1: {  	v52 =	vld.idx.msk [tilespmem:v47+s2+$0x0], $0xffff;
	v41 =	vadd.f32 $-6.000000000e+00, v41;
	v30 =	vmul.f32 v30, v23;
	v40 =	vmul.f32 v40, v43  }
0x1c2: {  	v28 =	vpack.i.f32.bf16 v2, v2;
	v63 =	vld.idx.msk [tilespmem:v48+s2+$0x0], $0xffff;
	v56 =	vmul.bf16 v50, v44;
	v57 =	vmul.f32 v42, v0  }
0x1c3: {  	v48 =	vld.idx.msk [tilespmem:v48+s18+$0x0], $0xffff;
	v26 =	vmul.bf16 v62, v28;
	v1 =	vmul.f32 v1, v17;
	v32 =	vadd.bf16 v54, v32  }
0x1c4: {  	v53 =	vld.idx.msk [tilespmem:v61+s2+$0x0], $0xffff;
	v38 =	vmul.f32 v41, v38;
	v35 =	vadd.f32 $0.0e+00, v35;
	v46 =	vadd.bf16 v54, v46  }
0x1c5: {  	v45 =	vmul.f32 v45, v2;
	v24 =	vld.idx.msk [tilespmem:v55+s18+$0x0], $0xffff;
	v29 =	vadd.f32 $0.0e+00, v29;
	v1 =	vadd.f32 $0.0e+00, v1  }
0x1c6: {  	v59 =	vld.idx.msk [tilespmem:v47+s18+$0x0], $0xffff;
	v62 =	vmul.f32 $1.250000000e+00, v27;
	v38 =	vadd.f32 $3.000000000e+00, v38;
	v31 =	vadd.bf16 v31, v32  }
0x1c7: {  	v42 =	vld.idx.msk [tilespmem:v58+s18+$0x0], $0xffff;
	v32 =	vpack.i.f32.bf16 v23, v23;
	v33 =	vadd.f32 v33, v35;
	v46 =	vadd.bf16 v49, v46  }
0x1c8: {  	v29 =	vadd.f32 v40, v29;
	v35 =	vld.idx.msk [tilespmem:v61+s18+$0x0], $0xffff;
	v40 =	vadd.f32 $0.0e+00, v57;
	v39 =	vmul.bf16 v60, v32  }
0x1c9: {  	v61 =	vld.idx.msk [tilespmem:v55+s2+$0x0], $0xffff;
	v0 =	vmul.f32 v48, v0;
	v60 =	vadd.bf16 v54, v56;
	v41 =	vmul.bf16 v52, v32  }
0x1ca: {  	v49 =	vld.idx.msk [tilespmem:v22+s2+$0x0], $0xffff;
	v24 =	vmul.f32 v24, v43;
	v3 =	vpack.i.f32.bf16 v38, v38;
	v30 =	vadd.f32 v30, v33  }
0x1cb: {  	v52 =	vld.idx.msk [tilespmem:v22+s18+$0x0], $0xffff;
	v33 =	vmul.bf16 v53, v34;
	v53 =	vadd.s32 $0x1, v22;
	v22 =	vadd.s32 $0xE9, v22  }
0x1cc: {  	v31 =	vadd.bf16 v39, v31;
	v39 =	vmul.bf16 v63, v44;
	v21 =	vadd.bf16 v41, v46  }
0x1cd: {  	v48 =	vld.idx.msk [tilespmem:v58+s2+$0x0], $0xffff;
	v63 =	vsub.f32 $1.000000000e+00, v27;
	v44 =	vmul.f32 v59, v23;
	v41 =	vadd.f32 $-2.250000000e+00, v62  }
0x1ce: {  	v57 =	vmul.f32 v42, v2;
	v0 =	vadd.f32 $0.0e+00, v0;
	v33 =	vadd.bf16 v33, v60  }
0x1cf: {  	v58 =	vld.idx.msk [tilespmem:v51+s18+$0x0], $0xffff;
	v30 =	vadd.f32 v45, v30;
	v26 =	vadd.bf16 v26, v31;
	v35 =	vmul.f32 v35, v43  }
0x1d0: {  	v31 =	vmul.bf16 v61, v34;
	v29 =	vadd.f32 v44, v29;
	v50 =	vmul.f32 $1.250000000e+00, v63  }
0x1d1: {  	v41 =	vmul.f32 v41, v27;
	v25 =	vmul.bf16 v49, v32;
	v39 =	vadd.bf16 v54, v39  }
0x1d2: {  	v0 =	vadd.f32 v24, v0;
	v34 =	vmul.bf16 v48, v28;
	v30 =	vmul.f32 v30, v38  }
0x1d3: {  	v55 =	vld.idx.msk [tilespmem:v51+s2+$0x0], $0xffff;
	v35 =	vadd.f32 v35, v40;
	v41 =	vmul.f32 v41, v27;
	v27 =	vsub.f32 $2.000000000e+00, v27  }
0x1d4: {  	v16 =	vmul.f32 v58, v23;
	v44 =	vadd.f32 $-2.250000000e+00, v50;
	v25 =	vadd.bf16 v25, v33  }
0x1d5: {  	v36 =	vmul.f32 v52, v23;
	v31 =	vadd.bf16 v31, v39;
	v29 =	vadd.f32 v57, v29;
	v59 =	vld.idx.msk [tilespmem:v53+s2+$0x0], $0xffff  }
0x1d6: {  	v3 =	vmul.bf16 v26, v3;
	v4 =	vld.idx.msk [tilespmem:v53+s18+$0x0], $0xffff;
	v21 =	vadd.bf16 v34, v21;
	v0 =	vadd.f32 v16, v0  }
0x1d7: {  	v17 =	vld.idx.msk [tilespmem:v22+s2+$0x0], $0xffff;
	v44 =	vmul.f32 v44, v63;
	v56 =	vmul.f32 $7.500000000e-01, v27;
	v61 =	vadd.f32 $1.000000000e+00, v41  }
0x1d8: {  	v26 =	vmul.bf16 v55, v32;
	v22 =	vld.idx.msk [tilespmem:v22+s18+$0x0], $0xffff;
	v14 =	vadd.f32 $0.0e+00, v30;
	v60 =	vadd.f32 v36, v35  }
0x1d9: {  	v7 =	vld [tilespmem:s3+$0x1C230];
	v37 =	vmul.f32 v44, v63;
	v33 =	vsub.f32 $3.750000000e+00, v56;
	v24 =	vmul.f32 v29, v61  }
0x1da: {  	v62 =	vpack.i.f32.bf16 v61, v61;
	v63 =	vmul.f32 v10, v11;
	v23 =	vmul.bf16 v59, v28  }
0x1db: {  	v10 =	vunpack.i.u.bf16.f32 v6;
	v18 =	vmul.bf16 v21, v62;
	v4 =	vmul.f32 v4, v2  }
0x1dc: {  	v11 =	vadd.bf16 v54, v3;
	v17 =	vmul.bf16 v17, v28;
	v33 =	vmul.f32 v33, v27  }
0x1dd: {  	v2 =	vmul.f32 v22, v2;
	v12 =	vadd.f32 $1.000000000e+00, v37;
	v21 =	vadd.bf16 v23, v25  }
0x1de: {  	v16 =	vmul.f32 v10, v7;
	v23 =	vadd.bf16 v26, v31;
	v33 =	vadd.f32 $-6.000000000e+00, v33  }
0x1df: {  	v4 =	vadd.f32 v4, v60;
	v10 =	vadd.bf16 v18, v11;
	v11 =	vpack.i.f32.bf16 v12, v12  }
0x1e0: {  	v14 =	vadd.f32 v24, v14;
	v13 =	vmul.bf16 v21, v11;
	v27 =	vmul.f32 v33, v27  }
0x1e1: {  	[tilespmem:s3+$0x1CEB0] =	vst.add.f32.msk $0xffff, v16;
	v11 =	vadd.bf16 v17, v23;
	v16 =	vmul.f32 v4, v12;
	v12 =	vadd.f32 v63, v1  }
0x1e2: {  	s9 =	sadd.s32 $0x80, s28;
	s7 =	simm.s32 $0x0;
	v15 =	vmul.f32 v8, v15;
	v5 =	vld [tilespmem:s3+$0x1C220];
	v17 =	vadd.f32 v2, v0;
	v8 =	vadd.f32 $3.000000000e+00, v27  }
.LBB2_11:
0x1e3: {  	_ = 	snop  }
0x1e4: {  	s14 =	sshra.s32 s9, $0x2;
	s5 =	sadd.s32 $0x20, s5;
	v6 =	vunpack.i.l.bf16.f32 v6;
	v3 =	vld [tilespmem:$0x1FF90];
	v0 =	vpack.i.f32.bf16 v8, v8;
	v1 =	vadd.bf16 v13, v10  }
0x1e5: {  	v10 =	vld [tilespmem:s14+$0x1B5B0];
	v0 =	vmul.bf16 v11, v0;
	v11 =	vadd.f32 v15, v12;
	v12 =	vor.u32 s5, v19  }
0x1e6: {  	v2 =	vadd.f32 v16, v14;
	v8 =	vmul.f32 v17, v8;
	s15 =	sadd.s32 $0xFFFFFFF0, s5;
	v13 =	vld [tilespmem:s14+$0x1A930];
	v12 =	vcvt.s32.f32 v12  }
0x1e7: {  	v14 =	vld [tilespmem:s14+$0x1A920];
	v4 =	vmul.f32 v9, v20;
	v9 =	vor.u32 s15, v19;
	v0 =	vadd.bf16 v0, v1  }
0x1e8: {  	v6 =	vmul.f32 v6, v7;
	v2 =	vadd.f32 v8, v2;
	v51 =	vcvt.s32.f32 v9;
	v9 =	vld [tilespmem:s14+$0x1B5A0]  }
0x1e9: {  	v8 =	vadd.f32 v4, v11;
	v11 =	vadd.f32 $4.000000000e+00, v12;
	v12 =	vunpack.i.u.bf16.f32 v0  }
0x1ea: {  	v4 =	vld [tilespmem:s14+$0x1C220];
	v0 =	vunpack.i.l.bf16.f32 v0;
	v10 =	vadd.f32 v10, v3;
	v1 =	vadd.f32 $4.000000000e+00, v51  }
0x1eb: {  	v52 =	vmul.f32 v2, v5;
	v0 =	vmul.f32 v0, v5;
	v11 =	vadd.f32 v13, v11  }
0x1ec: {  	v12 =	vmul.f32 v12, v5;
	v10 =	vmax.f32 v10, $2.000000000e+00;
	v1 =	vadd.f32 v14, v1  }
0x1ed: {  	v53 =	vadd.f32 v9, v3;
	v5 =	vmax.f32 v11, $2.000000000e+00;
	v9 =	vmin.f32 v10, $2.290000000e+02  }
0x1ee: {  	v1 =	vmax.f32 v1, $2.000000000e+00;
	v10 =	vmin.f32 v5, $2.290000000e+02;
	v11 =	vtrunc.f32 v9  }
0x1ef: {  	[tilespmem:s3+$0x1C890] =	vst.add.f32.msk $0xffff, v6;
	v3 =	vmovc v4;
	v4 =	vmin.f32 v1, $2.290000000e+02;
	v55 =	vtrunc.f32 v10;
	v6 =	vcvt.f32.s32 v11  }
0x1f0: {  	v56 =	vmax.f32 v53, $2.000000000e+00;
	v57 =	vtrunc.f32 v4;
	v1 =	vcvt.f32.s32 v55  }
0x1f1: {  	v22 =	vcvt.f32.s32 v57;
	v58 =	vcvt.s32.f32 v6;
	v6 =	vmul.u32 $0xE8, v6  }
0x1f2: {  	v7 =	vmul.f32 v8, v7;
	v21 =	vmin.f32 v56, $2.290000000e+02;
	v59 =	vcvt.s32.f32 v1  }
0x1f3: {  	v23 =	vcvt.s32.f32 v22;
	v2 =	vsub.f32 v9, v58;
	v18 =	vadd.s32 v1, v6  }
0x1f4: {  	[tilespmem:s3+$0x1C880] =	vst.add.f32.msk $0xffff, v0;
	v0 =	vsub.f32 v10, v59;
	v15 =	vadd.s32 $0x1, v18;
	v14 =	vadd.s32 $0xE9, v18  }
0x1f5: {  	v20 =	vadd.s32 $0xFFFFFF19, v18;
	v19 =	vadd.s32 $0xE7, v18;
	v16 =	vadd.s32 $0xE8, v18  }
0x1f6: {  	v26 =	vadd.s32 $0xFFFFFE31, v18;
	v32 =	vadd.s32 $0xFFFFFF18, v18;
	v24 =	vadd.s32 $0xFFFFFFFF, v18  }
0x1f7: {  	v31 =	vadd.s32 $0xFFFFFE30, v18;
	v6 =	vadd.s32 $0xFFFFFF17, v18;
	v28 =	vadd.s32 $0xE6, v18  }
0x1f8: {  	v29 =	vadd.s32 $0xFFFFFE2F, v18;
	v27 =	vadd.s32 $0xFFFFFF16, v18;
	v30 =	vadd.s32 $0xFFFFFFFE, v18  }
0x1f9: {  	[tilespmem:s3+$0x1D4D0] =	vst.add.f32.msk $0xffff, v7;
	v25 =	vadd.s32 $0xFFFFFE2E, v18;
	v60 =	vsub.f32 $1.000000000e+00, v2;
	v7 =	vsub.f32 $2.000000000e+00, v2  }
0x1fa: {  	[tilespmem:s3+$0x1D4C0] =	vst.add.f32.msk $0xffff, v52;
	v10 =	vadd.f32 $1.000000000e+00, v2;
	v8 =	vmul.f32 $1.250000000e+00, v2;
	v9 =	vsub.f32 $1.000000000e+00, v0  }
0x1fb: {  	[tilespmem:s3+$0x1CEA0] =	vst.add.f32.msk $0xffff, v12;
	v11 =	vadd.f32 $1.000000000e+00, v0;
	v13 =	vsub.f32 $2.000000000e+00, v0;
	v12 =	vmul.f32 $1.250000000e+00, v0  }
0x1fc: {  	v8 =	vadd.f32 $-2.250000000e+00, v8;
	v17 =	vmul.f32 $1.250000000e+00, v60;
	v33 =	vmul.f32 $7.500000000e-01, v7;
	v38 =	vld.idx.msk [tilespmem:v16+s2+$0x0], $0xffff  }
0x1fd: {  	v35 =	vmul.f32 $7.500000000e-01, v10;
	v34 =	vmul.f32 $7.500000000e-01, v11;
	v12 =	vadd.f32 $-2.250000000e+00, v12;
	v39 =	vld.idx.msk [tilespmem:v19+s2+$0x0], $0xffff  }
0x1fe: {  	v36 =	vmul.f32 $1.250000000e+00, v9;
	v8 =	vmul.f32 v8, v2;
	v17 =	vadd.f32 $-2.250000000e+00, v17;
	v62 =	vld.idx.msk [tilespmem:v32+s2+$0x0], $0xffff  }
0x1ff: {  	v37 =	vmul.f32 $7.500000000e-01, v13;
	v33 =	vsub.f32 $3.750000000e+00, v33;
	v40 =	vld.idx.msk [tilespmem:v24+s2+$0x0], $0xffff;
	v34 =	vsub.f32 $3.750000000e+00, v34  }
0x200: {  	v42 =	vld.idx.msk [tilespmem:v6+s2+$0x0], $0xffff;
	v12 =	vmul.f32 v12, v0;
	v61 =	vadd.f32 $-2.250000000e+00, v36;
	v2 =	vmul.f32 v8, v2  }
0x201: {  	v63 =	vld.idx.msk [tilespmem:v25+s2+$0x0], $0xffff;
	v37 =	vsub.f32 $3.750000000e+00, v37;
	v17 =	vmul.f32 v17, v60;
	v33 =	vmul.f32 v33, v7  }
0x202: {  	v35 =	vsub.f32 $3.750000000e+00, v35;
	v48 =	vld.idx.msk [tilespmem:v29+s2+$0x0], $0xffff;
	v8 =	vmul.f32 v34, v11;
	v0 =	vmul.f32 v12, v0  }
0x203: {  	[tilespmem:$0x1FF40] =	vst v3;
	v24 =	vld.idx.msk [tilespmem:v24+s18+$0x0], $0xffff;
	v34 =	vmul.f32 v61, v9;
	v37 =	vmul.f32 v37, v13;
	v3 =	vadd.f32 $1.000000000e+00, v2  }
0x204: {  	v50 =	vld.idx.msk [tilespmem:v27+s2+$0x0], $0xffff;
	v35 =	vmul.f32 v35, v10;
	v33 =	vadd.f32 $-6.000000000e+00, v33;
	v41 =	vadd.f32 $-6.000000000e+00, v8  }
0x205: {  	v53 =	vld.idx.msk [tilespmem:v31+s2+$0x0], $0xffff;
	v12 =	vadd.f32 $1.000000000e+00, v0;
	v49 =	vmul.f32 v34, v9;
	v9 =	vadd.f32 $-6.000000000e+00, v37  }
0x206: {  	v44 =	vld.idx.msk [tilespmem:v28+s2+$0x0], $0xffff;
	v1 =	vmul.f32 v17, v60;
	v35 =	vadd.f32 $-6.000000000e+00, v35;
	v33 =	vmul.f32 v33, v7  }
0x207: {  	v56 =	vld.idx.msk [tilespmem:v26+s2+$0x0], $0xffff;
	v11 =	vmul.f32 v41, v11;
	v51 =	vmul.f32 v9, v13;
	v52 =	vpack.i.f32.bf16 v12, v12  }
0x208: {  	v59 =	vld.idx.msk [tilespmem:v15+s2+$0x0], $0xffff;
	v9 =	vadd.f32 $1.000000000e+00, v1;
	v24 =	vmul.f32 v24, v12;
	v40 =	vmul.bf16 v40, v52  }
0x209: {  	v7 =	vld.idx.msk [tilespmem:v30+s2+$0x0], $0xffff;
	v39 =	vmul.bf16 v39, v52;
	v17 =	vadd.f32 $3.000000000e+00, v11;
	v11 =	vmul.f32 v35, v10  }
0x20a: {  	v26 =	vld.idx.msk [tilespmem:v26+s18+$0x0], $0xffff;
	v42 =	vmul.bf16 v42, v52;
	v10 =	vadd.f32 $1.000000000e+00, v49;
	v35 =	vmul.bf16 v48, v52  }
0x20b: {  	v8 =	vld.idx.msk [tilespmem:v20+s18+$0x0], $0xffff;
	v52 =	vpack.i.f32.bf16 v3, v3;
	v43 =	vpack.i.f32.bf16 v17, v17;
	v13 =	vadd.f32 $3.000000000e+00, v11  }
0x20c: {  	v15 =	vld.idx.msk [tilespmem:v15+s18+$0x0], $0xffff;
	v45 =	vpack.i.f32.bf16 v10, v10;
	v55 =	vmul.bf16 v63, v43;
	v34 =	vmul.bf16 v50, v43  }
0x20d: {  	v46 =	vld.idx.msk [tilespmem:v20+s2+$0x0], $0xffff;
	v11 =	vadd.f32 $3.000000000e+00, v51;
	v38 =	vmul.bf16 v38, v45;
	v58 =	vmul.bf16 v62, v45  }
0x20e: {  	v5 =	vld.idx.msk [tilespmem:v18+s18+$0x0], $0xffff;
	[tilespmem:$0x1FF60] =	vst v3;
	v3 =	vadd.f32 $3.000000000e+00, v33;
	v7 =	vmul.bf16 v7, v43;
	v60 =	vmul.bf16 v53, v45  }
0x20f: {  	v57 =	vld.idx.msk [tilespmem:v18+s2+$0x0], $0xffff;
	v43 =	vmul.bf16 v44, v43;
	v61 =	vpack.i.f32.bf16 v11, v11;
	v50 =	vpack.i.f32.bf16 v13, v13  }
0x210: {  	v26 =	vmul.f32 v26, v11;
	v8 =	vmul.f32 v8, v11;
	v1 =	vadd.bf16 v54, v55  }
0x211: {  	v62 =	vld.idx.msk [tilespmem:v14+s2+$0x0], $0xffff;
	v15 =	vmul.f32 v15, v11;
	v34 =	vadd.bf16 v54, v34;
	v47 =	vadd.bf16 v54, v7  }
0x212: {  	v2 =	vmul.bf16 v56, v61;
	v48 =	vadd.bf16 v54, v43;
	v49 =	vmul.bf16 v46, v61  }
0x213: {  	[tilespmem:$0x1FF50] =	vst v5;
	v36 =	vmul.bf16 v59, v61;
	v1 =	vadd.bf16 v35, v1;
	v34 =	vadd.bf16 v42, v34  }
0x214: {  	v63 =	vadd.bf16 v40, v47;
	v47 =	vmul.bf16 v57, v45;
	v39 =	vadd.bf16 v39, v48;
	v40 =	vld.idx.msk [tilespmem:v30+s18+$0x0], $0xffff  }
0x215: {  	v55 =	vpack.i.f32.bf16 v9, v9;
	v35 =	vld.idx.msk [tilespmem:v31+s18+$0x0], $0xffff;
	v1 =	vadd.bf16 v60, v1;
	v0 =	vadd.bf16 v58, v34  }
0x216: {  	v5 =	vld.idx.msk [tilespmem:v14+s18+$0x0], $0xffff;
	v37 =	vmul.bf16 v62, v61;
	v51 =	vadd.bf16 v47, v63;
	v53 =	vadd.bf16 v38, v39  }
0x217: {  	v58 =	vtrunc.f32 v21;
	v60 =	vpack.i.f32.bf16 v3, v3;
	v34 =	vld.idx.msk [tilespmem:v6+s18+$0x0], $0xffff;
	v1 =	vadd.bf16 v2, v1  }
0x218: {  	v39 =	vld.idx.msk [tilespmem:v29+s18+$0x0], $0xffff;
	v6 =	vimm.bf16 $0.0e+00;
	v0 =	vadd.bf16 v49, v0;
	v2 =	vadd.bf16 v36, v51  }
0x219: {  	v36 =	vsub.f32 v4, v23;
	v23 =	vld.idx.msk [tilespmem:v32+s18+$0x0], $0xffff;
	v32 =	vcvt.f32.s32 v58;
	v40 =	vmul.f32 v40, v17  }
0x21a: {  	v14 =	vld.idx.msk [tilespmem:v19+s18+$0x0], $0xffff;
	v57 =	vadd.bf16 v37, v53;
	v35 =	vmul.f32 v35, v10;
	v1 =	vmul.bf16 v1, v50  }
0x21b: {  	v0 =	vmul.bf16 v0, v52;
	v56 =	vmul.bf16 v2, v55;
	v59 =	vadd.f32 $1.000000000e+00, v36  }
0x21c: {  	v61 =	vmul.bf16 v57, v60;
	v62 =	vsub.f32 $1.000000000e+00, v36;
	v63 =	vsub.f32 $2.000000000e+00, v36  }
0x21d: {  	v46 =	vmul.u32 $0xE8, v32;
	v47 =	vmul.f32 $1.250000000e+00, v36;
	v48 =	vcvt.s32.f32 v32  }
0x21e: {  	v39 =	vmul.f32 v39, v12;
	v34 =	vmul.f32 v34, v12;
	v40 =	vadd.f32 $0.0e+00, v40  }
0x21f: {  	v12 =	vmul.f32 v14, v12;
	v1 =	vadd.bf16 v54, v1;
	v45 =	vmul.f32 $7.500000000e-01, v59  }
0x220: {  	v50 =	vmul.f32 $1.250000000e+00, v62;
	v33 =	vadd.s32 v22, v46;
	v22 =	vadd.f32 $-2.250000000e+00, v47  }
0x221: {  	v30 =	vsub.f32 v21, v48;
	v54 =	vmul.f32 $7.500000000e-01, v63;
	v53 =	vadd.s32 $0xFFFFFE2E, v33  }
0x222: {  	v16 =	vld.idx.msk [tilespmem:v16+s18+$0x0], $0xffff;
	v57 =	vadd.s32 $0xFFFFFF16, v33;
	v44 =	vadd.s32 $0xFFFFFF17, v33;
	v47 =	vadd.s32 $0xFFFFFFFE, v33  }
0x223: {  	v28 =	vld.idx.msk [tilespmem:v28+s18+$0x0], $0xffff;
	v18 =	vadd.s32 $0x1, v33;
	v20 =	vadd.s32 $0xE8, v33;
	v24 =	vadd.f32 v24, v40  }
0x224: {  	v25 =	vld.idx.msk [tilespmem:v25+s18+$0x0], $0xffff;
	v23 =	vmul.f32 v23, v10;
	v0 =	vadd.bf16 v0, v1;
	v49 =	vsub.f32 $3.750000000e+00, v45  }
0x225: {  	s3 =	smov.u32 s14;
	v1 =	vld.idx.msk [tilespmem:v27+s18+$0x0], $0xffff;
	v22 =	vmul.f32 v22, v36;
	v55 =	vadd.f32 $-2.250000000e+00, v50;
	v42 =	vadd.f32 $1.000000000e+00, v30  }
0x226: {  	v7 =	vld [tilespmem:s3+$0x1C230];
	v32 =	vsub.f32 $1.000000000e+00, v30;
	v0 =	vadd.bf16 v56, v0;
	v52 =	vmul.f32 v49, v59  }
0x227: {  	v56 =	vadd.s32 $0xFFFFFE2F, v33;
	v22 =	vmul.f32 v22, v36;
	v36 =	vadd.s32 $0xFFFFFE30, v33;
	v31 =	vld.idx.msk [tilespmem:v33+s2+$0x0], $0xffff  }
0x228: {  	[tilespmem:$0x1FF70] =	vst v5;
	v58 =	vmul.f32 v55, v62;
	v49 =	vadd.s32 $0xFFFFFE31, v33;
	v5 =	vadd.bf16 v61, v0;
	v60 =	vld.idx.msk [tilespmem:v53+s2+$0x0], $0xffff  }
0x229: {  	v55 =	vmul.f32 $1.250000000e+00, v30;
	v0 =	vadd.f32 $-6.000000000e+00, v52;
	v29 =	vadd.f32 $1.000000000e+00, v22;
	v61 =	vld.idx.msk [tilespmem:v53+s18+$0x0], $0xffff  }
0x22a: {  	v2 =	vmul.f32 v58, v62;
	v50 =	vld.idx.msk [tilespmem:v57+s2+$0x0], $0xffff;
	v52 =	vadd.s32 $0xFFFFFFFF, v33;
	v1 =	vmul.f32 v1, v17  }
0x22b: {  	v43 =	vld.idx.msk [tilespmem:v57+s18+$0x0], $0xffff;
	v51 =	vunpack.i.u.bf16.f32 v5;
	v0 =	vmul.f32 v0, v59;
	v59 =	vmul.f32 $7.500000000e-01, v42  }
0x22c: {  	v53 =	vadd.s32 $0xE6, v33;
	v57 =	vld.idx.msk [tilespmem:v44+s2+$0x0], $0xffff;
	v58 =	vadd.s32 $0xFFFFFF19, v33;
	v21 =	vmul.f32 v51, v7  }
0x22d: {  	v27 =	vld.idx.msk [tilespmem:v33+s18+$0x0], $0xffff;
	v51 =	vadd.s32 $0xFFFFFF18, v33;
	v1 =	vadd.f32 $0.0e+00, v1;
	v62 =	vsub.f32 $3.750000000e+00, v59  }
0x22e: {  	v48 =	vld.idx.msk [tilespmem:v56+s2+$0x0], $0xffff;
	v0 =	vadd.f32 $3.000000000e+00, v0;
	v59 =	vadd.s32 $0xE7, v33;
	v33 =	vadd.s32 $0xE9, v33  }
0x22f: {  	[tilespmem:s3+$0x1CEB0] =	vst.add.f32.msk $0xffff, v21;
	v21 =	vsub.f32 $3.750000000e+00, v54;
	v54 =	vpack.i.f32.bf16 v29, v29;
	v41 =	vmul.f32 v62, v42  }
0x230: {  	v4 =	vld.idx.msk [tilespmem:v52+s2+$0x0], $0xffff;
	v1 =	vadd.f32 v34, v1;
	v37 =	vmul.f32 v0, v61;
	v43 =	vmul.f32 v43, v0  }
0x231: {  	v19 =	vld.idx.msk [tilespmem:v53+s2+$0x0], $0xffff;
	v45 =	vpack.i.f32.bf16 v0, v0;
	v57 =	vmul.bf16 v57, v54;
	v21 =	vmul.f32 v21, v63  }
0x232: {  	v38 =	vld.idx.msk [tilespmem:v56+s18+$0x0], $0xffff;
	v46 =	vmul.bf16 v60, v45;
	v1 =	vadd.f32 v23, v1;
	v37 =	vadd.f32 $0.0e+00, v37  }
0x233: {  	v62 =	vld.idx.msk [tilespmem:v36+s18+$0x0], $0xffff;
	v50 =	vmul.bf16 v50, v45;
	v41 =	vadd.f32 $-6.000000000e+00, v41;
	v43 =	vadd.f32 $0.0e+00, v43  }
0x234: {  	v56 =	vld.idx.msk [tilespmem:v36+s2+$0x0], $0xffff;
	v48 =	vmul.bf16 v48, v54;
	v22 =	vadd.f32 $-6.000000000e+00, v21;
	v21 =	vadd.f32 $1.000000000e+00, v2  }
0x235: {  	v60 =	vld.idx.msk [tilespmem:v47+s2+$0x0], $0xffff;
	v46 =	vadd.bf16 v6, v46;
	v50 =	vadd.bf16 v6, v50;
	v41 =	vmul.f32 v41, v42  }
0x236: {  	v1 =	vadd.f32 v8, v1;
	v19 =	vmul.bf16 v19, v45;
	v4 =	vmul.bf16 v4, v54  }
0x237: {  	[tilespmem:$0x1FF80] =	vst v3;
	v3 =	vld.idx.msk [tilespmem:v49+s2+$0x0], $0xffff;
	v2 =	vmul.f32 v22, v63;
	v22 =	vmul.f32 v17, v25;
	v25 =	vsub.f32 $2.000000000e+00, v30  }
0x238: {  	v49 =	vld.idx.msk [tilespmem:v49+s18+$0x0], $0xffff;
	v36 =	vpack.i.f32.bf16 v21, v21;
	v62 =	vmul.f32 v62, v21;
	v17 =	vmul.f32 v28, v17  }
0x239: {  	v52 =	vld.idx.msk [tilespmem:v52+s18+$0x0], $0xffff;
	v46 =	vadd.bf16 v48, v46;
	v27 =	vmul.f32 v27, v21;
	v48 =	vmul.bf16 v56, v36  }
0x23a: {  	v56 =	vld.idx.msk [tilespmem:v51+s2+$0x0], $0xffff;
	v60 =	vmul.bf16 v60, v45;
	v41 =	vadd.f32 $3.000000000e+00, v41;
	v19 =	vadd.bf16 v6, v19  }
0x23b: {  	v61 =	vadd.f32 $0.0e+00, v22;
	v22 =	vadd.f32 $3.000000000e+00, v2;
	v2 =	vmul.f32 v38, v29;
	v38 =	vld.idx.msk [tilespmem:v44+s18+$0x0], $0xffff  }
0x23c: {  	v31 =	vmul.bf16 v31, v36;
	v44 =	vld.idx.msk [tilespmem:v47+s18+$0x0], $0xffff;
	v47 =	vadd.f32 $-2.250000000e+00, v55;
	v17 =	vadd.f32 $0.0e+00, v17  }
0x23d: {  	v63 =	vmul.f32 $7.500000000e-01, v25;
	v42 =	vadd.bf16 v48, v46;
	v46 =	vld.idx.msk [tilespmem:v53+s18+$0x0], $0xffff;
	v53 =	vadd.bf16 v6, v60  }
0x23e: {  	v45 =	vld.idx.msk [tilespmem:v59+s2+$0x0], $0xffff;
	v55 =	vmul.f32 $1.250000000e+00, v32;
	v2 =	vadd.f32 v2, v37;
	v39 =	vadd.f32 v39, v61  }
0x23f: {  	v37 =	vpack.i.f32.bf16 v22, v22;
	v61 =	vsub.f32 $3.750000000e+00, v63;
	v63 =	vadd.bf16 v57, v50;
	v50 =	vld.idx.msk [tilespmem:v58+s2+$0x0], $0xffff  }
0x240: {  	v55 =	vadd.f32 $-2.250000000e+00, v55;
	v47 =	vmul.f32 v47, v30;
	v57 =	vld.idx.msk [tilespmem:v58+s18+$0x0], $0xffff;
	v49 =	vmul.f32 v49, v22  }
0x241: {  	v58 =	vld.idx.msk [tilespmem:v59+s18+$0x0], $0xffff;
	v59 =	vmul.f32 v52, v29;
	v12 =	vadd.f32 v12, v17;
	v3 =	vmul.bf16 v3, v37  }
0x242: {  	v4 =	vadd.bf16 v4, v53;
	v56 =	vmul.bf16 v56, v36;
	v2 =	vadd.f32 v62, v2  }
0x243: {  	v35 =	vadd.f32 v35, v39;
	v30 =	vmul.f32 v47, v30;
	v62 =	vmul.f32 v55, v32  }
0x244: {  	v51 =	vld.idx.msk [tilespmem:v51+s18+$0x0], $0xffff;
	v45 =	vmul.bf16 v45, v54;
	v54 =	vimm.bf16 $0.0e+00;
	v55 =	vpack.i.f32.bf16 v41, v41  }
0x245: {  	v44 =	vmul.f32 v44, v0;
	v38 =	vmul.f32 v38, v29;
	v3 =	vadd.bf16 v3, v42  }
0x246: {  	v4 =	vadd.bf16 v31, v4;
	v0 =	vmul.f32 v46, v0;
	v60 =	vadd.bf16 v56, v63  }
0x247: {  	v63 =	vmul.f32 v61, v25;
	v2 =	vadd.f32 v49, v2;
	v26 =	vadd.f32 v26, v35  }
0x248: {  	v39 =	vld.idx.msk [tilespmem:v18+s2+$0x0], $0xffff;
	v30 =	vadd.f32 $1.000000000e+00, v30;
	v14 =	vmul.f32 v62, v32;
	v19 =	vadd.bf16 v45, v19  }
0x249: {  	v18 =	vld.idx.msk [tilespmem:v18+s18+$0x0], $0xffff;
	v34 =	vadd.f32 $0.0e+00, v44;
	v44 =	vmul.f32 v51, v21;
	v50 =	vmul.bf16 v50, v37  }
0x24a: {  	v56 =	vld [tilespmem:$0x1FF50];
	v38 =	vadd.f32 v38, v43;
	v23 =	vmul.f32 v57, v22;
	v29 =	vmul.f32 v58, v29  }
0x24b: {  	v43 =	vld.idx.msk [tilespmem:v20+s2+$0x0], $0xffff;
	v3 =	vmul.bf16 v3, v55;
	v0 =	vadd.f32 $0.0e+00, v0;
	v57 =	vadd.f32 $-6.000000000e+00, v63  }
0x24c: {  	v20 =	vld.idx.msk [tilespmem:v20+s18+$0x0], $0xffff;
	v2 =	vmul.f32 v2, v41;
	v17 =	vadd.f32 $1.000000000e+00, v14;
	v38 =	vadd.f32 v44, v38  }
0x24d: {  	v13 =	vmul.f32 v26, v13;
	v28 =	vadd.f32 v59, v34;
	v59 =	vadd.bf16 v50, v60  }
0x24e: {  	v60 =	vmul.bf16 v39, v37;
	v8 =	vmul.f32 v18, v22;
	v3 =	vadd.bf16 v54, v3  }
0x24f: {  	v46 =	vld.idx.msk [tilespmem:v33+s2+$0x0], $0xffff;
	v0 =	vadd.f32 v29, v0;
	v14 =	vmul.f32 v57, v25;
	v2 =	vadd.f32 $0.0e+00, v2  }
0x250: {  	v62 =	vadd.f32 $0.0e+00, v13;
	v34 =	vmul.f32 v56, v10;
	v27 =	vadd.f32 v27, v28  }
0x251: {  	v33 =	vld.idx.msk [tilespmem:v33+s18+$0x0], $0xffff;
	v23 =	vadd.f32 v23, v38;
	v10 =	vmul.f32 v16, v10;
	v20 =	vmul.f32 v20, v21  }
0x252: {  	v16 =	vpack.i.f32.bf16 v30, v30;
	v18 =	vadd.f32 v34, v24;
	v63 =	vadd.f32 v8, v27;
	v8 =	vld [tilespmem:$0x1FF60]  }
0x253: {  	v61 =	vmul.bf16 v43, v36;
	v0 =	vadd.f32 v20, v0;
	v20 =	vadd.f32 v10, v12;
	v10 =	vld [tilespmem:$0x1FF70]  }
0x254: {  	s7 =	sadd.s32 $0x2, s7;
	v4 =	vadd.bf16 v60, v4;
	v16 =	vmul.bf16 v59, v16;
	v21 =	vmul.bf16 v46, v37  }
0x255: {  	p0 =	slt.u32 s7, $0xC;
	v23 =	vmul.f32 v23, v30;
	v12 =	vpack.i.f32.bf16 v17, v17;
	v15 =	vadd.f32 v15, v18  }
.Ltmp10:
0x256: {  	v19 =	vadd.bf16 v61, v19;
	v18 =	vmul.f32 v33, v22;
	v13 =	vmul.bf16 v4, v12;
	(pc) =	sbr.rel @p0 .LBB2_11-.Ltmp10, $4  }
0x257: {  	v15 =	vmul.f32 v15, v9;
	v1 =	vmul.f32 v1, v8;
	v8 =	vadd.f32 $3.000000000e+00, v14  }
0x258: {  	v14 =	vadd.f32 v23, v2;
	v22 =	vmul.f32 v10, v11;
	v10 =	vadd.bf16 v16, v3  }
0x259: {  	v6 =	vmovc v5;
	v5 =	vld [tilespmem:$0x1FF40];
	v11 =	vadd.bf16 v21, v19;
	v16 =	vmul.f32 v63, v17;
	v17 =	vadd.f32 v18, v0  }
0x25a: {  	s9 =	sadd.s32 $0x80, s9;
	v19 =	vlaneseq.u32;
	v12 =	vadd.f32 v1, v62;
	v9 =	vadd.f32 v22, v20;
	v20 =	vld [tilespmem:$0x1FF80]  }
0x25b: {  	v0 =	vpack.i.f32.bf16 v8, v8;
	v1 =	vadd.bf16 v13, v10  }
0x25c: {  	v59 =	vadd.f32 v16, v14;
	v2 =	vmul.f32 v17, v8;
	v0 =	vmul.bf16 v11, v0;
	_ =	sdelay $0x1  }
0x25d: {  	v6 =	vunpack.i.l.bf16.f32 v6;
	v0 =	vadd.bf16 v0, v1;
	v1 =	vadd.f32 v2, v59  }
0x25e: {  	s31 =	sadd.s32 $0x1, s31;
	v3 =	vadd.f32 v15, v12;
	v62 =	vmul.f32 v6, v7;
	v60 =	vmul.f32 v9, v20  }
0x25f: {  	p0 =	sne.s32 s31, $0x7;
	v4 =	vunpack.i.l.bf16.f32 v0;
	v1 =	vmul.f32 v1, v5  }
.Ltmp11:
0x260: {  	[tilespmem:s3+$0x1C890] =	vst.add.f32.msk $0xffff, v62;
	v0 =	vunpack.i.u.bf16.f32 v0;
	v4 =	vmul.f32 v4, v5;
	v61 =	vadd.f32 v60, v3;
	(pc) =	sbr.rel @p0 .LBB2_10-.Ltmp11, $4  }
.Ltmp12:
0x261: {  	v0 =	vmul.f32 v0, v5;
	[tilespmem:s3+$0x1D4C0] =	vst.add.f32.msk $0xffff, v1;
	(pc) =	sbr.rel @!p0 .LBB2_13-.Ltmp12, $4  }
0x262: {  	[tilespmem:s3+$0x1C880] =	vst.add.f32.msk $0xffff, v4;
	v63 =	vmul.f32 v61, v7  }
0x263: {  	[tilespmem:s3+$0x1CEA0] =	vst.add.f32.msk $0xffff, v0  }
0x264: {  	s28 =	sadd.s32 $0x380, s28;
	[tilespmem:s3+$0x1D4D0] =	vst.add.f32.msk $0xffff, v63  }
0x265: {  	_ = 	snop  }
.LBB2_16:
0x266: {  	_ =	sfence.sel $0x180000  }
0x267: {  	[bflag:$0x0] =	sbarrier.arrive $0xFFFF  }
0x268: {  	_ =	strace $0x90000047  }
0x269: {  	s0 =	stileid.u32;
	[bflag:$0x2] =	sbarrier.arrive $0xFFFF  }
0x26a: {  	p0 =	sne.s32 s0, $0x0;
	s0 =	rddreg [dreg:$0x2]  }
0x26b: {  	s0 =	sadd.s32 @!p0 $0x100000, s0  }
0x26c: {  	[sflag:s0] =	ssyncadd.tile.s32 @!p0 $0x1;
	_ =	shalt  }
.Lfunc_end2:
_tile_overlayer_lowered:
.L_overlay_start_2:
0x26d: {  	(tag) =	ssettag $0x2  }
0x26e: {  	s0 =	rddreg [dreg:$0x0];
	s2 =	stileid.u32  }
0x26f: {  	s1 =	rddreg [dreg:$0x1];
	p0 =	sne.s32 s2, $0x0  }
0x270: {  	s3 =	rddreg [dreg:$0x2];
	[bflag:$0x3] =	sbarrier.arrive $0xFFFF;
	s2 =	simm.s32 @!p0 $0x1C03  }
0x271: {  	[timem:s3], [sflag:s2] =	dma.local @!p0 [hbm:s0], s1  }
0x272: {  	s0 =	simm.s32 @!p0 $0x3  }
0x273: {  	_ =	swait.ge @!p0 [sflag:s0], s1  }
0x274: {  	s1 =	ssub.s32 @!p0 $0x0, s1;
	[sflag:s0] =	ssyncset.done @!p0 $0x0  }
0x275: {  	[sflag:s0] =	ssyncadd.s32 @!p0 s1  }
0x276: {  	[bflag:$0x3] =	sbarrier.arrive $0xFFFF  }
0x277: {  	_ =	shalt  }

</sc_bundles>
